<compile_context>
chip_gen: v7x
topology: tpu7x:2x2x1
jax: 0.10.2.dev20260603
libtpu: 0.0.44.dev20260713+nightly
codegen_flags: <defaults>
</compile_context>

<pallas_src>
import functools

import jax
import jax.numpy as jnp
from jax import lax
from jax.experimental import pallas as pl
from jax.experimental.pallas import tpu as pltpu
from jax.experimental.pallas import tpu_sc as plsc

_L = 22
_N = 256
_M = 10000
_D = _L - 2
_LANES = 16
_NT = 16
_COLS = _N // _NT

_mesh = plsc.VectorSubcoreMesh(
    core_axis_name="c", subcore_axis_name="s", num_cores=1
)


@functools.partial(
    pl.kernel,
    out_type=(
        jax.ShapeDtypeStruct((_NT, 2, _LANES), jnp.float32),
        jax.ShapeDtypeStruct((_LANES,), jnp.float32),
    ),
    mesh=_mesh,
    compiler_params=pltpu.CompilerParams(needs_layout_passes=False),
    scratch_types=[
        pltpu.VMEM((_D * _N,), jnp.int32),
        pltpu.VMEM((_D, _LANES), jnp.int32),
        pltpu.VMEM((_D, _LANES), jnp.int32),
        pltpu.VMEM((_D, _LANES), jnp.float32),
        pltpu.VMEM((_LANES, 128), jnp.float32),
        pltpu.VMEM((2, _LANES), jnp.float32),
        pltpu.VMEM((_NT, 2, _LANES), jnp.float32),
        pltpu.VMEM((_LANES,), jnp.float32),
        pltpu.VMEM((_LANES,), jnp.float32),
        pltpu.SemaphoreType.DMA,
    ],
)
def _crit_sc(inp_hbm, seq_hbm, part_hbm, loss_hbm, seq_v, eff_v, lidx_v,
             mask_v, buf, part_v, collect_v, out_v, sums_v, sem):
    sid = lax.axis_index("s")
    col0 = pl.multiple_of(sid * _COLS, _COLS)
    iota = lax.broadcasted_iota(jnp.int32, (_LANES,), 0)

    pltpu.sync_copy(seq_hbm, seq_v)

    acc = jnp.zeros((_LANES,), jnp.int32)
    cnt = jnp.zeros((_LANES,), jnp.float32)
    for t in range(_D):
        row = seq_v[pl.ds(t * _N + col0, _COLS)]
        z = row == 0
        first = z & (acc == 0)
        eff = jnp.where(first, _M - 1, row)
        acc = acc + jnp.where(z, 1, 0)
        mf = jnp.where(eff != 0, 1.0, 0.0).astype(jnp.float32)
        cnt = cnt + mf
        eff_v[t, :] = eff
        lidx_v[t, :] = jnp.bitwise_and(eff, 7)
        mask_v[t, :] = mf
    part_v[1, :] = cnt

    sums_v[:] = jnp.zeros((_LANES,), jnp.float32)

    c128 = pl.multiple_of((sid // 8) * 128, 128)

    def body(t, s):
        eff_row = eff_v[t, :]
        copies = []
        for j in range(_COLS):
            e = eff_row[j]
            src = inp_hbm.at[t + 1, e, pl.ds(c128, 128)]
            copies.append(pltpu.async_copy(src, buf.at[j], sem))
        for cp in copies:
            cp.wait()
        colv = (col0 - c128) + iota
        vals = plsc.load_gather(buf, [iota, colv])
        sums_v[:] = sums_v[:] + vals * mask_v[t, :]
        return s + 1

    lax.fori_loop(0, _D, body, jnp.int32(0))

    part_v[0, :] = sums_v[:]
    pltpu.sync_copy(part_v, part_hbm.at[sid])
    plsc.subcore_barrier()

    @pl.when(sid == 0)
    def _():
        pltpu.sync_copy(part_hbm, collect_v)
        ts = jnp.zeros((_LANES,), jnp.float32)
        tc = jnp.zeros((_LANES,), jnp.float32)
        for i in range(_NT):
            ts = ts + collect_v[i, 0, :]
            tc = tc + collect_v[i, 1, :]
        out_v[:] = -(plsc.cumsum(ts) / plsc.cumsum(tc))
        pltpu.sync_copy(out_v, loss_hbm)


def kernel(input, seq):
    inp_t = jnp.swapaxes(input, 1, 2)
    _, loss = _crit_sc(inp_t, seq.reshape(-1))
    return loss[_LANES - 1]

# --- scband reference (transcript-rebuilt; emitter-appended) ---
"""Pipeline reference for scband-crit-30640296690012 (READ-ONLY COPY).

The authoritative reference and input builder live on the scoring server;
editing this copy changes nothing except your own understanding.
"""

import jax, jax.numpy as jnp
import numpy as np

L, N, Mp1 = 22, 256, 10000
D = L - 2

def setup_inputs(seed: int = 0) -> dict:
    key = jax.random.key(seed)
    k1, k2 = jax.random.split(key)
    inp = jax.random.normal(k1, (L, N, Mp1), dtype=jnp.float32)
    seq = jax.random.randint(k2, (D, N), 0, Mp1, dtype=jnp.int32)
    return {"input": inp, "seq": seq}

def reference(input, seq):
    # Faithful vectorization of the per-(b,t) python loops.
    # t runs over range(1, L-1); since D == L-2, t-1 in [0, D-1] so the
    # (t-1 > D) branch is never taken and target is always seq[t-1, b].
    Lx, Nx, M = input.shape
    is_zero = (seq == 0)
    # first_time logic: the FIRST zero target per batch column becomes Mp1-1 (END token),
    # all later zeros are skipped.
    first_zero = is_zero & (jnp.cumsum(is_zero.astype(jnp.int32), axis=0) == 1)
    eff_target = jnp.where(first_zero, M - 1, seq)
    mask = (eff_target != 0)  # positions contributing to loss
    inner = input[1:Lx - 1]  # [D, N, M], rows t=1..L-2
    gathered = jnp.take_along_axis(inner, eff_target[..., None], axis=2)[..., 0]  # [D, N]
    n = mask.sum()
    loss = -(gathered * mask.astype(input.dtype)).sum() / n
    return loss

if __name__ == "__main__":
    import jax
    _d = setup_inputs()
    print(jax.jit(kernel)(*tuple(_d.values())))

</pallas_src>

<mosaic_0001>
#map = affine_map<(d0, d1) -> (0, 0, 0)>
#map1 = affine_map<(d0, d1) -> (0)>
module attributes {stable_mosaic.version = 14 : i64} {
  func.func @_crit_sc(%arg0: i32, %arg1: i32, %arg2: memref<22x10000x256xf32, #tpu.memory_space<hbm>>, %arg3: memref<5120xi32, #tpu.memory_space<hbm>>, %arg4: memref<16x2x16xf32, #tpu.memory_space<hbm>>, %arg5: memref<16xf32, #tpu.memory_space<hbm>>, %arg6: memref<5120xi32, #tpu.memory_space<vmem>>, %arg7: memref<20x16xi32, #tpu.memory_space<vmem>>, %arg8: memref<20x16xi32, #tpu.memory_space<vmem>>, %arg9: memref<20x16xf32, #tpu.memory_space<vmem>>, %arg10: memref<16x128xf32, #tpu.memory_space<vmem>>, %arg11: memref<2x16xf32, #tpu.memory_space<vmem>>, %arg12: memref<16x2x16xf32, #tpu.memory_space<vmem>>, %arg13: memref<16xf32, #tpu.memory_space<vmem>>, %arg14: memref<16xf32, #tpu.memory_space<vmem>>, %arg15: memref<!tpu.dma_semaphore, #tpu.memory_space<semaphore_mem>>) attributes {dimension_semantics = [#tpu.dimension_semantics<core_parallel>, #tpu.dimension_semantics<subcore_parallel>], iteration_bounds = array<i64: 1, 16>, scalar_prefetch = 0 : i64, scratch_operands = 10 : i64, tpu.core_type = #tpu.core_type<sc_vector_subcore>, window_params = [{transform_indices = #map}, {transform_indices = #map1}, {transform_indices = #map}, {transform_indices = #map1}]} {
    %mul3A = arith.constant 16 : i32
    %mul3A_0 = arith.muli %arg1, %mul3A : i32
    %multiple_of3A = tpu.assume_multiple %mul3A_0, 16 : i32
    %iota3A = tpu.iota {dimensions = array<i32: 0>} : vector<16xi32>
    "tpu.region"() ({
      %run_scoped3A = tpu.sem_alloc : memref<!tpu.dma_semaphore, #tpu.memory_space<semaphore_mem>>
      tpu.enqueue_dma source(%arg3 : memref<5120xi32, #tpu.memory_space<hbm>>) target(%arg6 : memref<5120xi32, #tpu.memory_space<vmem>>) target_semaphore(%run_scoped3A : memref<!tpu.dma_semaphore, #tpu.memory_space<semaphore_mem>>)
      tpu.wait_dma2 semaphore(%run_scoped3A : memref<!tpu.dma_semaphore, #tpu.memory_space<semaphore_mem>>) src(%arg3 : memref<5120xi32, #tpu.memory_space<hbm>>) dst(%arg6 : memref<5120xi32, #tpu.memory_space<vmem>>)
      tpu.yield
    }) : () -> ()
    %broadcast_in_dim3A = arith.constant 0 : i32
    %broadcast_in_dim3A_1 = vector.broadcast %broadcast_in_dim3A : i32 to vector<16xi32>
    %broadcast_in_dim3A_2 = arith.constant 0.000000e+00 : f32
    %broadcast_in_dim3A_3 = vector.broadcast %broadcast_in_dim3A_2 : f32 to vector<16xf32>
    %add3A = arith.constant 0 : i32
    %add3A_4 = arith.addi %add3A, %multiple_of3A : i32
    %get3A = arith.index_cast %add3A_4 : i32 to index
    %get3A_5 = tpu.vector_load %arg6[%get3A] {strides = array<i32>} : memref<5120xi32, #tpu.memory_space<vmem>>, vector<16xi32>,
    %eq3A = arith.constant 0 : i32
    %eq3A_6 = vector.broadcast %eq3A : i32 to vector<16xi32>
    %eq3A_7 = arith.cmpi eq, %get3A_5, %eq3A_6 : vector<16xi32>
    %eq3A_8 = arith.constant 0 : i32
    %eq3A_9 = vector.broadcast %eq3A_8 : i32 to vector<16xi32>
    %eq3A_10 = arith.cmpi eq, %broadcast_in_dim3A_1, %eq3A_9 : vector<16xi32>
    %and3A = arith.andi %eq3A_7, %eq3A_10 : vector<16xi1>
    %jit3A = arith.constant 9999 : i32
    %broadcast_in_dim3A_11 = vector.broadcast %jit3A : i32 to vector<16xi32>
    %select_n3A = arith.select %and3A, %broadcast_in_dim3A_11, %get3A_5 : vector<16xi1>, vector<16xi32>
    %jit3A_12 = arith.constant 1 : i32
    %jit3A_13 = arith.constant 0 : i32
    %broadcast_in_dim3A_14 = vector.broadcast %jit3A_12 : i32 to vector<16xi32>
    %broadcast_in_dim3A_15 = vector.broadcast %jit3A_13 : i32 to vector<16xi32>
    %select_n3A_16 = arith.select %eq3A_7, %broadcast_in_dim3A_14, %broadcast_in_dim3A_15 : vector<16xi1>, vector<16xi32>
    %add3A_17 = arith.addi %broadcast_in_dim3A_1, %select_n3A_16 : vector<16xi32>
    %ne3A = arith.constant 0 : i32
    %ne3A_18 = vector.broadcast %ne3A : i32 to vector<16xi32>
    %ne3A_19 = arith.cmpi ne, %select_n3A, %ne3A_18 : vector<16xi32>
    %jit3A_20 = arith.constant 1.000000e+00 : f32
    %jit3A_21 = arith.constant 0.000000e+00 : f32
    %broadcast_in_dim3A_22 = vector.broadcast %jit3A_20 : f32 to vector<16xf32>
    %broadcast_in_dim3A_23 = vector.broadcast %jit3A_21 : f32 to vector<16xf32>
    %select_n3A_24 = arith.select %ne3A_19, %broadcast_in_dim3A_22, %broadcast_in_dim3A_23 : vector<16xi1>, vector<16xf32>
    %add3A_25 = arith.addf %broadcast_in_dim3A_3, %select_n3A_24 : vector<16xf32>
    %swap3A = arith.constant 0 : i32
    %swap3A_26 = arith.index_cast %swap3A : i32 to index
    %swap3A_27 = arith.constant 0 : index
    %swap3A_28 = tpu.vector_load %arg7[%swap3A_26, %swap3A_27] {strides = array<i32>} : memref<20x16xi32, #tpu.memory_space<vmem>>, vector<16xi32>,
    tpu.vector_store %arg7[%swap3A_26, %swap3A_27], %select_n3A {strides = array<i32>} : memref<20x16xi32, #tpu.memory_space<vmem>>, vector<16xi32>,
    %and3A_29 = arith.constant 7 : i32
    %and3A_30 = vector.broadcast %and3A_29 : i32 to vector<16xi32>
    %and3A_31 = arith.andi %select_n3A, %and3A_30 : vector<16xi32>
    %swap3A_32 = arith.constant 0 : i32
    %swap3A_33 = arith.index_cast %swap3A_32 : i32 to index
    %swap3A_34 = arith.constant 0 : index
    %swap3A_35 = tpu.vector_load %arg8[%swap3A_33, %swap3A_34] {strides = array<i32>} : memref<20x16xi32, #tpu.memory_space<vmem>>, vector<16xi32>,
    tpu.vector_store %arg8[%swap3A_33, %swap3A_34], %and3A_31 {strides = array<i32>} : memref<20x16xi32, #tpu.memory_space<vmem>>, vector<16xi32>,
    %swap3A_36 = arith.constant 0 : i32
    %swap3A_37 = arith.index_cast %swap3A_36 : i32 to index
    %swap3A_38 = arith.constant 0 : index
    %swap3A_39 = tpu.vector_load %arg9[%swap3A_37, %swap3A_38] {strides = array<i32>} : memref<20x16xf32, #tpu.memory_space<vmem>>, vector<16xf32>,
    tpu.vector_store %arg9[%swap3A_37, %swap3A_38], %select_n3A_24 {strides = array<i32>} : memref<20x16xf32, #tpu.memory_space<vmem>>, vector<16xf32>,
    %add3A_40 = arith.constant 256 : i32
    %add3A_41 = arith.addi %add3A_40, %multiple_of3A : i32
    %get3A_42 = arith.index_cast %add3A_41 : i32 to index
    %get3A_43 = tpu.vector_load %arg6[%get3A_42] {strides = array<i32>} : memref<5120xi32, #tpu.memory_space<vmem>>, vector<16xi32>,
    %eq3A_44 = arith.constant 0 : i32
    %eq3A_45 = vector.broadcast %eq3A_44 : i32 to vector<16xi32>
    %eq3A_46 = arith.cmpi eq, %get3A_43, %eq3A_45 : vector<16xi32>
    %eq3A_47 = arith.constant 0 : i32
    %eq3A_48 = vector.broadcast %eq3A_47 : i32 to vector<16xi32>
    %eq3A_49 = arith.cmpi eq, %add3A_17, %eq3A_48 : vector<16xi32>
    %and3A_50 = arith.andi %eq3A_46, %eq3A_49 : vector<16xi1>
    %jit3A_51 = arith.constant 9999 : i32
    %broadcast_in_dim3A_52 = vector.broadcast %jit3A_51 : i32 to vector<16xi32>
    %select_n3A_53 = arith.select %and3A_50, %broadcast_in_dim3A_52, %get3A_43 : vector<16xi1>, vector<16xi32>
    %jit3A_54 = arith.constant 1 : i32
    %jit3A_55 = arith.constant 0 : i32
    %broadcast_in_dim3A_56 = vector.broadcast %jit3A_54 : i32 to vector<16xi32>
    %broadcast_in_dim3A_57 = vector.broadcast %jit3A_55 : i32 to vector<16xi32>
    %select_n3A_58 = arith.select %eq3A_46, %broadcast_in_dim3A_56, %broadcast_in_dim3A_57 : vector<16xi1>, vector<16xi32>
    %add3A_59 = arith.addi %add3A_17, %select_n3A_58 : vector<16xi32>
    %ne3A_60 = arith.constant 0 : i32
    %ne3A_61 = vector.broadcast %ne3A_60 : i32 to vector<16xi32>
    %ne3A_62 = arith.cmpi ne, %select_n3A_53, %ne3A_61 : vector<16xi32>
    %jit3A_63 = arith.constant 1.000000e+00 : f32
    %jit3A_64 = arith.constant 0.000000e+00 : f32
    %broadcast_in_dim3A_65 = vector.broadcast %jit3A_63 : f32 to vector<16xf32>
    %broadcast_in_dim3A_66 = vector.broadcast %jit3A_64 : f32 to vector<16xf32>
    %select_n3A_67 = arith.select %ne3A_62, %broadcast_in_dim3A_65, %broadcast_in_dim3A_66 : vector<16xi1>, vector<16xf32>
    %add3A_68 = arith.addf %add3A_25, %select_n3A_67 : vector<16xf32>
    %swap3A_69 = arith.constant 1 : i32
    %swap3A_70 = arith.index_cast %swap3A_69 : i32 to index
    %swap3A_71 = arith.constant 0 : index
    %swap3A_72 = tpu.vector_load %arg7[%swap3A_70, %swap3A_71] {strides = array<i32>} : memref<20x16xi32, #tpu.memory_space<vmem>>, vector<16xi32>,
    tpu.vector_store %arg7[%swap3A_70, %swap3A_71], %select_n3A_53 {strides = array<i32>} : memref<20x16xi32, #tpu.memory_space<vmem>>, vector<16xi32>,
    %and3A_73 = arith.constant 7 : i32
    %and3A_74 = vector.broadcast %and3A_73 : i32 to vector<16xi32>
    %and3A_75 = arith.andi %select_n3A_53, %and3A_74 : vector<16xi32>
    %swap3A_76 = arith.constant 1 : i32
    %swap3A_77 = arith.index_cast %swap3A_76 : i32 to index
    %swap3A_78 = arith.constant 0 : index
    %swap3A_79 = tpu.vector_load %arg8[%swap3A_77, %swap3A_78] {strides = array<i32>} : memref<20x16xi32, #tpu.memory_space<vmem>>, vector<16xi32>,
    tpu.vector_store %arg8[%swap3A_77, %swap3A_78], %and3A_75 {strides = array<i32>} : memref<20x16xi32, #tpu.memory_space<vmem>>, vector<16xi32>,
    %swap3A_80 = arith.constant 1 : i32
    %swap3A_81 = arith.index_cast %swap3A_80 : i32 to index
    %swap3A_82 = arith.constant 0 : index
    %swap3A_83 = tpu.vector_load %arg9[%swap3A_81, %swap3A_82] {strides = array<i32>} : memref<20x16xf32, #tpu.memory_space<vmem>>, vector<16xf32>,
    tpu.vector_store %arg9[%swap3A_81, %swap3A_82], %select_n3A_67 {strides = array<i32>} : memref<20x16xf32, #tpu.memory_space<vmem>>, vector<16xf32>,
    %add3A_84 = arith.constant 512 : i32
    %add3A_85 = arith.addi %add3A_84, %multiple_of3A : i32
    %get3A_86 = arith.index_cast %add3A_85 : i32 to index
    %get3A_87 = tpu.vector_load %arg6[%get3A_86] {strides = array<i32>} : memref<5120xi32, #tpu.memory_space<vmem>>, vector<16xi32>,
    %eq3A_88 = arith.constant 0 : i32
    %eq3A_89 = vector.broadcast %eq3A_88 : i32 to vector<16xi32>
    %eq3A_90 = arith.cmpi eq, %get3A_87, %eq3A_89 : vector<16xi32>
    %eq3A_91 = arith.constant 0 : i32
    %eq3A_92 = vector.broadcast %eq3A_91 : i32 to vector<16xi32>
    %eq3A_93 = arith.cmpi eq, %add3A_59, %eq3A_92 : vector<16xi32>
    %and3A_94 = arith.andi %eq3A_90, %eq3A_93 : vector<16xi1>
    %jit3A_95 = arith.constant 9999 : i32
    %broadcast_in_dim3A_96 = vector.broadcast %jit3A_95 : i32 to vector<16xi32>
    %select_n3A_97 = arith.select %and3A_94, %broadcast_in_dim3A_96, %get3A_87 : vector<16xi1>, vector<16xi32>
    %jit3A_98 = arith.constant 1 : i32
    %jit3A_99 = arith.constant 0 : i32
    %broadcast_in_dim3A_100 = vector.broadcast %jit3A_98 : i32 to vector<16xi32>
    %broadcast_in_dim3A_101 = vector.broadcast %jit3A_99 : i32 to vector<16xi32>
    %select_n3A_102 = arith.select %eq3A_90, %broadcast_in_dim3A_100, %broadcast_in_dim3A_101 : vector<16xi1>, vector<16xi32>
    %add3A_103 = arith.addi %add3A_59, %select_n3A_102 : vector<16xi32>
    %ne3A_104 = arith.constant 0 : i32
    %ne3A_105 = vector.broadcast %ne3A_104 : i32 to vector<16xi32>
    %ne3A_106 = arith.cmpi ne, %select_n3A_97, %ne3A_105 : vector<16xi32>
    %jit3A_107 = arith.constant 1.000000e+00 : f32
    %jit3A_108 = arith.constant 0.000000e+00 : f32
    %broadcast_in_dim3A_109 = vector.broadcast %jit3A_107 : f32 to vector<16xf32>
    %broadcast_in_dim3A_110 = vector.broadcast %jit3A_108 : f32 to vector<16xf32>
    %select_n3A_111 = arith.select %ne3A_106, %broadcast_in_dim3A_109, %broadcast_in_dim3A_110 : vector<16xi1>, vector<16xf32>
    %add3A_112 = arith.addf %add3A_68, %select_n3A_111 : vector<16xf32>
    %swap3A_113 = arith.constant 2 : i32
    %swap3A_114 = arith.index_cast %swap3A_113 : i32 to index
    %swap3A_115 = arith.constant 0 : index
    %swap3A_116 = tpu.vector_load %arg7[%swap3A_114, %swap3A_115] {strides = array<i32>} : memref<20x16xi32, #tpu.memory_space<vmem>>, vector<16xi32>,
    tpu.vector_store %arg7[%swap3A_114, %swap3A_115], %select_n3A_97 {strides = array<i32>} : memref<20x16xi32, #tpu.memory_space<vmem>>, vector<16xi32>,
    %and3A_117 = arith.constant 7 : i32
    %and3A_118 = vector.broadcast %and3A_117 : i32 to vector<16xi32>
    %and3A_119 = arith.andi %select_n3A_97, %and3A_118 : vector<16xi32>
    %swap3A_120 = arith.constant 2 : i32
    %swap3A_121 = arith.index_cast %swap3A_120 : i32 to index
    %swap3A_122 = arith.constant 0 : index
    %swap3A_123 = tpu.vector_load %arg8[%swap3A_121, %swap3A_122] {strides = array<i32>} : memref<20x16xi32, #tpu.memory_space<vmem>>, vector<16xi32>,
    tpu.vector_store %arg8[%swap3A_121, %swap3A_122], %and3A_119 {strides = array<i32>} : memref<20x16xi32, #tpu.memory_space<vmem>>, vector<16xi32>,
    %swap3A_124 = arith.constant 2 : i32
    %swap3A_125 = arith.index_cast %swap3A_124 : i32 to index
    %swap3A_126 = arith.constant 0 : index
    %swap3A_127 = tpu.vector_load %arg9[%swap3A_125, %swap3A_126] {strides = array<i32>} : memref<20x16xf32, #tpu.memory_space<vmem>>, vector<16xf32>,
    tpu.vector_store %arg9[%swap3A_125, %swap3A_126], %select_n3A_111 {strides = array<i32>} : memref<20x16xf32, #tpu.memory_space<vmem>>, vector<16xf32>,
    %add3A_128 = arith.constant 768 : i32
    %add3A_129 = arith.addi %add3A_128, %multiple_of3A : i32
    %get3A_130 = arith.index_cast %add3A_129 : i32 to index
    %get3A_131 = tpu.vector_load %arg6[%get3A_130] {strides = array<i32>} : memref<5120xi32, #tpu.memory_space<vmem>>, vector<16xi32>,
    %eq3A_132 = arith.constant 0 : i32
    %eq3A_133 = vector.broadcast %eq3A_132 : i32 to vector<16xi32>
    %eq3A_134 = arith.cmpi eq, %get3A_131, %eq3A_133 : vector<16xi32>
    %eq3A_135 = arith.constant 0 : i32
    %eq3A_136 = vector.broadcast %eq3A_135 : i32 to vector<16xi32>
    %eq3A_137 = arith.cmpi eq, %add3A_103, %eq3A_136 : vector<16xi32>
    %and3A_138 = arith.andi %eq3A_134, %eq3A_137 : vector<16xi1>
    %jit3A_139 = arith.constant 9999 : i32
    %broadcast_in_dim3A_140 = vector.broadcast %jit3A_139 : i32 to vector<16xi32>
    %select_n3A_141 = arith.select %and3A_138, %broadcast_in_dim3A_140, %get3A_131 : vector<16xi1>, vector<16xi32>
    %jit3A_142 = arith.constant 1 : i32
    %jit3A_143 = arith.constant 0 : i32
    %broadcast_in_dim3A_144 = vector.broadcast %jit3A_142 : i32 to vector<16xi32>
    %broadcast_in_dim3A_145 = vector.broadcast %jit3A_143 : i32 to vector<16xi32>
    %select_n3A_146 = arith.select %eq3A_134, %broadcast_in_dim3A_144, %broadcast_in_dim3A_145 : vector<16xi1>, vector<16xi32>
    %add3A_147 = arith.addi %add3A_103, %select_n3A_146 : vector<16xi32>
    %ne3A_148 = arith.constant 0 : i32
    %ne3A_149 = vector.broadcast %ne3A_148 : i32 to vector<16xi32>
    %ne3A_150 = arith.cmpi ne, %select_n3A_141, %ne3A_149 : vector<16xi32>
    %jit3A_151 = arith.constant 1.000000e+00 : f32
    %jit3A_152 = arith.constant 0.000000e+00 : f32
    %broadcast_in_dim3A_153 = vector.broadcast %jit3A_151 : f32 to vector<16xf32>
    %broadcast_in_dim3A_154 = vector.broadcast %jit3A_152 : f32 to vector<16xf32>
    %select_n3A_155 = arith.select %ne3A_150, %broadcast_in_dim3A_153, %broadcast_in_dim3A_154 : vector<16xi1>, vector<16xf32>
    %add3A_156 = arith.addf %add3A_112, %select_n3A_155 : vector<16xf32>
    %swap3A_157 = arith.constant 3 : i32
    %swap3A_158 = arith.index_cast %swap3A_157 : i32 to index
    %swap3A_159 = arith.constant 0 : index
    %swap3A_160 = tpu.vector_load %arg7[%swap3A_158, %swap3A_159] {strides = array<i32>} : memref<20x16xi32, #tpu.memory_space<vmem>>, vector<16xi32>,
    tpu.vector_store %arg7[%swap3A_158, %swap3A_159], %select_n3A_141 {strides = array<i32>} : memref<20x16xi32, #tpu.memory_space<vmem>>, vector<16xi32>,
    %and3A_161 = arith.constant 7 : i32
    %and3A_162 = vector.broadcast %and3A_161 : i32 to vector<16xi32>
    %and3A_163 = arith.andi %select_n3A_141, %and3A_162 : vector<16xi32>
    %swap3A_164 = arith.constant 3 : i32
    %swap3A_165 = arith.index_cast %swap3A_164 : i32 to index
    %swap3A_166 = arith.constant 0 : index
    %swap3A_167 = tpu.vector_load %arg8[%swap3A_165, %swap3A_166] {strides = array<i32>} : memref<20x16xi32, #tpu.memory_space<vmem>>, vector<16xi32>,
    tpu.vector_store %arg8[%swap3A_165, %swap3A_166], %and3A_163 {strides = array<i32>} : memref<20x16xi32, #tpu.memory_space<vmem>>, vector<16xi32>,
    %swap3A_168 = arith.constant 3 : i32
    %swap3A_169 = arith.index_cast %swap3A_168 : i32 to index
    %swap3A_170 = arith.constant 0 : index
    %swap3A_171 = tpu.vector_load %arg9[%swap3A_169, %swap3A_170] {strides = array<i32>} : memref<20x16xf32, #tpu.memory_space<vmem>>, vector<16xf32>,
    tpu.vector_store %arg9[%swap3A_169, %swap3A_170], %select_n3A_155 {strides = array<i32>} : memref<20x16xf32, #tpu.memory_space<vmem>>, vector<16xf32>,
    %add3A_172 = arith.constant 1024 : i32
    %add3A_173 = arith.addi %add3A_172, %multiple_of3A : i32
    %get3A_174 = arith.index_cast %add3A_173 : i32 to index
    %get3A_175 = tpu.vector_load %arg6[%get3A_174] {strides = array<i32>} : memref<5120xi32, #tpu.memory_space<vmem>>, vector<16xi32>,
    %eq3A_176 = arith.constant 0 : i32
    %eq3A_177 = vector.broadcast %eq3A_176 : i32 to vector<16xi32>
    %eq3A_178 = arith.cmpi eq, %get3A_175, %eq3A_177 : vector<16xi32>
    %eq3A_179 = arith.constant 0 : i32
    %eq3A_180 = vector.broadcast %eq3A_179 : i32 to vector<16xi32>
    %eq3A_181 = arith.cmpi eq, %add3A_147, %eq3A_180 : vector<16xi32>
    %and3A_182 = arith.andi %eq3A_178, %eq3A_181 : vector<16xi1>
    %jit3A_183 = arith.constant 9999 : i32
    %broadcast_in_dim3A_184 = vector.broadcast %jit3A_183 : i32 to vector<16xi32>
    %select_n3A_185 = arith.select %and3A_182, %broadcast_in_dim3A_184, %get3A_175 : vector<16xi1>, vector<16xi32>
    %jit3A_186 = arith.constant 1 : i32
    %jit3A_187 = arith.constant 0 : i32
    %broadcast_in_dim3A_188 = vector.broadcast %jit3A_186 : i32 to vector<16xi32>
    %broadcast_in_dim3A_189 = vector.broadcast %jit3A_187 : i32 to vector<16xi32>
    %select_n3A_190 = arith.select %eq3A_178, %broadcast_in_dim3A_188, %broadcast_in_dim3A_189 : vector<16xi1>, vector<16xi32>
    %add3A_191 = arith.addi %add3A_147, %select_n3A_190 : vector<16xi32>
    %ne3A_192 = arith.constant 0 : i32
    %ne3A_193 = vector.broadcast %ne3A_192 : i32 to vector<16xi32>
    %ne3A_194 = arith.cmpi ne, %select_n3A_185, %ne3A_193 : vector<16xi32>
    %jit3A_195 = arith.constant 1.000000e+00 : f32
    %jit3A_196 = arith.constant 0.000000e+00 : f32
    %broadcast_in_dim3A_197 = vector.broadcast %jit3A_195 : f32 to vector<16xf32>
    %broadcast_in_dim3A_198 = vector.broadcast %jit3A_196 : f32 to vector<16xf32>
    %select_n3A_199 = arith.select %ne3A_194, %broadcast_in_dim3A_197, %broadcast_in_dim3A_198 : vector<16xi1>, vector<16xf32>
    %add3A_200 = arith.addf %add3A_156, %select_n3A_199 : vector<16xf32>
    %swap3A_201 = arith.constant 4 : i32
    %swap3A_202 = arith.index_cast %swap3A_201 : i32 to index
    %swap3A_203 = arith.constant 0 : index
    %swap3A_204 = tpu.vector_load %arg7[%swap3A_202, %swap3A_203] {strides = array<i32>} : memref<20x16xi32, #tpu.memory_space<vmem>>, vector<16xi32>,
    tpu.vector_store %arg7[%swap3A_202, %swap3A_203], %select_n3A_185 {strides = array<i32>} : memref<20x16xi32, #tpu.memory_space<vmem>>, vector<16xi32>,
    %and3A_205 = arith.constant 7 : i32
    %and3A_206 = vector.broadcast %and3A_205 : i32 to vector<16xi32>
    %and3A_207 = arith.andi %select_n3A_185, %and3A_206 : vector<16xi32>
    %swap3A_208 = arith.constant 4 : i32
    %swap3A_209 = arith.index_cast %swap3A_208 : i32 to index
    %swap3A_210 = arith.constant 0 : index
    %swap3A_211 = tpu.vector_load %arg8[%swap3A_209, %swap3A_210] {strides = array<i32>} : memref<20x16xi32, #tpu.memory_space<vmem>>, vector<16xi32>,
    tpu.vector_store %arg8[%swap3A_209, %swap3A_210], %and3A_207 {strides = array<i32>} : memref<20x16xi32, #tpu.memory_space<vmem>>, vector<16xi32>,
    %swap3A_212 = arith.constant 4 : i32
    %swap3A_213 = arith.index_cast %swap3A_212 : i32 to index
    %swap3A_214 = arith.constant 0 : index
    %swap3A_215 = tpu.vector_load %arg9[%swap3A_213, %swap3A_214] {strides = array<i32>} : memref<20x16xf32, #tpu.memory_space<vmem>>, vector<16xf32>,
    tpu.vector_store %arg9[%swap3A_213, %swap3A_214], %select_n3A_199 {strides = array<i32>} : memref<20x16xf32, #tpu.memory_space<vmem>>, vector<16xf32>,
    %add3A_216 = arith.constant 1280 : i32
    %add3A_217 = arith.addi %add3A_216, %multiple_of3A : i32
    %get3A_218 = arith.index_cast %add3A_217 : i32 to index
    %get3A_219 = tpu.vector_load %arg6[%get3A_218] {strides = array<i32>} : memref<5120xi32, #tpu.memory_space<vmem>>, vector<16xi32>,
    %eq3A_220 = arith.constant 0 : i32
    %eq3A_221 = vector.broadcast %eq3A_220 : i32 to vector<16xi32>
    %eq3A_222 = arith.cmpi eq, %get3A_219, %eq3A_221 : vector<16xi32>
    %eq3A_223 = arith.constant 0 : i32
    %eq3A_224 = vector.broadcast %eq3A_223 : i32 to vector<16xi32>
    %eq3A_225 = arith.cmpi eq, %add3A_191, %eq3A_224 : vector<16xi32>
    %and3A_226 = arith.andi %eq3A_222, %eq3A_225 : vector<16xi1>
    %jit3A_227 = arith.constant 9999 : i32
    %broadcast_in_dim3A_228 = vector.broadcast %jit3A_227 : i32 to vector<16xi32>
    %select_n3A_229 = arith.select %and3A_226, %broadcast_in_dim3A_228, %get3A_219 : vector<16xi1>, vector<16xi32>
    %jit3A_230 = arith.constant 1 : i32
    %jit3A_231 = arith.constant 0 : i32
    %broadcast_in_dim3A_232 = vector.broadcast %jit3A_230 : i32 to vector<16xi32>
    %broadcast_in_dim3A_233 = vector.broadcast %jit3A_231 : i32 to vector<16xi32>
    %select_n3A_234 = arith.select %eq3A_222, %broadcast_in_dim3A_232, %broadcast_in_dim3A_233 : vector<16xi1>, vector<16xi32>
    %add3A_235 = arith.addi %add3A_191, %select_n3A_234 : vector<16xi32>
    %ne3A_236 = arith.constant 0 : i32
    %ne3A_237 = vector.broadcast %ne3A_236 : i32 to vector<16xi32>
    %ne3A_238 = arith.cmpi ne, %select_n3A_229, %ne3A_237 : vector<16xi32>
    %jit3A_239 = arith.constant 1.000000e+00 : f32
    %jit3A_240 = arith.constant 0.000000e+00 : f32
    %broadcast_in_dim3A_241 = vector.broadcast %jit3A_239 : f32 to vector<16xf32>
    %broadcast_in_dim3A_242 = vector.broadcast %jit3A_240 : f32 to vector<16xf32>
    %select_n3A_243 = arith.select %ne3A_238, %broadcast_in_dim3A_241, %broadcast_in_dim3A_242 : vector<16xi1>, vector<16xf32>
    %add3A_244 = arith.addf %add3A_200, %select_n3A_243 : vector<16xf32>
    %swap3A_245 = arith.constant 5 : i32
    %swap3A_246 = arith.index_cast %swap3A_245 : i32 to index
    %swap3A_247 = arith.constant 0 : index
    %swap3A_248 = tpu.vector_load %arg7[%swap3A_246, %swap3A_247] {strides = array<i32>} : memref<20x16xi32, #tpu.memory_space<vmem>>, vector<16xi32>,
    tpu.vector_store %arg7[%swap3A_246, %swap3A_247], %select_n3A_229 {strides = array<i32>} : memref<20x16xi32, #tpu.memory_space<vmem>>, vector<16xi32>,
    %and3A_249 = arith.constant 7 : i32
    %and3A_250 = vector.broadcast %and3A_249 : i32 to vector<16xi32>
    %and3A_251 = arith.andi %select_n3A_229, %and3A_250 : vector<16xi32>
    %swap3A_252 = arith.constant 5 : i32
    %swap3A_253 = arith.index_cast %swap3A_252 : i32 to index
    %swap3A_254 = arith.constant 0 : index
    %swap3A_255 = tpu.vector_load %arg8[%swap3A_253, %swap3A_254] {strides = array<i32>} : memref<20x16xi32, #tpu.memory_space<vmem>>, vector<16xi32>,
    tpu.vector_store %arg8[%swap3A_253, %swap3A_254], %and3A_251 {strides = array<i32>} : memref<20x16xi32, #tpu.memory_space<vmem>>, vector<16xi32>,
    %swap3A_256 = arith.constant 5 : i32
    %swap3A_257 = arith.index_cast %swap3A_256 : i32 to index
    %swap3A_258 = arith.constant 0 : index
    %swap3A_259 = tpu.vector_load %arg9[%swap3A_257, %swap3A_258] {strides = array<i32>} : memref<20x16xf32, #tpu.memory_space<vmem>>, vector<16xf32>,
    tpu.vector_store %arg9[%swap3A_257, %swap3A_258], %select_n3A_243 {strides = array<i32>} : memref<20x16xf32, #tpu.memory_space<vmem>>, vector<16xf32>,
    %add3A_260 = arith.constant 1536 : i32
    %add3A_261 = arith.addi %add3A_260, %multiple_of3A : i32
    %get3A_262 = arith.index_cast %add3A_261 : i32 to index
    %get3A_263 = tpu.vector_load %arg6[%get3A_262] {strides = array<i32>} : memref<5120xi32, #tpu.memory_space<vmem>>, vector<16xi32>,
    %eq3A_264 = arith.constant 0 : i32
    %eq3A_265 = vector.broadcast %eq3A_264 : i32 to vector<16xi32>
    %eq3A_266 = arith.cmpi eq, %get3A_263, %eq3A_265 : vector<16xi32>
    %eq3A_267 = arith.constant 0 : i32
    %eq3A_268 = vector.broadcast %eq3A_267 : i32 to vector<16xi32>
    %eq3A_269 = arith.cmpi eq, %add3A_235, %eq3A_268 : vector<16xi32>
    %and3A_270 = arith.andi %eq3A_266, %eq3A_269 : vector<16xi1>
    %jit3A_271 = arith.constant 9999 : i32
    %broadcast_in_dim3A_272 = vector.broadcast %jit3A_271 : i32 to vector<16xi32>
    %select_n3A_273 = arith.select %and3A_270, %broadcast_in_dim3A_272, %get3A_263 : vector<16xi1>, vector<16xi32>
    %jit3A_274 = arith.constant 1 : i32
    %jit3A_275 = arith.constant 0 : i32
    %broadcast_in_dim3A_276 = vector.broadcast %jit3A_274 : i32 to vector<16xi32>
    %broadcast_in_dim3A_277 = vector.broadcast %jit3A_275 : i32 to vector<16xi32>
    %select_n3A_278 = arith.select %eq3A_266, %broadcast_in_dim3A_276, %broadcast_in_dim3A_277 : vector<16xi1>, vector<16xi32>
    %add3A_279 = arith.addi %add3A_235, %select_n3A_278 : vector<16xi32>
    %ne3A_280 = arith.constant 0 : i32
    %ne3A_281 = vector.broadcast %ne3A_280 : i32 to vector<16xi32>
    %ne3A_282 = arith.cmpi ne, %select_n3A_273, %ne3A_281 : vector<16xi32>
    %jit3A_283 = arith.constant 1.000000e+00 : f32
    %jit3A_284 = arith.constant 0.000000e+00 : f32
    %broadcast_in_dim3A_285 = vector.broadcast %jit3A_283 : f32 to vector<16xf32>
    %broadcast_in_dim3A_286 = vector.broadcast %jit3A_284 : f32 to vector<16xf32>
    %select_n3A_287 = arith.select %ne3A_282, %broadcast_in_dim3A_285, %broadcast_in_dim3A_286 : vector<16xi1>, vector<16xf32>
    %add3A_288 = arith.addf %add3A_244, %select_n3A_287 : vector<16xf32>
    %swap3A_289 = arith.constant 6 : i32
    %swap3A_290 = arith.index_cast %swap3A_289 : i32 to index
    %swap3A_291 = arith.constant 0 : index
    %swap3A_292 = tpu.vector_load %arg7[%swap3A_290, %swap3A_291] {strides = array<i32>} : memref<20x16xi32, #tpu.memory_space<vmem>>, vector<16xi32>,
    tpu.vector_store %arg7[%swap3A_290, %swap3A_291], %select_n3A_273 {strides = array<i32>} : memref<20x16xi32, #tpu.memory_space<vmem>>, vector<16xi32>,
    %and3A_293 = arith.constant 7 : i32
    %and3A_294 = vector.broadcast %and3A_293 : i32 to vector<16xi32>
    %and3A_295 = arith.andi %select_n3A_273, %and3A_294 : vector<16xi32>
    %swap3A_296 = arith.constant 6 : i32
    %swap3A_297 = arith.index_cast %swap3A_296 : i32 to index
    %swap3A_298 = arith.constant 0 : index
    %swap3A_299 = tpu.vector_load %arg8[%swap3A_297, %swap3A_298] {strides = array<i32>} : memref<20x16xi32, #tpu.memory_space<vmem>>, vector<16xi32>,
    tpu.vector_store %arg8[%swap3A_297, %swap3A_298], %and3A_295 {strides = array<i32>} : memref<20x16xi32, #tpu.memory_space<vmem>>, vector<16xi32>,
    %swap3A_300 = arith.constant 6 : i32
    %swap3A_301 = arith.index_cast %swap3A_300 : i32 to index
    %swap3A_302 = arith.constant 0 : index
    %swap3A_303 = tpu.vector_load %arg9[%swap3A_301, %swap3A_302] {strides = array<i32>} : memref<20x16xf32, #tpu.memory_space<vmem>>, vector<16xf32>,
    tpu.vector_store %arg9[%swap3A_301, %swap3A_302], %select_n3A_287 {strides = array<i32>} : memref<20x16xf32, #tpu.memory_space<vmem>>, vector<16xf32>,
    %add3A_304 = arith.constant 1792 : i32
    %add3A_305 = arith.addi %add3A_304, %multiple_of3A : i32
    %get3A_306 = arith.index_cast %add3A_305 : i32 to index
    %get3A_307 = tpu.vector_load %arg6[%get3A_306] {strides = array<i32>} : memref<5120xi32, #tpu.memory_space<vmem>>, vector<16xi32>,
    %eq3A_308 = arith.constant 0 : i32
    %eq3A_309 = vector.broadcast %eq3A_308 : i32 to vector<16xi32>
    %eq3A_310 = arith.cmpi eq, %get3A_307, %eq3A_309 : vector<16xi32>
    %eq3A_311 = arith.constant 0 : i32
    %eq3A_312 = vector.broadcast %eq3A_311 : i32 to vector<16xi32>
    %eq3A_313 = arith.cmpi eq, %add3A_279, %eq3A_312 : vector<16xi32>
    %and3A_314 = arith.andi %eq3A_310, %eq3A_313 : vector<16xi1>
    %jit3A_315 = arith.constant 9999 : i32
    %broadcast_in_dim3A_316 = vector.broadcast %jit3A_315 : i32 to vector<16xi32>
    %select_n3A_317 = arith.select %and3A_314, %broadcast_in_dim3A_316, %get3A_307 : vector<16xi1>, vector<16xi32>
    %jit3A_318 = arith.constant 1 : i32
    %jit3A_319 = arith.constant 0 : i32
    %broadcast_in_dim3A_320 = vector.broadcast %jit3A_318 : i32 to vector<16xi32>
    %broadcast_in_dim3A_321 = vector.broadcast %jit3A_319 : i32 to vector<16xi32>
    %select_n3A_322 = arith.select %eq3A_310, %broadcast_in_dim3A_320, %broadcast_in_dim3A_321 : vector<16xi1>, vector<16xi32>
    %add3A_323 = arith.addi %add3A_279, %select_n3A_322 : vector<16xi32>
    %ne3A_324 = arith.constant 0 : i32
    %ne3A_325 = vector.broadcast %ne3A_324 : i32 to vector<16xi32>
    %ne3A_326 = arith.cmpi ne, %select_n3A_317, %ne3A_325 : vector<16xi32>
    %jit3A_327 = arith.constant 1.000000e+00 : f32
    %jit3A_328 = arith.constant 0.000000e+00 : f32
    %broadcast_in_dim3A_329 = vector.broadcast %jit3A_327 : f32 to vector<16xf32>
    %broadcast_in_dim3A_330 = vector.broadcast %jit3A_328 : f32 to vector<16xf32>
    %select_n3A_331 = arith.select %ne3A_326, %broadcast_in_dim3A_329, %broadcast_in_dim3A_330 : vector<16xi1>, vector<16xf32>
    %add3A_332 = arith.addf %add3A_288, %select_n3A_331 : vector<16xf32>
    %swap3A_333 = arith.constant 7 : i32
    %swap3A_334 = arith.index_cast %swap3A_333 : i32 to index
    %swap3A_335 = arith.constant 0 : index
    %swap3A_336 = tpu.vector_load %arg7[%swap3A_334, %swap3A_335] {strides = array<i32>} : memref<20x16xi32, #tpu.memory_space<vmem>>, vector<16xi32>,
    tpu.vector_store %arg7[%swap3A_334, %swap3A_335], %select_n3A_317 {strides = array<i32>} : memref<20x16xi32, #tpu.memory_space<vmem>>, vector<16xi32>,
    %and3A_337 = arith.constant 7 : i32
    %and3A_338 = vector.broadcast %and3A_337 : i32 to vector<16xi32>
    %and3A_339 = arith.andi %select_n3A_317, %and3A_338 : vector<16xi32>
    %swap3A_340 = arith.constant 7 : i32
    %swap3A_341 = arith.index_cast %swap3A_340 : i32 to index
    %swap3A_342 = arith.constant 0 : index
    %swap3A_343 = tpu.vector_load %arg8[%swap3A_341, %swap3A_342] {strides = array<i32>} : memref<20x16xi32, #tpu.memory_space<vmem>>, vector<16xi32>,
    tpu.vector_store %arg8[%swap3A_341, %swap3A_342], %and3A_339 {strides = array<i32>} : memref<20x16xi32, #tpu.memory_space<vmem>>, vector<16xi32>,
    %swap3A_344 = arith.constant 7 : i32
    %swap3A_345 = arith.index_cast %swap3A_344 : i32 to index
    %swap3A_346 = arith.constant 0 : index
    %swap3A_347 = tpu.vector_load %arg9[%swap3A_345, %swap3A_346] {strides = array<i32>} : memref<20x16xf32, #tpu.memory_space<vmem>>, vector<16xf32>,
    tpu.vector_store %arg9[%swap3A_345, %swap3A_346], %select_n3A_331 {strides = array<i32>} : memref<20x16xf32, #tpu.memory_space<vmem>>, vector<16xf32>,
    %add3A_348 = arith.constant 2048 : i32
    %add3A_349 = arith.addi %add3A_348, %multiple_of3A : i32
    %get3A_350 = arith.index_cast %add3A_349 : i32 to index
    %get3A_351 = tpu.vector_load %arg6[%get3A_350] {strides = array<i32>} : memref<5120xi32, #tpu.memory_space<vmem>>, vector<16xi32>,
    %eq3A_352 = arith.constant 0 : i32
    %eq3A_353 = vector.broadcast %eq3A_352 : i32 to vector<16xi32>
    %eq3A_354 = arith.cmpi eq, %get3A_351, %eq3A_353 : vector<16xi32>
    %eq3A_355 = arith.constant 0 : i32
    %eq3A_356 = vector.broadcast %eq3A_355 : i32 to vector<16xi32>
    %eq3A_357 = arith.cmpi eq, %add3A_323, %eq3A_356 : vector<16xi32>
    %and3A_358 = arith.andi %eq3A_354, %eq3A_357 : vector<16xi1>
    %jit3A_359 = arith.constant 9999 : i32
    %broadcast_in_dim3A_360 = vector.broadcast %jit3A_359 : i32 to vector<16xi32>
    %select_n3A_361 = arith.select %and3A_358, %broadcast_in_dim3A_360, %get3A_351 : vector<16xi1>, vector<16xi32>
    %jit3A_362 = arith.constant 1 : i32
    %jit3A_363 = arith.constant 0 : i32
    %broadcast_in_dim3A_364 = vector.broadcast %jit3A_362 : i32 to vector<16xi32>
    %broadcast_in_dim3A_365 = vector.broadcast %jit3A_363 : i32 to vector<16xi32>
    %select_n3A_366 = arith.select %eq3A_354, %broadcast_in_dim3A_364, %broadcast_in_dim3A_365 : vector<16xi1>, vector<16xi32>
    %add3A_367 = arith.addi %add3A_323, %select_n3A_366 : vector<16xi32>
    %ne3A_368 = arith.constant 0 : i32
    %ne3A_369 = vector.broadcast %ne3A_368 : i32 to vector<16xi32>
    %ne3A_370 = arith.cmpi ne, %select_n3A_361, %ne3A_369 : vector<16xi32>
    %jit3A_371 = arith.constant 1.000000e+00 : f32
    %jit3A_372 = arith.constant 0.000000e+00 : f32
    %broadcast_in_dim3A_373 = vector.broadcast %jit3A_371 : f32 to vector<16xf32>
    %broadcast_in_dim3A_374 = vector.broadcast %jit3A_372 : f32 to vector<16xf32>
    %select_n3A_375 = arith.select %ne3A_370, %broadcast_in_dim3A_373, %broadcast_in_dim3A_374 : vector<16xi1>, vector<16xf32>
    %add3A_376 = arith.addf %add3A_332, %select_n3A_375 : vector<16xf32>
    %swap3A_377 = arith.constant 8 : i32
    %swap3A_378 = arith.index_cast %swap3A_377 : i32 to index
    %swap3A_379 = arith.constant 0 : index
    %swap3A_380 = tpu.vector_load %arg7[%swap3A_378, %swap3A_379] {strides = array<i32>} : memref<20x16xi32, #tpu.memory_space<vmem>>, vector<16xi32>,
    tpu.vector_store %arg7[%swap3A_378, %swap3A_379], %select_n3A_361 {strides = array<i32>} : memref<20x16xi32, #tpu.memory_space<vmem>>, vector<16xi32>,
    %and3A_381 = arith.constant 7 : i32
    %and3A_382 = vector.broadcast %and3A_381 : i32 to vector<16xi32>
    %and3A_383 = arith.andi %select_n3A_361, %and3A_382 : vector<16xi32>
    %swap3A_384 = arith.constant 8 : i32
    %swap3A_385 = arith.index_cast %swap3A_384 : i32 to index
    %swap3A_386 = arith.constant 0 : index
    %swap3A_387 = tpu.vector_load %arg8[%swap3A_385, %swap3A_386] {strides = array<i32>} : memref<20x16xi32, #tpu.memory_space<vmem>>, vector<16xi32>,
    tpu.vector_store %arg8[%swap3A_385, %swap3A_386], %and3A_383 {strides = array<i32>} : memref<20x16xi32, #tpu.memory_space<vmem>>, vector<16xi32>,
    %swap3A_388 = arith.constant 8 : i32
    %swap3A_389 = arith.index_cast %swap3A_388 : i32 to index
    %swap3A_390 = arith.constant 0 : index
    %swap3A_391 = tpu.vector_load %arg9[%swap3A_389, %swap3A_390] {strides = array<i32>} : memref<20x16xf32, #tpu.memory_space<vmem>>, vector<16xf32>,
    tpu.vector_store %arg9[%swap3A_389, %swap3A_390], %select_n3A_375 {strides = array<i32>} : memref<20x16xf32, #tpu.memory_space<vmem>>, vector<16xf32>,
    %add3A_392 = arith.constant 2304 : i32
    %add3A_393 = arith.addi %add3A_392, %multiple_of3A : i32
    %get3A_394 = arith.index_cast %add3A_393 : i32 to index
    %get3A_395 = tpu.vector_load %arg6[%get3A_394] {strides = array<i32>} : memref<5120xi32, #tpu.memory_space<vmem>>, vector<16xi32>,
    %eq3A_396 = arith.constant 0 : i32
    %eq3A_397 = vector.broadcast %eq3A_396 : i32 to vector<16xi32>
    %eq3A_398 = arith.cmpi eq, %get3A_395, %eq3A_397 : vector<16xi32>
    %eq3A_399 = arith.constant 0 : i32
    %eq3A_400 = vector.broadcast %eq3A_399 : i32 to vector<16xi32>
    %eq3A_401 = arith.cmpi eq, %add3A_367, %eq3A_400 : vector<16xi32>
    %and3A_402 = arith.andi %eq3A_398, %eq3A_401 : vector<16xi1>
    %jit3A_403 = arith.constant 9999 : i32
    %broadcast_in_dim3A_404 = vector.broadcast %jit3A_403 : i32 to vector<16xi32>
    %select_n3A_405 = arith.select %and3A_402, %broadcast_in_dim3A_404, %get3A_395 : vector<16xi1>, vector<16xi32>
    %jit3A_406 = arith.constant 1 : i32
    %jit3A_407 = arith.constant 0 : i32
    %broadcast_in_dim3A_408 = vector.broadcast %jit3A_406 : i32 to vector<16xi32>
    %broadcast_in_dim3A_409 = vector.broadcast %jit3A_407 : i32 to vector<16xi32>
    %select_n3A_410 = arith.select %eq3A_398, %broadcast_in_dim3A_408, %broadcast_in_dim3A_409 : vector<16xi1>, vector<16xi32>
    %add3A_411 = arith.addi %add3A_367, %select_n3A_410 : vector<16xi32>
    %ne3A_412 = arith.constant 0 : i32
    %ne3A_413 = vector.broadcast %ne3A_412 : i32 to vector<16xi32>
    %ne3A_414 = arith.cmpi ne, %select_n3A_405, %ne3A_413 : vector<16xi32>
    %jit3A_415 = arith.constant 1.000000e+00 : f32
    %jit3A_416 = arith.constant 0.000000e+00 : f32
    %broadcast_in_dim3A_417 = vector.broadcast %jit3A_415 : f32 to vector<16xf32>
    %broadcast_in_dim3A_418 = vector.broadcast %jit3A_416 : f32 to vector<16xf32>
    %select_n3A_419 = arith.select %ne3A_414, %broadcast_in_dim3A_417, %broadcast_in_dim3A_418 : vector<16xi1>, vector<16xf32>
    %add3A_420 = arith.addf %add3A_376, %select_n3A_419 : vector<16xf32>
    %swap3A_421 = arith.constant 9 : i32
    %swap3A_422 = arith.index_cast %swap3A_421 : i32 to index
    %swap3A_423 = arith.constant 0 : index
    %swap3A_424 = tpu.vector_load %arg7[%swap3A_422, %swap3A_423] {strides = array<i32>} : memref<20x16xi32, #tpu.memory_space<vmem>>, vector<16xi32>,
    tpu.vector_store %arg7[%swap3A_422, %swap3A_423], %select_n3A_405 {strides = array<i32>} : memref<20x16xi32, #tpu.memory_space<vmem>>, vector<16xi32>,
    %and3A_425 = arith.constant 7 : i32
    %and3A_426 = vector.broadcast %and3A_425 : i32 to vector<16xi32>
    %and3A_427 = arith.andi %select_n3A_405, %and3A_426 : vector<16xi32>
    %swap3A_428 = arith.constant 9 : i32
    %swap3A_429 = arith.index_cast %swap3A_428 : i32 to index
    %swap3A_430 = arith.constant 0 : index
    %swap3A_431 = tpu.vector_load %arg8[%swap3A_429, %swap3A_430] {strides = array<i32>} : memref<20x16xi32, #tpu.memory_space<vmem>>, vector<16xi32>,
    tpu.vector_store %arg8[%swap3A_429, %swap3A_430], %and3A_427 {strides = array<i32>} : memref<20x16xi32, #tpu.memory_space<vmem>>, vector<16xi32>,
    %swap3A_432 = arith.constant 9 : i32
    %swap3A_433 = arith.index_cast %swap3A_432 : i32 to index
    %swap3A_434 = arith.constant 0 : index
    %swap3A_435 = tpu.vector_load %arg9[%swap3A_433, %swap3A_434] {strides = array<i32>} : memref<20x16xf32, #tpu.memory_space<vmem>>, vector<16xf32>,
    tpu.vector_store %arg9[%swap3A_433, %swap3A_434], %select_n3A_419 {strides = array<i32>} : memref<20x16xf32, #tpu.memory_space<vmem>>, vector<16xf32>,
    %add3A_436 = arith.constant 2560 : i32
    %add3A_437 = arith.addi %add3A_436, %multiple_of3A : i32
    %get3A_438 = arith.index_cast %add3A_437 : i32 to index
    %get3A_439 = tpu.vector_load %arg6[%get3A_438] {strides = array<i32>} : memref<5120xi32, #tpu.memory_space<vmem>>, vector<16xi32>,
    %eq3A_440 = arith.constant 0 : i32
    %eq3A_441 = vector.broadcast %eq3A_440 : i32 to vector<16xi32>
    %eq3A_442 = arith.cmpi eq, %get3A_439, %eq3A_441 : vector<16xi32>
    %eq3A_443 = arith.constant 0 : i32
    %eq3A_444 = vector.broadcast %eq3A_443 : i32 to vector<16xi32>
    %eq3A_445 = arith.cmpi eq, %add3A_411, %eq3A_444 : vector<16xi32>
    %and3A_446 = arith.andi %eq3A_442, %eq3A_445 : vector<16xi1>
    %jit3A_447 = arith.constant 9999 : i32
    %broadcast_in_dim3A_448 = vector.broadcast %jit3A_447 : i32 to vector<16xi32>
    %select_n3A_449 = arith.select %and3A_446, %broadcast_in_dim3A_448, %get3A_439 : vector<16xi1>, vector<16xi32>
    %jit3A_450 = arith.constant 1 : i32
    %jit3A_451 = arith.constant 0 : i32
    %broadcast_in_dim3A_452 = vector.broadcast %jit3A_450 : i32 to vector<16xi32>
    %broadcast_in_dim3A_453 = vector.broadcast %jit3A_451 : i32 to vector<16xi32>
    %select_n3A_454 = arith.select %eq3A_442, %broadcast_in_dim3A_452, %broadcast_in_dim3A_453 : vector<16xi1>, vector<16xi32>
    %add3A_455 = arith.addi %add3A_411, %select_n3A_454 : vector<16xi32>
    %ne3A_456 = arith.constant 0 : i32
    %ne3A_457 = vector.broadcast %ne3A_456 : i32 to vector<16xi32>
    %ne3A_458 = arith.cmpi ne, %select_n3A_449, %ne3A_457 : vector<16xi32>
    %jit3A_459 = arith.constant 1.000000e+00 : f32
    %jit3A_460 = arith.constant 0.000000e+00 : f32
    %broadcast_in_dim3A_461 = vector.broadcast %jit3A_459 : f32 to vector<16xf32>
    %broadcast_in_dim3A_462 = vector.broadcast %jit3A_460 : f32 to vector<16xf32>
    %select_n3A_463 = arith.select %ne3A_458, %broadcast_in_dim3A_461, %broadcast_in_dim3A_462 : vector<16xi1>, vector<16xf32>
    %add3A_464 = arith.addf %add3A_420, %select_n3A_463 : vector<16xf32>
    %swap3A_465 = arith.constant 10 : i32
    %swap3A_466 = arith.index_cast %swap3A_465 : i32 to index
    %swap3A_467 = arith.constant 0 : index
    %swap3A_468 = tpu.vector_load %arg7[%swap3A_466, %swap3A_467] {strides = array<i32>} : memref<20x16xi32, #tpu.memory_space<vmem>>, vector<16xi32>,
    tpu.vector_store %arg7[%swap3A_466, %swap3A_467], %select_n3A_449 {strides = array<i32>} : memref<20x16xi32, #tpu.memory_space<vmem>>, vector<16xi32>,
    %and3A_469 = arith.constant 7 : i32
    %and3A_470 = vector.broadcast %and3A_469 : i32 to vector<16xi32>
    %and3A_471 = arith.andi %select_n3A_449, %and3A_470 : vector<16xi32>
    %swap3A_472 = arith.constant 10 : i32
    %swap3A_473 = arith.index_cast %swap3A_472 : i32 to index
    %swap3A_474 = arith.constant 0 : index
    %swap3A_475 = tpu.vector_load %arg8[%swap3A_473, %swap3A_474] {strides = array<i32>} : memref<20x16xi32, #tpu.memory_space<vmem>>, vector<16xi32>,
    tpu.vector_store %arg8[%swap3A_473, %swap3A_474], %and3A_471 {strides = array<i32>} : memref<20x16xi32, #tpu.memory_space<vmem>>, vector<16xi32>,
    %swap3A_476 = arith.constant 10 : i32
    %swap3A_477 = arith.index_cast %swap3A_476 : i32 to index
    %swap3A_478 = arith.constant 0 : index
    %swap3A_479 = tpu.vector_load %arg9[%swap3A_477, %swap3A_478] {strides = array<i32>} : memref<20x16xf32, #tpu.memory_space<vmem>>, vector<16xf32>,
    tpu.vector_store %arg9[%swap3A_477, %swap3A_478], %select_n3A_463 {strides = array<i32>} : memref<20x16xf32, #tpu.memory_space<vmem>>, vector<16xf32>,
    %add3A_480 = arith.constant 2816 : i32
    %add3A_481 = arith.addi %add3A_480, %multiple_of3A : i32
    %get3A_482 = arith.index_cast %add3A_481 : i32 to index
    %get3A_483 = tpu.vector_load %arg6[%get3A_482] {strides = array<i32>} : memref<5120xi32, #tpu.memory_space<vmem>>, vector<16xi32>,
    %eq3A_484 = arith.constant 0 : i32
    %eq3A_485 = vector.broadcast %eq3A_484 : i32 to vector<16xi32>
    %eq3A_486 = arith.cmpi eq, %get3A_483, %eq3A_485 : vector<16xi32>
    %eq3A_487 = arith.constant 0 : i32
    %eq3A_488 = vector.broadcast %eq3A_487 : i32 to vector<16xi32>
    %eq3A_489 = arith.cmpi eq, %add3A_455, %eq3A_488 : vector<16xi32>
    %and3A_490 = arith.andi %eq3A_486, %eq3A_489 : vector<16xi1>
    %jit3A_491 = arith.constant 9999 : i32
    %broadcast_in_dim3A_492 = vector.broadcast %jit3A_491 : i32 to vector<16xi32>
    %select_n3A_493 = arith.select %and3A_490, %broadcast_in_dim3A_492, %get3A_483 : vector<16xi1>, vector<16xi32>
    %jit3A_494 = arith.constant 1 : i32
    %jit3A_495 = arith.constant 0 : i32
    %broadcast_in_dim3A_496 = vector.broadcast %jit3A_494 : i32 to vector<16xi32>
    %broadcast_in_dim3A_497 = vector.broadcast %jit3A_495 : i32 to vector<16xi32>
    %select_n3A_498 = arith.select %eq3A_486, %broadcast_in_dim3A_496, %broadcast_in_dim3A_497 : vector<16xi1>, vector<16xi32>
    %add3A_499 = arith.addi %add3A_455, %select_n3A_498 : vector<16xi32>
    %ne3A_500 = arith.constant 0 : i32
    %ne3A_501 = vector.broadcast %ne3A_500 : i32 to vector<16xi32>
    %ne3A_502 = arith.cmpi ne, %select_n3A_493, %ne3A_501 : vector<16xi32>
    %jit3A_503 = arith.constant 1.000000e+00 : f32
    %jit3A_504 = arith.constant 0.000000e+00 : f32
    %broadcast_in_dim3A_505 = vector.broadcast %jit3A_503 : f32 to vector<16xf32>
    %broadcast_in_dim3A_506 = vector.broadcast %jit3A_504 : f32 to vector<16xf32>
    %select_n3A_507 = arith.select %ne3A_502, %broadcast_in_dim3A_505, %broadcast_in_dim3A_506 : vector<16xi1>, vector<16xf32>
    %add3A_508 = arith.addf %add3A_464, %select_n3A_507 : vector<16xf32>
    %swap3A_509 = arith.constant 11 : i32
    %swap3A_510 = arith.index_cast %swap3A_509 : i32 to index
    %swap3A_511 = arith.constant 0 : index
    %swap3A_512 = tpu.vector_load %arg7[%swap3A_510, %swap3A_511] {strides = array<i32>} : memref<20x16xi32, #tpu.memory_space<vmem>>, vector<16xi32>,
    tpu.vector_store %arg7[%swap3A_510, %swap3A_511], %select_n3A_493 {strides = array<i32>} : memref<20x16xi32, #tpu.memory_space<vmem>>, vector<16xi32>,
    %and3A_513 = arith.constant 7 : i32
    %and3A_514 = vector.broadcast %and3A_513 : i32 to vector<16xi32>
    %and3A_515 = arith.andi %select_n3A_493, %and3A_514 : vector<16xi32>
    %swap3A_516 = arith.constant 11 : i32
    %swap3A_517 = arith.index_cast %swap3A_516 : i32 to index
    %swap3A_518 = arith.constant 0 : index
    %swap3A_519 = tpu.vector_load %arg8[%swap3A_517, %swap3A_518] {strides = array<i32>} : memref<20x16xi32, #tpu.memory_space<vmem>>, vector<16xi32>,
    tpu.vector_store %arg8[%swap3A_517, %swap3A_518], %and3A_515 {strides = array<i32>} : memref<20x16xi32, #tpu.memory_space<vmem>>, vector<16xi32>,
    %swap3A_520 = arith.constant 11 : i32
    %swap3A_521 = arith.index_cast %swap3A_520 : i32 to index
    %swap3A_522 = arith.constant 0 : index
    %swap3A_523 = tpu.vector_load %arg9[%swap3A_521, %swap3A_522] {strides = array<i32>} : memref<20x16xf32, #tpu.memory_space<vmem>>, vector<16xf32>,
    tpu.vector_store %arg9[%swap3A_521, %swap3A_522], %select_n3A_507 {strides = array<i32>} : memref<20x16xf32, #tpu.memory_space<vmem>>, vector<16xf32>,
    %add3A_524 = arith.constant 3072 : i32
    %add3A_525 = arith.addi %add3A_524, %multiple_of3A : i32
    %get3A_526 = arith.index_cast %add3A_525 : i32 to index
    %get3A_527 = tpu.vector_load %arg6[%get3A_526] {strides = array<i32>} : memref<5120xi32, #tpu.memory_space<vmem>>, vector<16xi32>,
    %eq3A_528 = arith.constant 0 : i32
    %eq3A_529 = vector.broadcast %eq3A_528 : i32 to vector<16xi32>
    %eq3A_530 = arith.cmpi eq, %get3A_527, %eq3A_529 : vector<16xi32>
    %eq3A_531 = arith.constant 0 : i32
    %eq3A_532 = vector.broadcast %eq3A_531 : i32 to vector<16xi32>
    %eq3A_533 = arith.cmpi eq, %add3A_499, %eq3A_532 : vector<16xi32>
    %and3A_534 = arith.andi %eq3A_530, %eq3A_533 : vector<16xi1>
    %jit3A_535 = arith.constant 9999 : i32
    %broadcast_in_dim3A_536 = vector.broadcast %jit3A_535 : i32 to vector<16xi32>
    %select_n3A_537 = arith.select %and3A_534, %broadcast_in_dim3A_536, %get3A_527 : vector<16xi1>, vector<16xi32>
    %jit3A_538 = arith.constant 1 : i32
    %jit3A_539 = arith.constant 0 : i32
    %broadcast_in_dim3A_540 = vector.broadcast %jit3A_538 : i32 to vector<16xi32>
    %broadcast_in_dim3A_541 = vector.broadcast %jit3A_539 : i32 to vector<16xi32>
    %select_n3A_542 = arith.select %eq3A_530, %broadcast_in_dim3A_540, %broadcast_in_dim3A_541 : vector<16xi1>, vector<16xi32>
    %add3A_543 = arith.addi %add3A_499, %select_n3A_542 : vector<16xi32>
    %ne3A_544 = arith.constant 0 : i32
    %ne3A_545 = vector.broadcast %ne3A_544 : i32 to vector<16xi32>
    %ne3A_546 = arith.cmpi ne, %select_n3A_537, %ne3A_545 : vector<16xi32>
    %jit3A_547 = arith.constant 1.000000e+00 : f32
    %jit3A_548 = arith.constant 0.000000e+00 : f32
    %broadcast_in_dim3A_549 = vector.broadcast %jit3A_547 : f32 to vector<16xf32>
    %broadcast_in_dim3A_550 = vector.broadcast %jit3A_548 : f32 to vector<16xf32>
    %select_n3A_551 = arith.select %ne3A_546, %broadcast_in_dim3A_549, %broadcast_in_dim3A_550 : vector<16xi1>, vector<16xf32>
    %add3A_552 = arith.addf %add3A_508, %select_n3A_551 : vector<16xf32>
    %swap3A_553 = arith.constant 12 : i32
    %swap3A_554 = arith.index_cast %swap3A_553 : i32 to index
    %swap3A_555 = arith.constant 0 : index
    %swap3A_556 = tpu.vector_load %arg7[%swap3A_554, %swap3A_555] {strides = array<i32>} : memref<20x16xi32, #tpu.memory_space<vmem>>, vector<16xi32>,
    tpu.vector_store %arg7[%swap3A_554, %swap3A_555], %select_n3A_537 {strides = array<i32>} : memref<20x16xi32, #tpu.memory_space<vmem>>, vector<16xi32>,
    %and3A_557 = arith.constant 7 : i32
    %and3A_558 = vector.broadcast %and3A_557 : i32 to vector<16xi32>
    %and3A_559 = arith.andi %select_n3A_537, %and3A_558 : vector<16xi32>
    %swap3A_560 = arith.constant 12 : i32
    %swap3A_561 = arith.index_cast %swap3A_560 : i32 to index
    %swap3A_562 = arith.constant 0 : index
    %swap3A_563 = tpu.vector_load %arg8[%swap3A_561, %swap3A_562] {strides = array<i32>} : memref<20x16xi32, #tpu.memory_space<vmem>>, vector<16xi32>,
    tpu.vector_store %arg8[%swap3A_561, %swap3A_562], %and3A_559 {strides = array<i32>} : memref<20x16xi32, #tpu.memory_space<vmem>>, vector<16xi32>,
    %swap3A_564 = arith.constant 12 : i32
    %swap3A_565 = arith.index_cast %swap3A_564 : i32 to index
    %swap3A_566 = arith.constant 0 : index
    %swap3A_567 = tpu.vector_load %arg9[%swap3A_565, %swap3A_566] {strides = array<i32>} : memref<20x16xf32, #tpu.memory_space<vmem>>, vector<16xf32>,
    tpu.vector_store %arg9[%swap3A_565, %swap3A_566], %select_n3A_551 {strides = array<i32>} : memref<20x16xf32, #tpu.memory_space<vmem>>, vector<16xf32>,
    %add3A_568 = arith.constant 3328 : i32
    %add3A_569 = arith.addi %add3A_568, %multiple_of3A : i32
    %get3A_570 = arith.index_cast %add3A_569 : i32 to index
    %get3A_571 = tpu.vector_load %arg6[%get3A_570] {strides = array<i32>} : memref<5120xi32, #tpu.memory_space<vmem>>, vector<16xi32>,
    %eq3A_572 = arith.constant 0 : i32
    %eq3A_573 = vector.broadcast %eq3A_572 : i32 to vector<16xi32>
    %eq3A_574 = arith.cmpi eq, %get3A_571, %eq3A_573 : vector<16xi32>
    %eq3A_575 = arith.constant 0 : i32
    %eq3A_576 = vector.broadcast %eq3A_575 : i32 to vector<16xi32>
    %eq3A_577 = arith.cmpi eq, %add3A_543, %eq3A_576 : vector<16xi32>
    %and3A_578 = arith.andi %eq3A_574, %eq3A_577 : vector<16xi1>
    %jit3A_579 = arith.constant 9999 : i32
    %broadcast_in_dim3A_580 = vector.broadcast %jit3A_579 : i32 to vector<16xi32>
    %select_n3A_581 = arith.select %and3A_578, %broadcast_in_dim3A_580, %get3A_571 : vector<16xi1>, vector<16xi32>
    %jit3A_582 = arith.constant 1 : i32
    %jit3A_583 = arith.constant 0 : i32
    %broadcast_in_dim3A_584 = vector.broadcast %jit3A_582 : i32 to vector<16xi32>
    %broadcast_in_dim3A_585 = vector.broadcast %jit3A_583 : i32 to vector<16xi32>
    %select_n3A_586 = arith.select %eq3A_574, %broadcast_in_dim3A_584, %broadcast_in_dim3A_585 : vector<16xi1>, vector<16xi32>
    %add3A_587 = arith.addi %add3A_543, %select_n3A_586 : vector<16xi32>
    %ne3A_588 = arith.constant 0 : i32
    %ne3A_589 = vector.broadcast %ne3A_588 : i32 to vector<16xi32>
    %ne3A_590 = arith.cmpi ne, %select_n3A_581, %ne3A_589 : vector<16xi32>
    %jit3A_591 = arith.constant 1.000000e+00 : f32
    %jit3A_592 = arith.constant 0.000000e+00 : f32
    %broadcast_in_dim3A_593 = vector.broadcast %jit3A_591 : f32 to vector<16xf32>
    %broadcast_in_dim3A_594 = vector.broadcast %jit3A_592 : f32 to vector<16xf32>
    %select_n3A_595 = arith.select %ne3A_590, %broadcast_in_dim3A_593, %broadcast_in_dim3A_594 : vector<16xi1>, vector<16xf32>
    %add3A_596 = arith.addf %add3A_552, %select_n3A_595 : vector<16xf32>
    %swap3A_597 = arith.constant 13 : i32
    %swap3A_598 = arith.index_cast %swap3A_597 : i32 to index
    %swap3A_599 = arith.constant 0 : index
    %swap3A_600 = tpu.vector_load %arg7[%swap3A_598, %swap3A_599] {strides = array<i32>} : memref<20x16xi32, #tpu.memory_space<vmem>>, vector<16xi32>,
    tpu.vector_store %arg7[%swap3A_598, %swap3A_599], %select_n3A_581 {strides = array<i32>} : memref<20x16xi32, #tpu.memory_space<vmem>>, vector<16xi32>,
    %and3A_601 = arith.constant 7 : i32
    %and3A_602 = vector.broadcast %and3A_601 : i32 to vector<16xi32>
    %and3A_603 = arith.andi %select_n3A_581, %and3A_602 : vector<16xi32>
    %swap3A_604 = arith.constant 13 : i32
    %swap3A_605 = arith.index_cast %swap3A_604 : i32 to index
    %swap3A_606 = arith.constant 0 : index
    %swap3A_607 = tpu.vector_load %arg8[%swap3A_605, %swap3A_606] {strides = array<i32>} : memref<20x16xi32, #tpu.memory_space<vmem>>, vector<16xi32>,
    tpu.vector_store %arg8[%swap3A_605, %swap3A_606], %and3A_603 {strides = array<i32>} : memref<20x16xi32, #tpu.memory_space<vmem>>, vector<16xi32>,
    %swap3A_608 = arith.constant 13 : i32
    %swap3A_609 = arith.index_cast %swap3A_608 : i32 to index
    %swap3A_610 = arith.constant 0 : index
    %swap3A_611 = tpu.vector_load %arg9[%swap3A_609, %swap3A_610] {strides = array<i32>} : memref<20x16xf32, #tpu.memory_space<vmem>>, vector<16xf32>,
    tpu.vector_store %arg9[%swap3A_609, %swap3A_610], %select_n3A_595 {strides = array<i32>} : memref<20x16xf32, #tpu.memory_space<vmem>>, vector<16xf32>,
    %add3A_612 = arith.constant 3584 : i32
    %add3A_613 = arith.addi %add3A_612, %multiple_of3A : i32
    %get3A_614 = arith.index_cast %add3A_613 : i32 to index
    %get3A_615 = tpu.vector_load %arg6[%get3A_614] {strides = array<i32>} : memref<5120xi32, #tpu.memory_space<vmem>>, vector<16xi32>,
    %eq3A_616 = arith.constant 0 : i32
    %eq3A_617 = vector.broadcast %eq3A_616 : i32 to vector<16xi32>
    %eq3A_618 = arith.cmpi eq, %get3A_615, %eq3A_617 : vector<16xi32>
    %eq3A_619 = arith.constant 0 : i32
    %eq3A_620 = vector.broadcast %eq3A_619 : i32 to vector<16xi32>
    %eq3A_621 = arith.cmpi eq, %add3A_587, %eq3A_620 : vector<16xi32>
    %and3A_622 = arith.andi %eq3A_618, %eq3A_621 : vector<16xi1>
    %jit3A_623 = arith.constant 9999 : i32
    %broadcast_in_dim3A_624 = vector.broadcast %jit3A_623 : i32 to vector<16xi32>
    %select_n3A_625 = arith.select %and3A_622, %broadcast_in_dim3A_624, %get3A_615 : vector<16xi1>, vector<16xi32>
    %jit3A_626 = arith.constant 1 : i32
    %jit3A_627 = arith.constant 0 : i32
    %broadcast_in_dim3A_628 = vector.broadcast %jit3A_626 : i32 to vector<16xi32>
    %broadcast_in_dim3A_629 = vector.broadcast %jit3A_627 : i32 to vector<16xi32>
    %select_n3A_630 = arith.select %eq3A_618, %broadcast_in_dim3A_628, %broadcast_in_dim3A_629 : vector<16xi1>, vector<16xi32>
    %add3A_631 = arith.addi %add3A_587, %select_n3A_630 : vector<16xi32>
    %ne3A_632 = arith.constant 0 : i32
    %ne3A_633 = vector.broadcast %ne3A_632 : i32 to vector<16xi32>
    %ne3A_634 = arith.cmpi ne, %select_n3A_625, %ne3A_633 : vector<16xi32>
    %jit3A_635 = arith.constant 1.000000e+00 : f32
    %jit3A_636 = arith.constant 0.000000e+00 : f32
    %broadcast_in_dim3A_637 = vector.broadcast %jit3A_635 : f32 to vector<16xf32>
    %broadcast_in_dim3A_638 = vector.broadcast %jit3A_636 : f32 to vector<16xf32>
    %select_n3A_639 = arith.select %ne3A_634, %broadcast_in_dim3A_637, %broadcast_in_dim3A_638 : vector<16xi1>, vector<16xf32>
    %add3A_640 = arith.addf %add3A_596, %select_n3A_639 : vector<16xf32>
    %swap3A_641 = arith.constant 14 : i32
    %swap3A_642 = arith.index_cast %swap3A_641 : i32 to index
    %swap3A_643 = arith.constant 0 : index
    %swap3A_644 = tpu.vector_load %arg7[%swap3A_642, %swap3A_643] {strides = array<i32>} : memref<20x16xi32, #tpu.memory_space<vmem>>, vector<16xi32>,
    tpu.vector_store %arg7[%swap3A_642, %swap3A_643], %select_n3A_625 {strides = array<i32>} : memref<20x16xi32, #tpu.memory_space<vmem>>, vector<16xi32>,
    %and3A_645 = arith.constant 7 : i32
    %and3A_646 = vector.broadcast %and3A_645 : i32 to vector<16xi32>
    %and3A_647 = arith.andi %select_n3A_625, %and3A_646 : vector<16xi32>
    %swap3A_648 = arith.constant 14 : i32
    %swap3A_649 = arith.index_cast %swap3A_648 : i32 to index
    %swap3A_650 = arith.constant 0 : index
    %swap3A_651 = tpu.vector_load %arg8[%swap3A_649, %swap3A_650] {strides = array<i32>} : memref<20x16xi32, #tpu.memory_space<vmem>>, vector<16xi32>,
    tpu.vector_store %arg8[%swap3A_649, %swap3A_650], %and3A_647 {strides = array<i32>} : memref<20x16xi32, #tpu.memory_space<vmem>>, vector<16xi32>,
    %swap3A_652 = arith.constant 14 : i32
    %swap3A_653 = arith.index_cast %swap3A_652 : i32 to index
    %swap3A_654 = arith.constant 0 : index
    %swap3A_655 = tpu.vector_load %arg9[%swap3A_653, %swap3A_654] {strides = array<i32>} : memref<20x16xf32, #tpu.memory_space<vmem>>, vector<16xf32>,
    tpu.vector_store %arg9[%swap3A_653, %swap3A_654], %select_n3A_639 {strides = array<i32>} : memref<20x16xf32, #tpu.memory_space<vmem>>, vector<16xf32>,
    %add3A_656 = arith.constant 3840 : i32
    %add3A_657 = arith.addi %add3A_656, %multiple_of3A : i32
    %get3A_658 = arith.index_cast %add3A_657 : i32 to index
    %get3A_659 = tpu.vector_load %arg6[%get3A_658] {strides = array<i32>} : memref<5120xi32, #tpu.memory_space<vmem>>, vector<16xi32>,
    %eq3A_660 = arith.constant 0 : i32
    %eq3A_661 = vector.broadcast %eq3A_660 : i32 to vector<16xi32>
    %eq3A_662 = arith.cmpi eq, %get3A_659, %eq3A_661 : vector<16xi32>
    %eq3A_663 = arith.constant 0 : i32
    %eq3A_664 = vector.broadcast %eq3A_663 : i32 to vector<16xi32>
    %eq3A_665 = arith.cmpi eq, %add3A_631, %eq3A_664 : vector<16xi32>
    %and3A_666 = arith.andi %eq3A_662, %eq3A_665 : vector<16xi1>
    %jit3A_667 = arith.constant 9999 : i32
    %broadcast_in_dim3A_668 = vector.broadcast %jit3A_667 : i32 to vector<16xi32>
    %select_n3A_669 = arith.select %and3A_666, %broadcast_in_dim3A_668, %get3A_659 : vector<16xi1>, vector<16xi32>
    %jit3A_670 = arith.constant 1 : i32
    %jit3A_671 = arith.constant 0 : i32
    %broadcast_in_dim3A_672 = vector.broadcast %jit3A_670 : i32 to vector<16xi32>
    %broadcast_in_dim3A_673 = vector.broadcast %jit3A_671 : i32 to vector<16xi32>
    %select_n3A_674 = arith.select %eq3A_662, %broadcast_in_dim3A_672, %broadcast_in_dim3A_673 : vector<16xi1>, vector<16xi32>
    %add3A_675 = arith.addi %add3A_631, %select_n3A_674 : vector<16xi32>
    %ne3A_676 = arith.constant 0 : i32
    %ne3A_677 = vector.broadcast %ne3A_676 : i32 to vector<16xi32>
    %ne3A_678 = arith.cmpi ne, %select_n3A_669, %ne3A_677 : vector<16xi32>
    %jit3A_679 = arith.constant 1.000000e+00 : f32
    %jit3A_680 = arith.constant 0.000000e+00 : f32
    %broadcast_in_dim3A_681 = vector.broadcast %jit3A_679 : f32 to vector<16xf32>
    %broadcast_in_dim3A_682 = vector.broadcast %jit3A_680 : f32 to vector<16xf32>
    %select_n3A_683 = arith.select %ne3A_678, %broadcast_in_dim3A_681, %broadcast_in_dim3A_682 : vector<16xi1>, vector<16xf32>
    %add3A_684 = arith.addf %add3A_640, %select_n3A_683 : vector<16xf32>
    %swap3A_685 = arith.constant 15 : i32
    %swap3A_686 = arith.index_cast %swap3A_685 : i32 to index
    %swap3A_687 = arith.constant 0 : index
    %swap3A_688 = tpu.vector_load %arg7[%swap3A_686, %swap3A_687] {strides = array<i32>} : memref<20x16xi32, #tpu.memory_space<vmem>>, vector<16xi32>,
    tpu.vector_store %arg7[%swap3A_686, %swap3A_687], %select_n3A_669 {strides = array<i32>} : memref<20x16xi32, #tpu.memory_space<vmem>>, vector<16xi32>,
    %and3A_689 = arith.constant 7 : i32
    %and3A_690 = vector.broadcast %and3A_689 : i32 to vector<16xi32>
    %and3A_691 = arith.andi %select_n3A_669, %and3A_690 : vector<16xi32>
    %swap3A_692 = arith.constant 15 : i32
    %swap3A_693 = arith.index_cast %swap3A_692 : i32 to index
    %swap3A_694 = arith.constant 0 : index
    %swap3A_695 = tpu.vector_load %arg8[%swap3A_693, %swap3A_694] {strides = array<i32>} : memref<20x16xi32, #tpu.memory_space<vmem>>, vector<16xi32>,
    tpu.vector_store %arg8[%swap3A_693, %swap3A_694], %and3A_691 {strides = array<i32>} : memref<20x16xi32, #tpu.memory_space<vmem>>, vector<16xi32>,
    %swap3A_696 = arith.constant 15 : i32
    %swap3A_697 = arith.index_cast %swap3A_696 : i32 to index
    %swap3A_698 = arith.constant 0 : index
    %swap3A_699 = tpu.vector_load %arg9[%swap3A_697, %swap3A_698] {strides = array<i32>} : memref<20x16xf32, #tpu.memory_space<vmem>>, vector<16xf32>,
    tpu.vector_store %arg9[%swap3A_697, %swap3A_698], %select_n3A_683 {strides = array<i32>} : memref<20x16xf32, #tpu.memory_space<vmem>>, vector<16xf32>,
    %add3A_700 = arith.constant 4096 : i32
    %add3A_701 = arith.addi %add3A_700, %multiple_of3A : i32
    %get3A_702 = arith.index_cast %add3A_701 : i32 to index
    %get3A_703 = tpu.vector_load %arg6[%get3A_702] {strides = array<i32>} : memref<5120xi32, #tpu.memory_space<vmem>>, vector<16xi32>,
    %eq3A_704 = arith.constant 0 : i32
    %eq3A_705 = vector.broadcast %eq3A_704 : i32 to vector<16xi32>
    %eq3A_706 = arith.cmpi eq, %get3A_703, %eq3A_705 : vector<16xi32>
    %eq3A_707 = arith.constant 0 : i32
    %eq3A_708 = vector.broadcast %eq3A_707 : i32 to vector<16xi32>
    %eq3A_709 = arith.cmpi eq, %add3A_675, %eq3A_708 : vector<16xi32>
    %and3A_710 = arith.andi %eq3A_706, %eq3A_709 : vector<16xi1>
    %jit3A_711 = arith.constant 9999 : i32
    %broadcast_in_dim3A_712 = vector.broadcast %jit3A_711 : i32 to vector<16xi32>
    %select_n3A_713 = arith.select %and3A_710, %broadcast_in_dim3A_712, %get3A_703 : vector<16xi1>, vector<16xi32>
    %jit3A_714 = arith.constant 1 : i32
    %jit3A_715 = arith.constant 0 : i32
    %broadcast_in_dim3A_716 = vector.broadcast %jit3A_714 : i32 to vector<16xi32>
    %broadcast_in_dim3A_717 = vector.broadcast %jit3A_715 : i32 to vector<16xi32>
    %select_n3A_718 = arith.select %eq3A_706, %broadcast_in_dim3A_716, %broadcast_in_dim3A_717 : vector<16xi1>, vector<16xi32>
    %add3A_719 = arith.addi %add3A_675, %select_n3A_718 : vector<16xi32>
    %ne3A_720 = arith.constant 0 : i32
    %ne3A_721 = vector.broadcast %ne3A_720 : i32 to vector<16xi32>
    %ne3A_722 = arith.cmpi ne, %select_n3A_713, %ne3A_721 : vector<16xi32>
    %jit3A_723 = arith.constant 1.000000e+00 : f32
    %jit3A_724 = arith.constant 0.000000e+00 : f32
    %broadcast_in_dim3A_725 = vector.broadcast %jit3A_723 : f32 to vector<16xf32>
    %broadcast_in_dim3A_726 = vector.broadcast %jit3A_724 : f32 to vector<16xf32>
    %select_n3A_727 = arith.select %ne3A_722, %broadcast_in_dim3A_725, %broadcast_in_dim3A_726 : vector<16xi1>, vector<16xf32>
    %add3A_728 = arith.addf %add3A_684, %select_n3A_727 : vector<16xf32>
    %swap3A_729 = arith.constant 16 : i32
    %swap3A_730 = arith.index_cast %swap3A_729 : i32 to index
    %swap3A_731 = arith.constant 0 : index
    %swap3A_732 = tpu.vector_load %arg7[%swap3A_730, %swap3A_731] {strides = array<i32>} : memref<20x16xi32, #tpu.memory_space<vmem>>, vector<16xi32>,
    tpu.vector_store %arg7[%swap3A_730, %swap3A_731], %select_n3A_713 {strides = array<i32>} : memref<20x16xi32, #tpu.memory_space<vmem>>, vector<16xi32>,
    %and3A_733 = arith.constant 7 : i32
    %and3A_734 = vector.broadcast %and3A_733 : i32 to vector<16xi32>
    %and3A_735 = arith.andi %select_n3A_713, %and3A_734 : vector<16xi32>
    %swap3A_736 = arith.constant 16 : i32
    %swap3A_737 = arith.index_cast %swap3A_736 : i32 to index
    %swap3A_738 = arith.constant 0 : index
    %swap3A_739 = tpu.vector_load %arg8[%swap3A_737, %swap3A_738] {strides = array<i32>} : memref<20x16xi32, #tpu.memory_space<vmem>>, vector<16xi32>,
    tpu.vector_store %arg8[%swap3A_737, %swap3A_738], %and3A_735 {strides = array<i32>} : memref<20x16xi32, #tpu.memory_space<vmem>>, vector<16xi32>,
    %swap3A_740 = arith.constant 16 : i32
    %swap3A_741 = arith.index_cast %swap3A_740 : i32 to index
    %swap3A_742 = arith.constant 0 : index
    %swap3A_743 = tpu.vector_load %arg9[%swap3A_741, %swap3A_742] {strides = array<i32>} : memref<20x16xf32, #tpu.memory_space<vmem>>, vector<16xf32>,
    tpu.vector_store %arg9[%swap3A_741, %swap3A_742], %select_n3A_727 {strides = array<i32>} : memref<20x16xf32, #tpu.memory_space<vmem>>, vector<16xf32>,
    %add3A_744 = arith.constant 4352 : i32
    %add3A_745 = arith.addi %add3A_744, %multiple_of3A : i32
    %get3A_746 = arith.index_cast %add3A_745 : i32 to index
    %get3A_747 = tpu.vector_load %arg6[%get3A_746] {strides = array<i32>} : memref<5120xi32, #tpu.memory_space<vmem>>, vector<16xi32>,
    %eq3A_748 = arith.constant 0 : i32
    %eq3A_749 = vector.broadcast %eq3A_748 : i32 to vector<16xi32>
    %eq3A_750 = arith.cmpi eq, %get3A_747, %eq3A_749 : vector<16xi32>
    %eq3A_751 = arith.constant 0 : i32
    %eq3A_752 = vector.broadcast %eq3A_751 : i32 to vector<16xi32>
    %eq3A_753 = arith.cmpi eq, %add3A_719, %eq3A_752 : vector<16xi32>
    %and3A_754 = arith.andi %eq3A_750, %eq3A_753 : vector<16xi1>
    %jit3A_755 = arith.constant 9999 : i32
    %broadcast_in_dim3A_756 = vector.broadcast %jit3A_755 : i32 to vector<16xi32>
    %select_n3A_757 = arith.select %and3A_754, %broadcast_in_dim3A_756, %get3A_747 : vector<16xi1>, vector<16xi32>
    %jit3A_758 = arith.constant 1 : i32
    %jit3A_759 = arith.constant 0 : i32
    %broadcast_in_dim3A_760 = vector.broadcast %jit3A_758 : i32 to vector<16xi32>
    %broadcast_in_dim3A_761 = vector.broadcast %jit3A_759 : i32 to vector<16xi32>
    %select_n3A_762 = arith.select %eq3A_750, %broadcast_in_dim3A_760, %broadcast_in_dim3A_761 : vector<16xi1>, vector<16xi32>
    %add3A_763 = arith.addi %add3A_719, %select_n3A_762 : vector<16xi32>
    %ne3A_764 = arith.constant 0 : i32
    %ne3A_765 = vector.broadcast %ne3A_764 : i32 to vector<16xi32>
    %ne3A_766 = arith.cmpi ne, %select_n3A_757, %ne3A_765 : vector<16xi32>
    %jit3A_767 = arith.constant 1.000000e+00 : f32
    %jit3A_768 = arith.constant 0.000000e+00 : f32
    %broadcast_in_dim3A_769 = vector.broadcast %jit3A_767 : f32 to vector<16xf32>
    %broadcast_in_dim3A_770 = vector.broadcast %jit3A_768 : f32 to vector<16xf32>
    %select_n3A_771 = arith.select %ne3A_766, %broadcast_in_dim3A_769, %broadcast_in_dim3A_770 : vector<16xi1>, vector<16xf32>
    %add3A_772 = arith.addf %add3A_728, %select_n3A_771 : vector<16xf32>
    %swap3A_773 = arith.constant 17 : i32
    %swap3A_774 = arith.index_cast %swap3A_773 : i32 to index
    %swap3A_775 = arith.constant 0 : index
    %swap3A_776 = tpu.vector_load %arg7[%swap3A_774, %swap3A_775] {strides = array<i32>} : memref<20x16xi32, #tpu.memory_space<vmem>>, vector<16xi32>,
    tpu.vector_store %arg7[%swap3A_774, %swap3A_775], %select_n3A_757 {strides = array<i32>} : memref<20x16xi32, #tpu.memory_space<vmem>>, vector<16xi32>,
    %and3A_777 = arith.constant 7 : i32
    %and3A_778 = vector.broadcast %and3A_777 : i32 to vector<16xi32>
    %and3A_779 = arith.andi %select_n3A_757, %and3A_778 : vector<16xi32>
    %swap3A_780 = arith.constant 17 : i32
    %swap3A_781 = arith.index_cast %swap3A_780 : i32 to index
    %swap3A_782 = arith.constant 0 : index
    %swap3A_783 = tpu.vector_load %arg8[%swap3A_781, %swap3A_782] {strides = array<i32>} : memref<20x16xi32, #tpu.memory_space<vmem>>, vector<16xi32>,
    tpu.vector_store %arg8[%swap3A_781, %swap3A_782], %and3A_779 {strides = array<i32>} : memref<20x16xi32, #tpu.memory_space<vmem>>, vector<16xi32>,
    %swap3A_784 = arith.constant 17 : i32
    %swap3A_785 = arith.index_cast %swap3A_784 : i32 to index
    %swap3A_786 = arith.constant 0 : index
    %swap3A_787 = tpu.vector_load %arg9[%swap3A_785, %swap3A_786] {strides = array<i32>} : memref<20x16xf32, #tpu.memory_space<vmem>>, vector<16xf32>,
    tpu.vector_store %arg9[%swap3A_785, %swap3A_786], %select_n3A_771 {strides = array<i32>} : memref<20x16xf32, #tpu.memory_space<vmem>>, vector<16xf32>,
    %add3A_788 = arith.constant 4608 : i32
    %add3A_789 = arith.addi %add3A_788, %multiple_of3A : i32
    %get3A_790 = arith.index_cast %add3A_789 : i32 to index
    %get3A_791 = tpu.vector_load %arg6[%get3A_790] {strides = array<i32>} : memref<5120xi32, #tpu.memory_space<vmem>>, vector<16xi32>,
    %eq3A_792 = arith.constant 0 : i32
    %eq3A_793 = vector.broadcast %eq3A_792 : i32 to vector<16xi32>
    %eq3A_794 = arith.cmpi eq, %get3A_791, %eq3A_793 : vector<16xi32>
    %eq3A_795 = arith.constant 0 : i32
    %eq3A_796 = vector.broadcast %eq3A_795 : i32 to vector<16xi32>
    %eq3A_797 = arith.cmpi eq, %add3A_763, %eq3A_796 : vector<16xi32>
    %and3A_798 = arith.andi %eq3A_794, %eq3A_797 : vector<16xi1>
    %jit3A_799 = arith.constant 9999 : i32
    %broadcast_in_dim3A_800 = vector.broadcast %jit3A_799 : i32 to vector<16xi32>
    %select_n3A_801 = arith.select %and3A_798, %broadcast_in_dim3A_800, %get3A_791 : vector<16xi1>, vector<16xi32>
    %jit3A_802 = arith.constant 1 : i32
    %jit3A_803 = arith.constant 0 : i32
    %broadcast_in_dim3A_804 = vector.broadcast %jit3A_802 : i32 to vector<16xi32>
    %broadcast_in_dim3A_805 = vector.broadcast %jit3A_803 : i32 to vector<16xi32>
    %select_n3A_806 = arith.select %eq3A_794, %broadcast_in_dim3A_804, %broadcast_in_dim3A_805 : vector<16xi1>, vector<16xi32>
    %add3A_807 = arith.addi %add3A_763, %select_n3A_806 : vector<16xi32>
    %ne3A_808 = arith.constant 0 : i32
    %ne3A_809 = vector.broadcast %ne3A_808 : i32 to vector<16xi32>
    %ne3A_810 = arith.cmpi ne, %select_n3A_801, %ne3A_809 : vector<16xi32>
    %jit3A_811 = arith.constant 1.000000e+00 : f32
    %jit3A_812 = arith.constant 0.000000e+00 : f32
    %broadcast_in_dim3A_813 = vector.broadcast %jit3A_811 : f32 to vector<16xf32>
    %broadcast_in_dim3A_814 = vector.broadcast %jit3A_812 : f32 to vector<16xf32>
    %select_n3A_815 = arith.select %ne3A_810, %broadcast_in_dim3A_813, %broadcast_in_dim3A_814 : vector<16xi1>, vector<16xf32>
    %add3A_816 = arith.addf %add3A_772, %select_n3A_815 : vector<16xf32>
    %swap3A_817 = arith.constant 18 : i32
    %swap3A_818 = arith.index_cast %swap3A_817 : i32 to index
    %swap3A_819 = arith.constant 0 : index
    %swap3A_820 = tpu.vector_load %arg7[%swap3A_818, %swap3A_819] {strides = array<i32>} : memref<20x16xi32, #tpu.memory_space<vmem>>, vector<16xi32>,
    tpu.vector_store %arg7[%swap3A_818, %swap3A_819], %select_n3A_801 {strides = array<i32>} : memref<20x16xi32, #tpu.memory_space<vmem>>, vector<16xi32>,
    %and3A_821 = arith.constant 7 : i32
    %and3A_822 = vector.broadcast %and3A_821 : i32 to vector<16xi32>
    %and3A_823 = arith.andi %select_n3A_801, %and3A_822 : vector<16xi32>
    %swap3A_824 = arith.constant 18 : i32
    %swap3A_825 = arith.index_cast %swap3A_824 : i32 to index
    %swap3A_826 = arith.constant 0 : index
    %swap3A_827 = tpu.vector_load %arg8[%swap3A_825, %swap3A_826] {strides = array<i32>} : memref<20x16xi32, #tpu.memory_space<vmem>>, vector<16xi32>,
    tpu.vector_store %arg8[%swap3A_825, %swap3A_826], %and3A_823 {strides = array<i32>} : memref<20x16xi32, #tpu.memory_space<vmem>>, vector<16xi32>,
    %swap3A_828 = arith.constant 18 : i32
    %swap3A_829 = arith.index_cast %swap3A_828 : i32 to index
    %swap3A_830 = arith.constant 0 : index
    %swap3A_831 = tpu.vector_load %arg9[%swap3A_829, %swap3A_830] {strides = array<i32>} : memref<20x16xf32, #tpu.memory_space<vmem>>, vector<16xf32>,
    tpu.vector_store %arg9[%swap3A_829, %swap3A_830], %select_n3A_815 {strides = array<i32>} : memref<20x16xf32, #tpu.memory_space<vmem>>, vector<16xf32>,
    %add3A_832 = arith.constant 4864 : i32
    %add3A_833 = arith.addi %add3A_832, %multiple_of3A : i32
    %get3A_834 = arith.index_cast %add3A_833 : i32 to index
    %get3A_835 = tpu.vector_load %arg6[%get3A_834] {strides = array<i32>} : memref<5120xi32, #tpu.memory_space<vmem>>, vector<16xi32>,
    %eq3A_836 = arith.constant 0 : i32
    %eq3A_837 = vector.broadcast %eq3A_836 : i32 to vector<16xi32>
    %eq3A_838 = arith.cmpi eq, %get3A_835, %eq3A_837 : vector<16xi32>
    %eq3A_839 = arith.constant 0 : i32
    %eq3A_840 = vector.broadcast %eq3A_839 : i32 to vector<16xi32>
    %eq3A_841 = arith.cmpi eq, %add3A_807, %eq3A_840 : vector<16xi32>
    %and3A_842 = arith.andi %eq3A_838, %eq3A_841 : vector<16xi1>
    %jit3A_843 = arith.constant 9999 : i32
    %broadcast_in_dim3A_844 = vector.broadcast %jit3A_843 : i32 to vector<16xi32>
    %select_n3A_845 = arith.select %and3A_842, %broadcast_in_dim3A_844, %get3A_835 : vector<16xi1>, vector<16xi32>
    %jit3A_846 = arith.constant 1 : i32
    %jit3A_847 = arith.constant 0 : i32
    %broadcast_in_dim3A_848 = vector.broadcast %jit3A_846 : i32 to vector<16xi32>
    %broadcast_in_dim3A_849 = vector.broadcast %jit3A_847 : i32 to vector<16xi32>
    %select_n3A_850 = arith.select %eq3A_838, %broadcast_in_dim3A_848, %broadcast_in_dim3A_849 : vector<16xi1>, vector<16xi32>
    %add3A_851 = arith.addi %add3A_807, %select_n3A_850 : vector<16xi32>
    %ne3A_852 = arith.constant 0 : i32
    %ne3A_853 = vector.broadcast %ne3A_852 : i32 to vector<16xi32>
    %ne3A_854 = arith.cmpi ne, %select_n3A_845, %ne3A_853 : vector<16xi32>
    %jit3A_855 = arith.constant 1.000000e+00 : f32
    %jit3A_856 = arith.constant 0.000000e+00 : f32
    %broadcast_in_dim3A_857 = vector.broadcast %jit3A_855 : f32 to vector<16xf32>
    %broadcast_in_dim3A_858 = vector.broadcast %jit3A_856 : f32 to vector<16xf32>
    %select_n3A_859 = arith.select %ne3A_854, %broadcast_in_dim3A_857, %broadcast_in_dim3A_858 : vector<16xi1>, vector<16xf32>
    %add3A_860 = arith.addf %add3A_816, %select_n3A_859 : vector<16xf32>
    %swap3A_861 = arith.constant 19 : i32
    %swap3A_862 = arith.index_cast %swap3A_861 : i32 to index
    %swap3A_863 = arith.constant 0 : index
    %swap3A_864 = tpu.vector_load %arg7[%swap3A_862, %swap3A_863] {strides = array<i32>} : memref<20x16xi32, #tpu.memory_space<vmem>>, vector<16xi32>,
    tpu.vector_store %arg7[%swap3A_862, %swap3A_863], %select_n3A_845 {strides = array<i32>} : memref<20x16xi32, #tpu.memory_space<vmem>>, vector<16xi32>,
    %and3A_865 = arith.constant 7 : i32
    %and3A_866 = vector.broadcast %and3A_865 : i32 to vector<16xi32>
    %and3A_867 = arith.andi %select_n3A_845, %and3A_866 : vector<16xi32>
    %swap3A_868 = arith.constant 19 : i32
    %swap3A_869 = arith.index_cast %swap3A_868 : i32 to index
    %swap3A_870 = arith.constant 0 : index
    %swap3A_871 = tpu.vector_load %arg8[%swap3A_869, %swap3A_870] {strides = array<i32>} : memref<20x16xi32, #tpu.memory_space<vmem>>, vector<16xi32>,
    tpu.vector_store %arg8[%swap3A_869, %swap3A_870], %and3A_867 {strides = array<i32>} : memref<20x16xi32, #tpu.memory_space<vmem>>, vector<16xi32>,
    %swap3A_872 = arith.constant 19 : i32
    %swap3A_873 = arith.index_cast %swap3A_872 : i32 to index
    %swap3A_874 = arith.constant 0 : index
    %swap3A_875 = tpu.vector_load %arg9[%swap3A_873, %swap3A_874] {strides = array<i32>} : memref<20x16xf32, #tpu.memory_space<vmem>>, vector<16xf32>,
    tpu.vector_store %arg9[%swap3A_873, %swap3A_874], %select_n3A_859 {strides = array<i32>} : memref<20x16xf32, #tpu.memory_space<vmem>>, vector<16xf32>,
    %swap3A_876 = arith.constant 1 : i32
    %swap3A_877 = arith.index_cast %swap3A_876 : i32 to index
    %swap3A_878 = arith.constant 0 : index
    %swap3A_879 = tpu.vector_load %arg11[%swap3A_877, %swap3A_878] {strides = array<i32>} : memref<2x16xf32, #tpu.memory_space<vmem>>, vector<16xf32>,
    tpu.vector_store %arg11[%swap3A_877, %swap3A_878], %add3A_860 {strides = array<i32>} : memref<2x16xf32, #tpu.memory_space<vmem>>, vector<16xf32>,
    %broadcast_in_dim3A_880 = arith.constant 0.000000e+00 : f32
    %broadcast_in_dim3A_881 = vector.broadcast %broadcast_in_dim3A_880 : f32 to vector<16xf32>
    %swap3A_882 = arith.constant 0 : index
    %swap3A_883 = tpu.vector_load %arg14[%swap3A_882] {strides = array<i32>} : memref<16xf32, #tpu.memory_space<vmem>>, vector<16xf32>,
    tpu.vector_store %arg14[%swap3A_882], %broadcast_in_dim3A_881 {strides = array<i32>} : memref<16xf32, #tpu.memory_space<vmem>>, vector<16xf32>,
    %jit3A_884 = arith.constant 8 : i32
    %div3A = arith.divsi %arg1, %jit3A_884 : i32
    %sign3A = arith.constant 0 : i32
    %sign3A_885 = arith.cmpi sgt, %arg1, %sign3A : i32
    %sign3A_886 = arith.extui %sign3A_885 : i1 to i32
    %sign3A_887 = arith.constant 0 : i32
    %sign3A_888 = arith.cmpi slt, %arg1, %sign3A_887 : i32
    %sign3A_889 = arith.extui %sign3A_888 : i1 to i32
    %sign3A_890 = arith.subi %sign3A_886, %sign3A_889 : i32
    %sign3A_891 = arith.constant 0 : i32
    %sign3A_892 = arith.cmpi sgt, %jit3A_884, %sign3A_891 : i32
    %sign3A_893 = arith.extui %sign3A_892 : i1 to i32
    %sign3A_894 = arith.constant 0 : i32
    %sign3A_895 = arith.cmpi slt, %jit3A_884, %sign3A_894 : i32
    %sign3A_896 = arith.extui %sign3A_895 : i1 to i32
    %sign3A_897 = arith.subi %sign3A_893, %sign3A_896 : i32
    %ne3A_898 = arith.cmpi ne, %sign3A_890, %sign3A_897 : i32
    %rem3A = arith.remsi %arg1, %jit3A_884 : i32
    %ne3A_899 = arith.constant 0 : i32
    %ne3A_900 = arith.cmpi ne, %rem3A, %ne3A_899 : i32
    %and3A_901 = arith.andi %ne3A_898, %ne3A_900 : i1
    %sub3A = arith.constant 1 : i32
    %sub3A_902 = arith.subi %div3A, %sub3A : i32
    %select_n3A_903 = arith.select %and3A_901, %sub3A_902, %div3A : i32
    %mul3A_904 = arith.constant 128 : i32
    %mul3A_905 = arith.muli %select_n3A_903, %mul3A_904 : i32
    %multiple_of3A_906 = tpu.assume_multiple %mul3A_905, 128 : i32
    %scan3A = arith.constant 0 : i32
    %scan3A_907 = arith.constant 0 : i32
    %scan3A_908 = arith.constant 20 : i32
    %scan3A_909 = arith.addi %scan3A_907, %scan3A_908 : i32
    %scan3A_910 = arith.constant 1 : i32
    %scan3A_911 = scf.for %scan3A_922 = %scan3A_907 to %scan3A_909 step %scan3A_910 iter_args(%scan3A_923 = %scan3A) -> (i32)  : i32 {
      %get3A_924 = arith.index_cast %scan3A_922 : i32 to index
      %get3A_925 = arith.constant 0 : index
      %get3A_926 = tpu.vector_load %arg7[%get3A_924, %get3A_925] {strides = array<i32>} : memref<20x16xi32, #tpu.memory_space<vmem>>, vector<16xi32>,
      %slice3A = vector.extract_strided_slice %get3A_926 {offsets = [0], sizes = [1], strides = [1]} : vector<16xi32> to vector<1xi32>
      %squeeze3A = vector.extract %slice3A[0] : i32 from vector<1xi32>
      %add3A_927 = arith.constant 1 : i32
      %add3A_928 = arith.addi %scan3A_922, %add3A_927 : i32
      %dma_start3A = arith.constant 0 : i32
      %dma_start3A_929 = arith.constant 0 : i32
      %dma_start3A_930 = tpu.memref_slice %arg10[%dma_start3A, %dma_start3A_929] : memref<16x128xf32, #tpu.memory_space<vmem>> -> memref<1x128xf32, #tpu.memory_space<vmem>>
      %dma_start3A_931 = tpu.memref_squeeze %dma_start3A_930 : memref<1x128xf32, #tpu.memory_space<vmem>> -> memref<128xf32, #tpu.memory_space<vmem>>
      %dma_start3A_932 = tpu.memref_slice %arg2[%add3A_928, %squeeze3A, %multiple_of3A_906] : memref<22x10000x256xf32, #tpu.memory_space<hbm>> -> memref<1x1x128xf32, #tpu.memory_space<hbm>>
      %dma_start3A_933 = tpu.memref_squeeze %dma_start3A_932 : memref<1x1x128xf32, #tpu.memory_space<hbm>> -> memref<128xf32, #tpu.memory_space<hbm>>
      %dma_start3A_934 = arith.constant 0 : i32
      %dma_start3A_935 = tpu.memref_slice %arg10[%dma_start3A, %dma_start3A_934] : memref<16x128xf32, #tpu.memory_space<vmem>> -> memref<1x128xf32, #tpu.memory_space<vmem>>
      %dma_start3A_936 = tpu.memref_squeeze %dma_start3A_935 : memref<1x128xf32, #tpu.memory_space<vmem>> -> memref<128xf32, #tpu.memory_space<vmem>>
      %dma_start3A_937 = tpu.memref_slice %arg2[%add3A_928, %squeeze3A, %multiple_of3A_906] : memref<22x10000x256xf32, #tpu.memory_space<hbm>> -> memref<1x1x128xf32, #tpu.memory_space<hbm>>
      %dma_start3A_938 = tpu.memref_squeeze %dma_start3A_937 : memref<1x1x128xf32, #tpu.memory_space<hbm>> -> memref<128xf32, #tpu.memory_space<hbm>>
      tpu.enqueue_dma source(%dma_start3A_938 : memref<128xf32, #tpu.memory_space<hbm>>) target(%dma_start3A_936 : memref<128xf32, #tpu.memory_space<vmem>>) target_semaphore(%arg15 : memref<!tpu.dma_semaphore, #tpu.memory_space<semaphore_mem>>)
      %slice3A_939 = vector.extract_strided_slice %get3A_926 {offsets = [1], sizes = [1], strides = [1]} : vector<16xi32> to vector<1xi32>
      %squeeze3A_940 = vector.extract %slice3A_939[0] : i32 from vector<1xi32>
      %add3A_941 = arith.constant 1 : i32
      %add3A_942 = arith.addi %scan3A_922, %add3A_941 : i32
      %dma_start3A_943 = arith.constant 1 : i32
      %dma_start3A_944 = arith.constant 0 : i32
      %dma_start3A_945 = tpu.memref_slice %arg10[%dma_start3A_943, %dma_start3A_944] : memref<16x128xf32, #tpu.memory_space<vmem>> -> memref<1x128xf32, #tpu.memory_space<vmem>>
      %dma_start3A_946 = tpu.memref_squeeze %dma_start3A_945 : memref<1x128xf32, #tpu.memory_space<vmem>> -> memref<128xf32, #tpu.memory_space<vmem>>
      %dma_start3A_947 = tpu.memref_slice %arg2[%add3A_942, %squeeze3A_940, %multiple_of3A_906] : memref<22x10000x256xf32, #tpu.memory_space<hbm>> -> memref<1x1x128xf32, #tpu.memory_space<hbm>>
      %dma_start3A_948 = tpu.memref_squeeze %dma_start3A_947 : memref<1x1x128xf32, #tpu.memory_space<hbm>> -> memref<128xf32, #tpu.memory_space<hbm>>
      %dma_start3A_949 = arith.constant 0 : i32
      %dma_start3A_950 = tpu.memref_slice %arg10[%dma_start3A_943, %dma_start3A_949] : memref<16x128xf32, #tpu.memory_space<vmem>> -> memref<1x128xf32, #tpu.memory_space<vmem>>
      %dma_start3A_951 = tpu.memref_squeeze %dma_start3A_950 : memref<1x128xf32, #tpu.memory_space<vmem>> -> memref<128xf32, #tpu.memory_space<vmem>>
      %dma_start3A_952 = tpu.memref_slice %arg2[%add3A_942, %squeeze3A_940, %multiple_of3A_906] : memref<22x10000x256xf32, #tpu.memory_space<hbm>> -> memref<1x1x128xf32, #tpu.memory_space<hbm>>
      %dma_start3A_953 = tpu.memref_squeeze %dma_start3A_952 : memref<1x1x128xf32, #tpu.memory_space<hbm>> -> memref<128xf32, #tpu.memory_space<hbm>>
      tpu.enqueue_dma source(%dma_start3A_953 : memref<128xf32, #tpu.memory_space<hbm>>) target(%dma_start3A_951 : memref<128xf32, #tpu.memory_space<vmem>>) target_semaphore(%arg15 : memref<!tpu.dma_semaphore, #tpu.memory_space<semaphore_mem>>)
      %slice3A_954 = vector.extract_strided_slice %get3A_926 {offsets = [2], sizes = [1], strides = [1]} : vector<16xi32> to vector<1xi32>
      %squeeze3A_955 = vector.extract %slice3A_954[0] : i32 from vector<1xi32>
      %add3A_956 = arith.constant 1 : i32
      %add3A_957 = arith.addi %scan3A_922, %add3A_956 : i32
      %dma_start3A_958 = arith.constant 2 : i32
      %dma_start3A_959 = arith.constant 0 : i32
      %dma_start3A_960 = tpu.memref_slice %arg10[%dma_start3A_958, %dma_start3A_959] : memref<16x128xf32, #tpu.memory_space<vmem>> -> memref<1x128xf32, #tpu.memory_space<vmem>>
      %dma_start3A_961 = tpu.memref_squeeze %dma_start3A_960 : memref<1x128xf32, #tpu.memory_space<vmem>> -> memref<128xf32, #tpu.memory_space<vmem>>
      %dma_start3A_962 = tpu.memref_slice %arg2[%add3A_957, %squeeze3A_955, %multiple_of3A_906] : memref<22x10000x256xf32, #tpu.memory_space<hbm>> -> memref<1x1x128xf32, #tpu.memory_space<hbm>>
      %dma_start3A_963 = tpu.memref_squeeze %dma_start3A_962 : memref<1x1x128xf32, #tpu.memory_space<hbm>> -> memref<128xf32, #tpu.memory_space<hbm>>
      %dma_start3A_964 = arith.constant 0 : i32
      %dma_start3A_965 = tpu.memref_slice %arg10[%dma_start3A_958, %dma_start3A_964] : memref<16x128xf32, #tpu.memory_space<vmem>> -> memref<1x128xf32, #tpu.memory_space<vmem>>
      %dma_start3A_966 = tpu.memref_squeeze %dma_start3A_965 : memref<1x128xf32, #tpu.memory_space<vmem>> -> memref<128xf32, #tpu.memory_space<vmem>>
      %dma_start3A_967 = tpu.memref_slice %arg2[%add3A_957, %squeeze3A_955, %multiple_of3A_906] : memref<22x10000x256xf32, #tpu.memory_space<hbm>> -> memref<1x1x128xf32, #tpu.memory_space<hbm>>
      %dma_start3A_968 = tpu.memref_squeeze %dma_start3A_967 : memref<1x1x128xf32, #tpu.memory_space<hbm>> -> memref<128xf32, #tpu.memory_space<hbm>>
      tpu.enqueue_dma source(%dma_start3A_968 : memref<128xf32, #tpu.memory_space<hbm>>) target(%dma_start3A_966 : memref<128xf32, #tpu.memory_space<vmem>>) target_semaphore(%arg15 : memref<!tpu.dma_semaphore, #tpu.memory_space<semaphore_mem>>)
      %slice3A_969 = vector.extract_strided_slice %get3A_926 {offsets = [3], sizes = [1], strides = [1]} : vector<16xi32> to vector<1xi32>
      %squeeze3A_970 = vector.extract %slice3A_969[0] : i32 from vector<1xi32>
      %add3A_971 = arith.constant 1 : i32
      %add3A_972 = arith.addi %scan3A_922, %add3A_971 : i32
      %dma_start3A_973 = arith.constant 3 : i32
      %dma_start3A_974 = arith.constant 0 : i32
      %dma_start3A_975 = tpu.memref_slice %arg10[%dma_start3A_973, %dma_start3A_974] : memref<16x128xf32, #tpu.memory_space<vmem>> -> memref<1x128xf32, #tpu.memory_space<vmem>>
      %dma_start3A_976 = tpu.memref_squeeze %dma_start3A_975 : memref<1x128xf32, #tpu.memory_space<vmem>> -> memref<128xf32, #tpu.memory_space<vmem>>
      %dma_start3A_977 = tpu.memref_slice %arg2[%add3A_972, %squeeze3A_970, %multiple_of3A_906] : memref<22x10000x256xf32, #tpu.memory_space<hbm>> -> memref<1x1x128xf32, #tpu.memory_space<hbm>>
      %dma_start3A_978 = tpu.memref_squeeze %dma_start3A_977 : memref<1x1x128xf32, #tpu.memory_space<hbm>> -> memref<128xf32, #tpu.memory_space<hbm>>
      %dma_start3A_979 = arith.constant 0 : i32
      %dma_start3A_980 = tpu.memref_slice %arg10[%dma_start3A_973, %dma_start3A_979] : memref<16x128xf32, #tpu.memory_space<vmem>> -> memref<1x128xf32, #tpu.memory_space<vmem>>
      %dma_start3A_981 = tpu.memref_squeeze %dma_start3A_980 : memref<1x128xf32, #tpu.memory_space<vmem>> -> memref<128xf32, #tpu.memory_space<vmem>>
      %dma_start3A_982 = tpu.memref_slice %arg2[%add3A_972, %squeeze3A_970, %multiple_of3A_906] : memref<22x10000x256xf32, #tpu.memory_space<hbm>> -> memref<1x1x128xf32, #tpu.memory_space<hbm>>
      %dma_start3A_983 = tpu.memref_squeeze %dma_start3A_982 : memref<1x1x128xf32, #tpu.memory_space<hbm>> -> memref<128xf32, #tpu.memory_space<hbm>>
      tpu.enqueue_dma source(%dma_start3A_983 : memref<128xf32, #tpu.memory_space<hbm>>) target(%dma_start3A_981 : memref<128xf32, #tpu.memory_space<vmem>>) target_semaphore(%arg15 : memref<!tpu.dma_semaphore, #tpu.memory_space<semaphore_mem>>)
      %slice3A_984 = vector.extract_strided_slice %get3A_926 {offsets = [4], sizes = [1], strides = [1]} : vector<16xi32> to vector<1xi32>
      %squeeze3A_985 = vector.extract %slice3A_984[0] : i32 from vector<1xi32>
      %add3A_986 = arith.constant 1 : i32
      %add3A_987 = arith.addi %scan3A_922, %add3A_986 : i32
      %dma_start3A_988 = arith.constant 4 : i32
      %dma_start3A_989 = arith.constant 0 : i32
      %dma_start3A_990 = tpu.memref_slice %arg10[%dma_start3A_988, %dma_start3A_989] : memref<16x128xf32, #tpu.memory_space<vmem>> -> memref<1x128xf32, #tpu.memory_space<vmem>>
      %dma_start3A_991 = tpu.memref_squeeze %dma_start3A_990 : memref<1x128xf32, #tpu.memory_space<vmem>> -> memref<128xf32, #tpu.memory_space<vmem>>
      %dma_start3A_992 = tpu.memref_slice %arg2[%add3A_987, %squeeze3A_985, %multiple_of3A_906] : memref<22x10000x256xf32, #tpu.memory_space<hbm>> -> memref<1x1x128xf32, #tpu.memory_space<hbm>>
      %dma_start3A_993 = tpu.memref_squeeze %dma_start3A_992 : memref<1x1x128xf32, #tpu.memory_space<hbm>> -> memref<128xf32, #tpu.memory_space<hbm>>
      %dma_start3A_994 = arith.constant 0 : i32
      %dma_start3A_995 = tpu.memref_slice %arg10[%dma_start3A_988, %dma_start3A_994] : memref<16x128xf32, #tpu.memory_space<vmem>> -> memref<1x128xf32, #tpu.memory_space<vmem>>
      %dma_start3A_996 = tpu.memref_squeeze %dma_start3A_995 : memref<1x128xf32, #tpu.memory_space<vmem>> -> memref<128xf32, #tpu.memory_space<vmem>>
      %dma_start3A_997 = tpu.memref_slice %arg2[%add3A_987, %squeeze3A_985, %multiple_of3A_906] : memref<22x10000x256xf32, #tpu.memory_space<hbm>> -> memref<1x1x128xf32, #tpu.memory_space<hbm>>
      %dma_start3A_998 = tpu.memref_squeeze %dma_start3A_997 : memref<1x1x128xf32, #tpu.memory_space<hbm>> -> memref<128xf32, #tpu.memory_space<hbm>>
      tpu.enqueue_dma source(%dma_start3A_998 : memref<128xf32, #tpu.memory_space<hbm>>) target(%dma_start3A_996 : memref<128xf32, #tpu.memory_space<vmem>>) target_semaphore(%arg15 : memref<!tpu.dma_semaphore, #tpu.memory_space<semaphore_mem>>)
      %slice3A_999 = vector.extract_strided_slice %get3A_926 {offsets = [5], sizes = [1], strides = [1]} : vector<16xi32> to vector<1xi32>
      %squeeze3A_1000 = vector.extract %slice3A_999[0] : i32 from vector<1xi32>
      %add3A_1001 = arith.constant 1 : i32
      %add3A_1002 = arith.addi %scan3A_922, %add3A_1001 : i32
      %dma_start3A_1003 = arith.constant 5 : i32
      %dma_start3A_1004 = arith.constant 0 : i32
      %dma_start3A_1005 = tpu.memref_slice %arg10[%dma_start3A_1003, %dma_start3A_1004] : memref<16x128xf32, #tpu.memory_space<vmem>> -> memref<1x128xf32, #tpu.memory_space<vmem>>
      %dma_start3A_1006 = tpu.memref_squeeze %dma_start3A_1005 : memref<1x128xf32, #tpu.memory_space<vmem>> -> memref<128xf32, #tpu.memory_space<vmem>>
      %dma_start3A_1007 = tpu.memref_slice %arg2[%add3A_1002, %squeeze3A_1000, %multiple_of3A_906] : memref<22x10000x256xf32, #tpu.memory_space<hbm>> -> memref<1x1x128xf32, #tpu.memory_space<hbm>>
      %dma_start3A_1008 = tpu.memref_squeeze %dma_start3A_1007 : memref<1x1x128xf32, #tpu.memory_space<hbm>> -> memref<128xf32, #tpu.memory_space<hbm>>
      %dma_start3A_1009 = arith.constant 0 : i32
      %dma_start3A_1010 = tpu.memref_slice %arg10[%dma_start3A_1003, %dma_start3A_1009] : memref<16x128xf32, #tpu.memory_space<vmem>> -> memref<1x128xf32, #tpu.memory_space<vmem>>
      %dma_start3A_1011 = tpu.memref_squeeze %dma_start3A_1010 : memref<1x128xf32, #tpu.memory_space<vmem>> -> memref<128xf32, #tpu.memory_space<vmem>>
      %dma_start3A_1012 = tpu.memref_slice %arg2[%add3A_1002, %squeeze3A_1000, %multiple_of3A_906] : memref<22x10000x256xf32, #tpu.memory_space<hbm>> -> memref<1x1x128xf32, #tpu.memory_space<hbm>>
      %dma_start3A_1013 = tpu.memref_squeeze %dma_start3A_1012 : memref<1x1x128xf32, #tpu.memory_space<hbm>> -> memref<128xf32, #tpu.memory_space<hbm>>
      tpu.enqueue_dma source(%dma_start3A_1013 : memref<128xf32, #tpu.memory_space<hbm>>) target(%dma_start3A_1011 : memref<128xf32, #tpu.memory_space<vmem>>) target_semaphore(%arg15 : memref<!tpu.dma_semaphore, #tpu.memory_space<semaphore_mem>>)
      %slice3A_1014 = vector.extract_strided_slice %get3A_926 {offsets = [6], sizes = [1], strides = [1]} : vector<16xi32> to vector<1xi32>
      %squeeze3A_1015 = vector.extract %slice3A_1014[0] : i32 from vector<1xi32>
      %add3A_1016 = arith.constant 1 : i32
      %add3A_1017 = arith.addi %scan3A_922, %add3A_1016 : i32
      %dma_start3A_1018 = arith.constant 6 : i32
      %dma_start3A_1019 = arith.constant 0 : i32
      %dma_start3A_1020 = tpu.memref_slice %arg10[%dma_start3A_1018, %dma_start3A_1019] : memref<16x128xf32, #tpu.memory_space<vmem>> -> memref<1x128xf32, #tpu.memory_space<vmem>>
      %dma_start3A_1021 = tpu.memref_squeeze %dma_start3A_1020 : memref<1x128xf32, #tpu.memory_space<vmem>> -> memref<128xf32, #tpu.memory_space<vmem>>
      %dma_start3A_1022 = tpu.memref_slice %arg2[%add3A_1017, %squeeze3A_1015, %multiple_of3A_906] : memref<22x10000x256xf32, #tpu.memory_space<hbm>> -> memref<1x1x128xf32, #tpu.memory_space<hbm>>
      %dma_start3A_1023 = tpu.memref_squeeze %dma_start3A_1022 : memref<1x1x128xf32, #tpu.memory_space<hbm>> -> memref<128xf32, #tpu.memory_space<hbm>>
      %dma_start3A_1024 = arith.constant 0 : i32
      %dma_start3A_1025 = tpu.memref_slice %arg10[%dma_start3A_1018, %dma_start3A_1024] : memref<16x128xf32, #tpu.memory_space<vmem>> -> memref<1x128xf32, #tpu.memory_space<vmem>>
      %dma_start3A_1026 = tpu.memref_squeeze %dma_start3A_1025 : memref<1x128xf32, #tpu.memory_space<vmem>> -> memref<128xf32, #tpu.memory_space<vmem>>
      %dma_start3A_1027 = tpu.memref_slice %arg2[%add3A_1017, %squeeze3A_1015, %multiple_of3A_906] : memref<22x10000x256xf32, #tpu.memory_space<hbm>> -> memref<1x1x128xf32, #tpu.memory_space<hbm>>
      %dma_start3A_1028 = tpu.memref_squeeze %dma_start3A_1027 : memref<1x1x128xf32, #tpu.memory_space<hbm>> -> memref<128xf32, #tpu.memory_space<hbm>>
      tpu.enqueue_dma source(%dma_start3A_1028 : memref<128xf32, #tpu.memory_space<hbm>>) target(%dma_start3A_1026 : memref<128xf32, #tpu.memory_space<vmem>>) target_semaphore(%arg15 : memref<!tpu.dma_semaphore, #tpu.memory_space<semaphore_mem>>)
      %slice3A_1029 = vector.extract_strided_slice %get3A_926 {offsets = [7], sizes = [1], strides = [1]} : vector<16xi32> to vector<1xi32>
      %squeeze3A_1030 = vector.extract %slice3A_1029[0] : i32 from vector<1xi32>
      %add3A_1031 = arith.constant 1 : i32
      %add3A_1032 = arith.addi %scan3A_922, %add3A_1031 : i32
      %dma_start3A_1033 = arith.constant 7 : i32
      %dma_start3A_1034 = arith.constant 0 : i32
      %dma_start3A_1035 = tpu.memref_slice %arg10[%dma_start3A_1033, %dma_start3A_1034] : memref<16x128xf32, #tpu.memory_space<vmem>> -> memref<1x128xf32, #tpu.memory_space<vmem>>
      %dma_start3A_1036 = tpu.memref_squeeze %dma_start3A_1035 : memref<1x128xf32, #tpu.memory_space<vmem>> -> memref<128xf32, #tpu.memory_space<vmem>>
      %dma_start3A_1037 = tpu.memref_slice %arg2[%add3A_1032, %squeeze3A_1030, %multiple_of3A_906] : memref<22x10000x256xf32, #tpu.memory_space<hbm>> -> memref<1x1x128xf32, #tpu.memory_space<hbm>>
      %dma_start3A_1038 = tpu.memref_squeeze %dma_start3A_1037 : memref<1x1x128xf32, #tpu.memory_space<hbm>> -> memref<128xf32, #tpu.memory_space<hbm>>
      %dma_start3A_1039 = arith.constant 0 : i32
      %dma_start3A_1040 = tpu.memref_slice %arg10[%dma_start3A_1033, %dma_start3A_1039] : memref<16x128xf32, #tpu.memory_space<vmem>> -> memref<1x128xf32, #tpu.memory_space<vmem>>
      %dma_start3A_1041 = tpu.memref_squeeze %dma_start3A_1040 : memref<1x128xf32, #tpu.memory_space<vmem>> -> memref<128xf32, #tpu.memory_space<vmem>>
      %dma_start3A_1042 = tpu.memref_slice %arg2[%add3A_1032, %squeeze3A_1030, %multiple_of3A_906] : memref<22x10000x256xf32, #tpu.memory_space<hbm>> -> memref<1x1x128xf32, #tpu.memory_space<hbm>>
      %dma_start3A_1043 = tpu.memref_squeeze %dma_start3A_1042 : memref<1x1x128xf32, #tpu.memory_space<hbm>> -> memref<128xf32, #tpu.memory_space<hbm>>
      tpu.enqueue_dma source(%dma_start3A_1043 : memref<128xf32, #tpu.memory_space<hbm>>) target(%dma_start3A_1041 : memref<128xf32, #tpu.memory_space<vmem>>) target_semaphore(%arg15 : memref<!tpu.dma_semaphore, #tpu.memory_space<semaphore_mem>>)
      %slice3A_1044 = vector.extract_strided_slice %get3A_926 {offsets = [8], sizes = [1], strides = [1]} : vector<16xi32> to vector<1xi32>
      %squeeze3A_1045 = vector.extract %slice3A_1044[0] : i32 from vector<1xi32>
      %add3A_1046 = arith.constant 1 : i32
      %add3A_1047 = arith.addi %scan3A_922, %add3A_1046 : i32
      %dma_start3A_1048 = arith.constant 8 : i32
      %dma_start3A_1049 = arith.constant 0 : i32
      %dma_start3A_1050 = tpu.memref_slice %arg10[%dma_start3A_1048, %dma_start3A_1049] : memref<16x128xf32, #tpu.memory_space<vmem>> -> memref<1x128xf32, #tpu.memory_space<vmem>>
      %dma_start3A_1051 = tpu.memref_squeeze %dma_start3A_1050 : memref<1x128xf32, #tpu.memory_space<vmem>> -> memref<128xf32, #tpu.memory_space<vmem>>
      %dma_start3A_1052 = tpu.memref_slice %arg2[%add3A_1047, %squeeze3A_1045, %multiple_of3A_906] : memref<22x10000x256xf32, #tpu.memory_space<hbm>> -> memref<1x1x128xf32, #tpu.memory_space<hbm>>
      %dma_start3A_1053 = tpu.memref_squeeze %dma_start3A_1052 : memref<1x1x128xf32, #tpu.memory_space<hbm>> -> memref<128xf32, #tpu.memory_space<hbm>>
      %dma_start3A_1054 = arith.constant 0 : i32
      %dma_start3A_1055 = tpu.memref_slice %arg10[%dma_start3A_1048, %dma_start3A_1054] : memref<16x128xf32, #tpu.memory_space<vmem>> -> memref<1x128xf32, #tpu.memory_space<vmem>>
      %dma_start3A_1056 = tpu.memref_squeeze %dma_start3A_1055 : memref<1x128xf32, #tpu.memory_space<vmem>> -> memref<128xf32, #tpu.memory_space<vmem>>
      %dma_start3A_1057 = tpu.memref_slice %arg2[%add3A_1047, %squeeze3A_1045, %multiple_of3A_906] : memref<22x10000x256xf32, #tpu.memory_space<hbm>> -> memref<1x1x128xf32, #tpu.memory_space<hbm>>
      %dma_start3A_1058 = tpu.memref_squeeze %dma_start3A_1057 : memref<1x1x128xf32, #tpu.memory_space<hbm>> -> memref<128xf32, #tpu.memory_space<hbm>>
      tpu.enqueue_dma source(%dma_start3A_1058 : memref<128xf32, #tpu.memory_space<hbm>>) target(%dma_start3A_1056 : memref<128xf32, #tpu.memory_space<vmem>>) target_semaphore(%arg15 : memref<!tpu.dma_semaphore, #tpu.memory_space<semaphore_mem>>)
      %slice3A_1059 = vector.extract_strided_slice %get3A_926 {offsets = [9], sizes = [1], strides = [1]} : vector<16xi32> to vector<1xi32>
      %squeeze3A_1060 = vector.extract %slice3A_1059[0] : i32 from vector<1xi32>
      %add3A_1061 = arith.constant 1 : i32
      %add3A_1062 = arith.addi %scan3A_922, %add3A_1061 : i32
      %dma_start3A_1063 = arith.constant 9 : i32
      %dma_start3A_1064 = arith.constant 0 : i32
      %dma_start3A_1065 = tpu.memref_slice %arg10[%dma_start3A_1063, %dma_start3A_1064] : memref<16x128xf32, #tpu.memory_space<vmem>> -> memref<1x128xf32, #tpu.memory_space<vmem>>
      %dma_start3A_1066 = tpu.memref_squeeze %dma_start3A_1065 : memref<1x128xf32, #tpu.memory_space<vmem>> -> memref<128xf32, #tpu.memory_space<vmem>>
      %dma_start3A_1067 = tpu.memref_slice %arg2[%add3A_1062, %squeeze3A_1060, %multiple_of3A_906] : memref<22x10000x256xf32, #tpu.memory_space<hbm>> -> memref<1x1x128xf32, #tpu.memory_space<hbm>>
      %dma_start3A_1068 = tpu.memref_squeeze %dma_start3A_1067 : memref<1x1x128xf32, #tpu.memory_space<hbm>> -> memref<128xf32, #tpu.memory_space<hbm>>
      %dma_start3A_1069 = arith.constant 0 : i32
      %dma_start3A_1070 = tpu.memref_slice %arg10[%dma_start3A_1063, %dma_start3A_1069] : memref<16x128xf32, #tpu.memory_space<vmem>> -> memref<1x128xf32, #tpu.memory_space<vmem>>
      %dma_start3A_1071 = tpu.memref_squeeze %dma_start3A_1070 : memref<1x128xf32, #tpu.memory_space<vmem>> -> memref<128xf32, #tpu.memory_space<vmem>>
      %dma_start3A_1072 = tpu.memref_slice %arg2[%add3A_1062, %squeeze3A_1060, %multiple_of3A_906] : memref<22x10000x256xf32, #tpu.memory_space<hbm>> -> memref<1x1x128xf32, #tpu.memory_space<hbm>>
      %dma_start3A_1073 = tpu.memref_squeeze %dma_start3A_1072 : memref<1x1x128xf32, #tpu.memory_space<hbm>> -> memref<128xf32, #tpu.memory_space<hbm>>
      tpu.enqueue_dma source(%dma_start3A_1073 : memref<128xf32, #tpu.memory_space<hbm>>) target(%dma_start3A_1071 : memref<128xf32, #tpu.memory_space<vmem>>) target_semaphore(%arg15 : memref<!tpu.dma_semaphore, #tpu.memory_space<semaphore_mem>>)
      %slice3A_1074 = vector.extract_strided_slice %get3A_926 {offsets = [10], sizes = [1], strides = [1]} : vector<16xi32> to vector<1xi32>
      %squeeze3A_1075 = vector.extract %slice3A_1074[0] : i32 from vector<1xi32>
      %add3A_1076 = arith.constant 1 : i32
      %add3A_1077 = arith.addi %scan3A_922, %add3A_1076 : i32
      %dma_start3A_1078 = arith.constant 10 : i32
      %dma_start3A_1079 = arith.constant 0 : i32
      %dma_start3A_1080 = tpu.memref_slice %arg10[%dma_start3A_1078, %dma_start3A_1079] : memref<16x128xf32, #tpu.memory_space<vmem>> -> memref<1x128xf32, #tpu.memory_space<vmem>>
      %dma_start3A_1081 = tpu.memref_squeeze %dma_start3A_1080 : memref<1x128xf32, #tpu.memory_space<vmem>> -> memref<128xf32, #tpu.memory_space<vmem>>
      %dma_start3A_1082 = tpu.memref_slice %arg2[%add3A_1077, %squeeze3A_1075, %multiple_of3A_906] : memref<22x10000x256xf32, #tpu.memory_space<hbm>> -> memref<1x1x128xf32, #tpu.memory_space<hbm>>
      %dma_start3A_1083 = tpu.memref_squeeze %dma_start3A_1082 : memref<1x1x128xf32, #tpu.memory_space<hbm>> -> memref<128xf32, #tpu.memory_space<hbm>>
      %dma_start3A_1084 = arith.constant 0 : i32
      %dma_start3A_1085 = tpu.memref_slice %arg10[%dma_start3A_1078, %dma_start3A_1084] : memref<16x128xf32, #tpu.memory_space<vmem>> -> memref<1x128xf32, #tpu.memory_space<vmem>>
      %dma_start3A_1086 = tpu.memref_squeeze %dma_start3A_1085 : memref<1x128xf32, #tpu.memory_space<vmem>> -> memref<128xf32, #tpu.memory_space<vmem>>
      %dma_start3A_1087 = tpu.memref_slice %arg2[%add3A_1077, %squeeze3A_1075, %multiple_of3A_906] : memref<22x10000x256xf32, #tpu.memory_space<hbm>> -> memref<1x1x128xf32, #tpu.memory_space<hbm>>
      %dma_start3A_1088 = tpu.memref_squeeze %dma_start3A_1087 : memref<1x1x128xf32, #tpu.memory_space<hbm>> -> memref<128xf32, #tpu.memory_space<hbm>>
      tpu.enqueue_dma source(%dma_start3A_1088 : memref<128xf32, #tpu.memory_space<hbm>>) target(%dma_start3A_1086 : memref<128xf32, #tpu.memory_space<vmem>>) target_semaphore(%arg15 : memref<!tpu.dma_semaphore, #tpu.memory_space<semaphore_mem>>)
      %slice3A_1089 = vector.extract_strided_slice %get3A_926 {offsets = [11], sizes = [1], strides = [1]} : vector<16xi32> to vector<1xi32>
      %squeeze3A_1090 = vector.extract %slice3A_1089[0] : i32 from vector<1xi32>
      %add3A_1091 = arith.constant 1 : i32
      %add3A_1092 = arith.addi %scan3A_922, %add3A_1091 : i32
      %dma_start3A_1093 = arith.constant 11 : i32
      %dma_start3A_1094 = arith.constant 0 : i32
      %dma_start3A_1095 = tpu.memref_slice %arg10[%dma_start3A_1093, %dma_start3A_1094] : memref<16x128xf32, #tpu.memory_space<vmem>> -> memref<1x128xf32, #tpu.memory_space<vmem>>
      %dma_start3A_1096 = tpu.memref_squeeze %dma_start3A_1095 : memref<1x128xf32, #tpu.memory_space<vmem>> -> memref<128xf32, #tpu.memory_space<vmem>>
      %dma_start3A_1097 = tpu.memref_slice %arg2[%add3A_1092, %squeeze3A_1090, %multiple_of3A_906] : memref<22x10000x256xf32, #tpu.memory_space<hbm>> -> memref<1x1x128xf32, #tpu.memory_space<hbm>>
      %dma_start3A_1098 = tpu.memref_squeeze %dma_start3A_1097 : memref<1x1x128xf32, #tpu.memory_space<hbm>> -> memref<128xf32, #tpu.memory_space<hbm>>
      %dma_start3A_1099 = arith.constant 0 : i32
      %dma_start3A_1100 = tpu.memref_slice %arg10[%dma_start3A_1093, %dma_start3A_1099] : memref<16x128xf32, #tpu.memory_space<vmem>> -> memref<1x128xf32, #tpu.memory_space<vmem>>
      %dma_start3A_1101 = tpu.memref_squeeze %dma_start3A_1100 : memref<1x128xf32, #tpu.memory_space<vmem>> -> memref<128xf32, #tpu.memory_space<vmem>>
      %dma_start3A_1102 = tpu.memref_slice %arg2[%add3A_1092, %squeeze3A_1090, %multiple_of3A_906] : memref<22x10000x256xf32, #tpu.memory_space<hbm>> -> memref<1x1x128xf32, #tpu.memory_space<hbm>>
      %dma_start3A_1103 = tpu.memref_squeeze %dma_start3A_1102 : memref<1x1x128xf32, #tpu.memory_space<hbm>> -> memref<128xf32, #tpu.memory_space<hbm>>
      tpu.enqueue_dma source(%dma_start3A_1103 : memref<128xf32, #tpu.memory_space<hbm>>) target(%dma_start3A_1101 : memref<128xf32, #tpu.memory_space<vmem>>) target_semaphore(%arg15 : memref<!tpu.dma_semaphore, #tpu.memory_space<semaphore_mem>>)
      %slice3A_1104 = vector.extract_strided_slice %get3A_926 {offsets = [12], sizes = [1], strides = [1]} : vector<16xi32> to vector<1xi32>
      %squeeze3A_1105 = vector.extract %slice3A_1104[0] : i32 from vector<1xi32>
      %add3A_1106 = arith.constant 1 : i32
      %add3A_1107 = arith.addi %scan3A_922, %add3A_1106 : i32
      %dma_start3A_1108 = arith.constant 12 : i32
      %dma_start3A_1109 = arith.constant 0 : i32
      %dma_start3A_1110 = tpu.memref_slice %arg10[%dma_start3A_1108, %dma_start3A_1109] : memref<16x128xf32, #tpu.memory_space<vmem>> -> memref<1x128xf32, #tpu.memory_space<vmem>>
      %dma_start3A_1111 = tpu.memref_squeeze %dma_start3A_1110 : memref<1x128xf32, #tpu.memory_space<vmem>> -> memref<128xf32, #tpu.memory_space<vmem>>
      %dma_start3A_1112 = tpu.memref_slice %arg2[%add3A_1107, %squeeze3A_1105, %multiple_of3A_906] : memref<22x10000x256xf32, #tpu.memory_space<hbm>> -> memref<1x1x128xf32, #tpu.memory_space<hbm>>
      %dma_start3A_1113 = tpu.memref_squeeze %dma_start3A_1112 : memref<1x1x128xf32, #tpu.memory_space<hbm>> -> memref<128xf32, #tpu.memory_space<hbm>>
      %dma_start3A_1114 = arith.constant 0 : i32
      %dma_start3A_1115 = tpu.memref_slice %arg10[%dma_start3A_1108, %dma_start3A_1114] : memref<16x128xf32, #tpu.memory_space<vmem>> -> memref<1x128xf32, #tpu.memory_space<vmem>>
      %dma_start3A_1116 = tpu.memref_squeeze %dma_start3A_1115 : memref<1x128xf32, #tpu.memory_space<vmem>> -> memref<128xf32, #tpu.memory_space<vmem>>
      %dma_start3A_1117 = tpu.memref_slice %arg2[%add3A_1107, %squeeze3A_1105, %multiple_of3A_906] : memref<22x10000x256xf32, #tpu.memory_space<hbm>> -> memref<1x1x128xf32, #tpu.memory_space<hbm>>
      %dma_start3A_1118 = tpu.memref_squeeze %dma_start3A_1117 : memref<1x1x128xf32, #tpu.memory_space<hbm>> -> memref<128xf32, #tpu.memory_space<hbm>>
      tpu.enqueue_dma source(%dma_start3A_1118 : memref<128xf32, #tpu.memory_space<hbm>>) target(%dma_start3A_1116 : memref<128xf32, #tpu.memory_space<vmem>>) target_semaphore(%arg15 : memref<!tpu.dma_semaphore, #tpu.memory_space<semaphore_mem>>)
      %slice3A_1119 = vector.extract_strided_slice %get3A_926 {offsets = [13], sizes = [1], strides = [1]} : vector<16xi32> to vector<1xi32>
      %squeeze3A_1120 = vector.extract %slice3A_1119[0] : i32 from vector<1xi32>
      %add3A_1121 = arith.constant 1 : i32
      %add3A_1122 = arith.addi %scan3A_922, %add3A_1121 : i32
      %dma_start3A_1123 = arith.constant 13 : i32
      %dma_start3A_1124 = arith.constant 0 : i32
      %dma_start3A_1125 = tpu.memref_slice %arg10[%dma_start3A_1123, %dma_start3A_1124] : memref<16x128xf32, #tpu.memory_space<vmem>> -> memref<1x128xf32, #tpu.memory_space<vmem>>
      %dma_start3A_1126 = tpu.memref_squeeze %dma_start3A_1125 : memref<1x128xf32, #tpu.memory_space<vmem>> -> memref<128xf32, #tpu.memory_space<vmem>>
      %dma_start3A_1127 = tpu.memref_slice %arg2[%add3A_1122, %squeeze3A_1120, %multiple_of3A_906] : memref<22x10000x256xf32, #tpu.memory_space<hbm>> -> memref<1x1x128xf32, #tpu.memory_space<hbm>>
      %dma_start3A_1128 = tpu.memref_squeeze %dma_start3A_1127 : memref<1x1x128xf32, #tpu.memory_space<hbm>> -> memref<128xf32, #tpu.memory_space<hbm>>
      %dma_start3A_1129 = arith.constant 0 : i32
      %dma_start3A_1130 = tpu.memref_slice %arg10[%dma_start3A_1123, %dma_start3A_1129] : memref<16x128xf32, #tpu.memory_space<vmem>> -> memref<1x128xf32, #tpu.memory_space<vmem>>
      %dma_start3A_1131 = tpu.memref_squeeze %dma_start3A_1130 : memref<1x128xf32, #tpu.memory_space<vmem>> -> memref<128xf32, #tpu.memory_space<vmem>>
      %dma_start3A_1132 = tpu.memref_slice %arg2[%add3A_1122, %squeeze3A_1120, %multiple_of3A_906] : memref<22x10000x256xf32, #tpu.memory_space<hbm>> -> memref<1x1x128xf32, #tpu.memory_space<hbm>>
      %dma_start3A_1133 = tpu.memref_squeeze %dma_start3A_1132 : memref<1x1x128xf32, #tpu.memory_space<hbm>> -> memref<128xf32, #tpu.memory_space<hbm>>
      tpu.enqueue_dma source(%dma_start3A_1133 : memref<128xf32, #tpu.memory_space<hbm>>) target(%dma_start3A_1131 : memref<128xf32, #tpu.memory_space<vmem>>) target_semaphore(%arg15 : memref<!tpu.dma_semaphore, #tpu.memory_space<semaphore_mem>>)
      %slice3A_1134 = vector.extract_strided_slice %get3A_926 {offsets = [14], sizes = [1], strides = [1]} : vector<16xi32> to vector<1xi32>
      %squeeze3A_1135 = vector.extract %slice3A_1134[0] : i32 from vector<1xi32>
      %add3A_1136 = arith.constant 1 : i32
      %add3A_1137 = arith.addi %scan3A_922, %add3A_1136 : i32
      %dma_start3A_1138 = arith.constant 14 : i32
      %dma_start3A_1139 = arith.constant 0 : i32
      %dma_start3A_1140 = tpu.memref_slice %arg10[%dma_start3A_1138, %dma_start3A_1139] : memref<16x128xf32, #tpu.memory_space<vmem>> -> memref<1x128xf32, #tpu.memory_space<vmem>>
      %dma_start3A_1141 = tpu.memref_squeeze %dma_start3A_1140 : memref<1x128xf32, #tpu.memory_space<vmem>> -> memref<128xf32, #tpu.memory_space<vmem>>
      %dma_start3A_1142 = tpu.memref_slice %arg2[%add3A_1137, %squeeze3A_1135, %multiple_of3A_906] : memref<22x10000x256xf32, #tpu.memory_space<hbm>> -> memref<1x1x128xf32, #tpu.memory_space<hbm>>
      %dma_start3A_1143 = tpu.memref_squeeze %dma_start3A_1142 : memref<1x1x128xf32, #tpu.memory_space<hbm>> -> memref<128xf32, #tpu.memory_space<hbm>>
      %dma_start3A_1144 = arith.constant 0 : i32
      %dma_start3A_1145 = tpu.memref_slice %arg10[%dma_start3A_1138, %dma_start3A_1144] : memref<16x128xf32, #tpu.memory_space<vmem>> -> memref<1x128xf32, #tpu.memory_space<vmem>>
      %dma_start3A_1146 = tpu.memref_squeeze %dma_start3A_1145 : memref<1x128xf32, #tpu.memory_space<vmem>> -> memref<128xf32, #tpu.memory_space<vmem>>
      %dma_start3A_1147 = tpu.memref_slice %arg2[%add3A_1137, %squeeze3A_1135, %multiple_of3A_906] : memref<22x10000x256xf32, #tpu.memory_space<hbm>> -> memref<1x1x128xf32, #tpu.memory_space<hbm>>
      %dma_start3A_1148 = tpu.memref_squeeze %dma_start3A_1147 : memref<1x1x128xf32, #tpu.memory_space<hbm>> -> memref<128xf32, #tpu.memory_space<hbm>>
      tpu.enqueue_dma source(%dma_start3A_1148 : memref<128xf32, #tpu.memory_space<hbm>>) target(%dma_start3A_1146 : memref<128xf32, #tpu.memory_space<vmem>>) target_semaphore(%arg15 : memref<!tpu.dma_semaphore, #tpu.memory_space<semaphore_mem>>)
      %slice3A_1149 = vector.extract_strided_slice %get3A_926 {offsets = [15], sizes = [1], strides = [1]} : vector<16xi32> to vector<1xi32>
      %squeeze3A_1150 = vector.extract %slice3A_1149[0] : i32 from vector<1xi32>
      %add3A_1151 = arith.constant 1 : i32
      %add3A_1152 = arith.addi %scan3A_922, %add3A_1151 : i32
      %dma_start3A_1153 = arith.constant 15 : i32
      %dma_start3A_1154 = arith.constant 0 : i32
      %dma_start3A_1155 = tpu.memref_slice %arg10[%dma_start3A_1153, %dma_start3A_1154] : memref<16x128xf32, #tpu.memory_space<vmem>> -> memref<1x128xf32, #tpu.memory_space<vmem>>
      %dma_start3A_1156 = tpu.memref_squeeze %dma_start3A_1155 : memref<1x128xf32, #tpu.memory_space<vmem>> -> memref<128xf32, #tpu.memory_space<vmem>>
      %dma_start3A_1157 = tpu.memref_slice %arg2[%add3A_1152, %squeeze3A_1150, %multiple_of3A_906] : memref<22x10000x256xf32, #tpu.memory_space<hbm>> -> memref<1x1x128xf32, #tpu.memory_space<hbm>>
      %dma_start3A_1158 = tpu.memref_squeeze %dma_start3A_1157 : memref<1x1x128xf32, #tpu.memory_space<hbm>> -> memref<128xf32, #tpu.memory_space<hbm>>
      %dma_start3A_1159 = arith.constant 0 : i32
      %dma_start3A_1160 = tpu.memref_slice %arg10[%dma_start3A_1153, %dma_start3A_1159] : memref<16x128xf32, #tpu.memory_space<vmem>> -> memref<1x128xf32, #tpu.memory_space<vmem>>
      %dma_start3A_1161 = tpu.memref_squeeze %dma_start3A_1160 : memref<1x128xf32, #tpu.memory_space<vmem>> -> memref<128xf32, #tpu.memory_space<vmem>>
      %dma_start3A_1162 = tpu.memref_slice %arg2[%add3A_1152, %squeeze3A_1150, %multiple_of3A_906] : memref<22x10000x256xf32, #tpu.memory_space<hbm>> -> memref<1x1x128xf32, #tpu.memory_space<hbm>>
      %dma_start3A_1163 = tpu.memref_squeeze %dma_start3A_1162 : memref<1x1x128xf32, #tpu.memory_space<hbm>> -> memref<128xf32, #tpu.memory_space<hbm>>
      tpu.enqueue_dma source(%dma_start3A_1163 : memref<128xf32, #tpu.memory_space<hbm>>) target(%dma_start3A_1161 : memref<128xf32, #tpu.memory_space<vmem>>) target_semaphore(%arg15 : memref<!tpu.dma_semaphore, #tpu.memory_space<semaphore_mem>>)
      %dma_wait3A = arith.constant 0 : i32
      %dma_wait3A_1164 = arith.constant 0 : i32
      %dma_wait3A_1165 = tpu.memref_slice %arg10[%dma_wait3A, %dma_wait3A_1164] : memref<16x128xf32, #tpu.memory_space<vmem>> -> memref<1x128xf32, #tpu.memory_space<vmem>>
      %dma_wait3A_1166 = tpu.memref_squeeze %dma_wait3A_1165 : memref<1x128xf32, #tpu.memory_space<vmem>> -> memref<128xf32, #tpu.memory_space<vmem>>
      %dma_wait3A_1167 = tpu.memref_slice %arg2[%add3A_928, %squeeze3A, %multiple_of3A_906] : memref<22x10000x256xf32, #tpu.memory_space<hbm>> -> memref<1x1x128xf32, #tpu.memory_space<hbm>>
      %dma_wait3A_1168 = tpu.memref_squeeze %dma_wait3A_1167 : memref<1x1x128xf32, #tpu.memory_space<hbm>> -> memref<128xf32, #tpu.memory_space<hbm>>
      %dma_wait3A_1169 = arith.constant 0 : i32
      %dma_wait3A_1170 = tpu.memref_slice %arg10[%dma_wait3A, %dma_wait3A_1169] : memref<16x128xf32, #tpu.memory_space<vmem>> -> memref<1x128xf32, #tpu.memory_space<vmem>>
      %dma_wait3A_1171 = tpu.memref_squeeze %dma_wait3A_1170 : memref<1x128xf32, #tpu.memory_space<vmem>> -> memref<128xf32, #tpu.memory_space<vmem>>
      %dma_wait3A_1172 = tpu.memref_slice %arg2[%add3A_928, %squeeze3A, %multiple_of3A_906] : memref<22x10000x256xf32, #tpu.memory_space<hbm>> -> memref<1x1x128xf32, #tpu.memory_space<hbm>>
      %dma_wait3A_1173 = tpu.memref_squeeze %dma_wait3A_1172 : memref<1x1x128xf32, #tpu.memory_space<hbm>> -> memref<128xf32, #tpu.memory_space<hbm>>
      tpu.wait_dma2 semaphore(%arg15 : memref<!tpu.dma_semaphore, #tpu.memory_space<semaphore_mem>>) src(%dma_wait3A_1173 : memref<128xf32, #tpu.memory_space<hbm>>) dst(%dma_wait3A_1171 : memref<128xf32, #tpu.memory_space<vmem>>)
      %dma_wait3A_1174 = arith.constant 1 : i32
      %dma_wait3A_1175 = arith.constant 0 : i32
      %dma_wait3A_1176 = tpu.memref_slice %arg10[%dma_wait3A_1174, %dma_wait3A_1175] : memref<16x128xf32, #tpu.memory_space<vmem>> -> memref<1x128xf32, #tpu.memory_space<vmem>>
      %dma_wait3A_1177 = tpu.memref_squeeze %dma_wait3A_1176 : memref<1x128xf32, #tpu.memory_space<vmem>> -> memref<128xf32, #tpu.memory_space<vmem>>
      %dma_wait3A_1178 = tpu.memref_slice %arg2[%add3A_942, %squeeze3A_940, %multiple_of3A_906] : memref<22x10000x256xf32, #tpu.memory_space<hbm>> -> memref<1x1x128xf32, #tpu.memory_space<hbm>>
      %dma_wait3A_1179 = tpu.memref_squeeze %dma_wait3A_1178 : memref<1x1x128xf32, #tpu.memory_space<hbm>> -> memref<128xf32, #tpu.memory_space<hbm>>
      %dma_wait3A_1180 = arith.constant 0 : i32
      %dma_wait3A_1181 = tpu.memref_slice %arg10[%dma_wait3A_1174, %dma_wait3A_1180] : memref<16x128xf32, #tpu.memory_space<vmem>> -> memref<1x128xf32, #tpu.memory_space<vmem>>
      %dma_wait3A_1182 = tpu.memref_squeeze %dma_wait3A_1181 : memref<1x128xf32, #tpu.memory_space<vmem>> -> memref<128xf32, #tpu.memory_space<vmem>>
      %dma_wait3A_1183 = tpu.memref_slice %arg2[%add3A_942, %squeeze3A_940, %multiple_of3A_906] : memref<22x10000x256xf32, #tpu.memory_space<hbm>> -> memref<1x1x128xf32, #tpu.memory_space<hbm>>
      %dma_wait3A_1184 = tpu.memref_squeeze %dma_wait3A_1183 : memref<1x1x128xf32, #tpu.memory_space<hbm>> -> memref<128xf32, #tpu.memory_space<hbm>>
      tpu.wait_dma2 semaphore(%arg15 : memref<!tpu.dma_semaphore, #tpu.memory_space<semaphore_mem>>) src(%dma_wait3A_1184 : memref<128xf32, #tpu.memory_space<hbm>>) dst(%dma_wait3A_1182 : memref<128xf32, #tpu.memory_space<vmem>>)
      %dma_wait3A_1185 = arith.constant 2 : i32
      %dma_wait3A_1186 = arith.constant 0 : i32
      %dma_wait3A_1187 = tpu.memref_slice %arg10[%dma_wait3A_1185, %dma_wait3A_1186] : memref<16x128xf32, #tpu.memory_space<vmem>> -> memref<1x128xf32, #tpu.memory_space<vmem>>
      %dma_wait3A_1188 = tpu.memref_squeeze %dma_wait3A_1187 : memref<1x128xf32, #tpu.memory_space<vmem>> -> memref<128xf32, #tpu.memory_space<vmem>>
      %dma_wait3A_1189 = tpu.memref_slice %arg2[%add3A_957, %squeeze3A_955, %multiple_of3A_906] : memref<22x10000x256xf32, #tpu.memory_space<hbm>> -> memref<1x1x128xf32, #tpu.memory_space<hbm>>
      %dma_wait3A_1190 = tpu.memref_squeeze %dma_wait3A_1189 : memref<1x1x128xf32, #tpu.memory_space<hbm>> -> memref<128xf32, #tpu.memory_space<hbm>>
      %dma_wait3A_1191 = arith.constant 0 : i32
      %dma_wait3A_1192 = tpu.memref_slice %arg10[%dma_wait3A_1185, %dma_wait3A_1191] : memref<16x128xf32, #tpu.memory_space<vmem>> -> memref<1x128xf32, #tpu.memory_space<vmem>>
      %dma_wait3A_1193 = tpu.memref_squeeze %dma_wait3A_1192 : memref<1x128xf32, #tpu.memory_space<vmem>> -> memref<128xf32, #tpu.memory_space<vmem>>
      %dma_wait3A_1194 = tpu.memref_slice %arg2[%add3A_957, %squeeze3A_955, %multiple_of3A_906] : memref<22x10000x256xf32, #tpu.memory_space<hbm>> -> memref<1x1x128xf32, #tpu.memory_space<hbm>>
      %dma_wait3A_1195 = tpu.memref_squeeze %dma_wait3A_1194 : memref<1x1x128xf32, #tpu.memory_space<hbm>> -> memref<128xf32, #tpu.memory_space<hbm>>
      tpu.wait_dma2 semaphore(%arg15 : memref<!tpu.dma_semaphore, #tpu.memory_space<semaphore_mem>>) src(%dma_wait3A_1195 : memref<128xf32, #tpu.memory_space<hbm>>) dst(%dma_wait3A_1193 : memref<128xf32, #tpu.memory_space<vmem>>)
      %dma_wait3A_1196 = arith.constant 3 : i32
      %dma_wait3A_1197 = arith.constant 0 : i32
      %dma_wait3A_1198 = tpu.memref_slice %arg10[%dma_wait3A_1196, %dma_wait3A_1197] : memref<16x128xf32, #tpu.memory_space<vmem>> -> memref<1x128xf32, #tpu.memory_space<vmem>>
      %dma_wait3A_1199 = tpu.memref_squeeze %dma_wait3A_1198 : memref<1x128xf32, #tpu.memory_space<vmem>> -> memref<128xf32, #tpu.memory_space<vmem>>
      %dma_wait3A_1200 = tpu.memref_slice %arg2[%add3A_972, %squeeze3A_970, %multiple_of3A_906] : memref<22x10000x256xf32, #tpu.memory_space<hbm>> -> memref<1x1x128xf32, #tpu.memory_space<hbm>>
      %dma_wait3A_1201 = tpu.memref_squeeze %dma_wait3A_1200 : memref<1x1x128xf32, #tpu.memory_space<hbm>> -> memref<128xf32, #tpu.memory_space<hbm>>
      %dma_wait3A_1202 = arith.constant 0 : i32
      %dma_wait3A_1203 = tpu.memref_slice %arg10[%dma_wait3A_1196, %dma_wait3A_1202] : memref<16x128xf32, #tpu.memory_space<vmem>> -> memref<1x128xf32, #tpu.memory_space<vmem>>
      %dma_wait3A_1204 = tpu.memref_squeeze %dma_wait3A_1203 : memref<1x128xf32, #tpu.memory_space<vmem>> -> memref<128xf32, #tpu.memory_space<vmem>>
      %dma_wait3A_1205 = tpu.memref_slice %arg2[%add3A_972, %squeeze3A_970, %multiple_of3A_906] : memref<22x10000x256xf32, #tpu.memory_space<hbm>> -> memref<1x1x128xf32, #tpu.memory_space<hbm>>
      %dma_wait3A_1206 = tpu.memref_squeeze %dma_wait3A_1205 : memref<1x1x128xf32, #tpu.memory_space<hbm>> -> memref<128xf32, #tpu.memory_space<hbm>>
      tpu.wait_dma2 semaphore(%arg15 : memref<!tpu.dma_semaphore, #tpu.memory_space<semaphore_mem>>) src(%dma_wait3A_1206 : memref<128xf32, #tpu.memory_space<hbm>>) dst(%dma_wait3A_1204 : memref<128xf32, #tpu.memory_space<vmem>>)
      %dma_wait3A_1207 = arith.constant 4 : i32
      %dma_wait3A_1208 = arith.constant 0 : i32
      %dma_wait3A_1209 = tpu.memref_slice %arg10[%dma_wait3A_1207, %dma_wait3A_1208] : memref<16x128xf32, #tpu.memory_space<vmem>> -> memref<1x128xf32, #tpu.memory_space<vmem>>
      %dma_wait3A_1210 = tpu.memref_squeeze %dma_wait3A_1209 : memref<1x128xf32, #tpu.memory_space<vmem>> -> memref<128xf32, #tpu.memory_space<vmem>>
      %dma_wait3A_1211 = tpu.memref_slice %arg2[%add3A_987, %squeeze3A_985, %multiple_of3A_906] : memref<22x10000x256xf32, #tpu.memory_space<hbm>> -> memref<1x1x128xf32, #tpu.memory_space<hbm>>
      %dma_wait3A_1212 = tpu.memref_squeeze %dma_wait3A_1211 : memref<1x1x128xf32, #tpu.memory_space<hbm>> -> memref<128xf32, #tpu.memory_space<hbm>>
      %dma_wait3A_1213 = arith.constant 0 : i32
      %dma_wait3A_1214 = tpu.memref_slice %arg10[%dma_wait3A_1207, %dma_wait3A_1213] : memref<16x128xf32, #tpu.memory_space<vmem>> -> memref<1x128xf32, #tpu.memory_space<vmem>>
      %dma_wait3A_1215 = tpu.memref_squeeze %dma_wait3A_1214 : memref<1x128xf32, #tpu.memory_space<vmem>> -> memref<128xf32, #tpu.memory_space<vmem>>
      %dma_wait3A_1216 = tpu.memref_slice %arg2[%add3A_987, %squeeze3A_985, %multiple_of3A_906] : memref<22x10000x256xf32, #tpu.memory_space<hbm>> -> memref<1x1x128xf32, #tpu.memory_space<hbm>>
      %dma_wait3A_1217 = tpu.memref_squeeze %dma_wait3A_1216 : memref<1x1x128xf32, #tpu.memory_space<hbm>> -> memref<128xf32, #tpu.memory_space<hbm>>
      tpu.wait_dma2 semaphore(%arg15 : memref<!tpu.dma_semaphore, #tpu.memory_space<semaphore_mem>>) src(%dma_wait3A_1217 : memref<128xf32, #tpu.memory_space<hbm>>) dst(%dma_wait3A_1215 : memref<128xf32, #tpu.memory_space<vmem>>)
      %dma_wait3A_1218 = arith.constant 5 : i32
      %dma_wait3A_1219 = arith.constant 0 : i32
      %dma_wait3A_1220 = tpu.memref_slice %arg10[%dma_wait3A_1218, %dma_wait3A_1219] : memref<16x128xf32, #tpu.memory_space<vmem>> -> memref<1x128xf32, #tpu.memory_space<vmem>>
      %dma_wait3A_1221 = tpu.memref_squeeze %dma_wait3A_1220 : memref<1x128xf32, #tpu.memory_space<vmem>> -> memref<128xf32, #tpu.memory_space<vmem>>
      %dma_wait3A_1222 = tpu.memref_slice %arg2[%add3A_1002, %squeeze3A_1000, %multiple_of3A_906] : memref<22x10000x256xf32, #tpu.memory_space<hbm>> -> memref<1x1x128xf32, #tpu.memory_space<hbm>>
      %dma_wait3A_1223 = tpu.memref_squeeze %dma_wait3A_1222 : memref<1x1x128xf32, #tpu.memory_space<hbm>> -> memref<128xf32, #tpu.memory_space<hbm>>
      %dma_wait3A_1224 = arith.constant 0 : i32
      %dma_wait3A_1225 = tpu.memref_slice %arg10[%dma_wait3A_1218, %dma_wait3A_1224] : memref<16x128xf32, #tpu.memory_space<vmem>> -> memref<1x128xf32, #tpu.memory_space<vmem>>
      %dma_wait3A_1226 = tpu.memref_squeeze %dma_wait3A_1225 : memref<1x128xf32, #tpu.memory_space<vmem>> -> memref<128xf32, #tpu.memory_space<vmem>>
      %dma_wait3A_1227 = tpu.memref_slice %arg2[%add3A_1002, %squeeze3A_1000, %multiple_of3A_906] : memref<22x10000x256xf32, #tpu.memory_space<hbm>> -> memref<1x1x128xf32, #tpu.memory_space<hbm>>
      %dma_wait3A_1228 = tpu.memref_squeeze %dma_wait3A_1227 : memref<1x1x128xf32, #tpu.memory_space<hbm>> -> memref<128xf32, #tpu.memory_space<hbm>>
      tpu.wait_dma2 semaphore(%arg15 : memref<!tpu.dma_semaphore, #tpu.memory_space<semaphore_mem>>) src(%dma_wait3A_1228 : memref<128xf32, #tpu.memory_space<hbm>>) dst(%dma_wait3A_1226 : memref<128xf32, #tpu.memory_space<vmem>>)
      %dma_wait3A_1229 = arith.constant 6 : i32
      %dma_wait3A_1230 = arith.constant 0 : i32
      %dma_wait3A_1231 = tpu.memref_slice %arg10[%dma_wait3A_1229, %dma_wait3A_1230] : memref<16x128xf32, #tpu.memory_space<vmem>> -> memref<1x128xf32, #tpu.memory_space<vmem>>
      %dma_wait3A_1232 = tpu.memref_squeeze %dma_wait3A_1231 : memref<1x128xf32, #tpu.memory_space<vmem>> -> memref<128xf32, #tpu.memory_space<vmem>>
      %dma_wait3A_1233 = tpu.memref_slice %arg2[%add3A_1017, %squeeze3A_1015, %multiple_of3A_906] : memref<22x10000x256xf32, #tpu.memory_space<hbm>> -> memref<1x1x128xf32, #tpu.memory_space<hbm>>
      %dma_wait3A_1234 = tpu.memref_squeeze %dma_wait3A_1233 : memref<1x1x128xf32, #tpu.memory_space<hbm>> -> memref<128xf32, #tpu.memory_space<hbm>>
      %dma_wait3A_1235 = arith.constant 0 : i32
      %dma_wait3A_1236 = tpu.memref_slice %arg10[%dma_wait3A_1229, %dma_wait3A_1235] : memref<16x128xf32, #tpu.memory_space<vmem>> -> memref<1x128xf32, #tpu.memory_space<vmem>>
      %dma_wait3A_1237 = tpu.memref_squeeze %dma_wait3A_1236 : memref<1x128xf32, #tpu.memory_space<vmem>> -> memref<128xf32, #tpu.memory_space<vmem>>
      %dma_wait3A_1238 = tpu.memref_slice %arg2[%add3A_1017, %squeeze3A_1015, %multiple_of3A_906] : memref<22x10000x256xf32, #tpu.memory_space<hbm>> -> memref<1x1x128xf32, #tpu.memory_space<hbm>>
      %dma_wait3A_1239 = tpu.memref_squeeze %dma_wait3A_1238 : memref<1x1x128xf32, #tpu.memory_space<hbm>> -> memref<128xf32, #tpu.memory_space<hbm>>
      tpu.wait_dma2 semaphore(%arg15 : memref<!tpu.dma_semaphore, #tpu.memory_space<semaphore_mem>>) src(%dma_wait3A_1239 : memref<128xf32, #tpu.memory_space<hbm>>) dst(%dma_wait3A_1237 : memref<128xf32, #tpu.memory_space<vmem>>)
      %dma_wait3A_1240 = arith.constant 7 : i32
      %dma_wait3A_1241 = arith.constant 0 : i32
      %dma_wait3A_1242 = tpu.memref_slice %arg10[%dma_wait3A_1240, %dma_wait3A_1241] : memref<16x128xf32, #tpu.memory_space<vmem>> -> memref<1x128xf32, #tpu.memory_space<vmem>>
      %dma_wait3A_1243 = tpu.memref_squeeze %dma_wait3A_1242 : memref<1x128xf32, #tpu.memory_space<vmem>> -> memref<128xf32, #tpu.memory_space<vmem>>
      %dma_wait3A_1244 = tpu.memref_slice %arg2[%add3A_1032, %squeeze3A_1030, %multiple_of3A_906] : memref<22x10000x256xf32, #tpu.memory_space<hbm>> -> memref<1x1x128xf32, #tpu.memory_space<hbm>>
      %dma_wait3A_1245 = tpu.memref_squeeze %dma_wait3A_1244 : memref<1x1x128xf32, #tpu.memory_space<hbm>> -> memref<128xf32, #tpu.memory_space<hbm>>
      %dma_wait3A_1246 = arith.constant 0 : i32
      %dma_wait3A_1247 = tpu.memref_slice %arg10[%dma_wait3A_1240, %dma_wait3A_1246] : memref<16x128xf32, #tpu.memory_space<vmem>> -> memref<1x128xf32, #tpu.memory_space<vmem>>
      %dma_wait3A_1248 = tpu.memref_squeeze %dma_wait3A_1247 : memref<1x128xf32, #tpu.memory_space<vmem>> -> memref<128xf32, #tpu.memory_space<vmem>>
      %dma_wait3A_1249 = tpu.memref_slice %arg2[%add3A_1032, %squeeze3A_1030, %multiple_of3A_906] : memref<22x10000x256xf32, #tpu.memory_space<hbm>> -> memref<1x1x128xf32, #tpu.memory_space<hbm>>
      %dma_wait3A_1250 = tpu.memref_squeeze %dma_wait3A_1249 : memref<1x1x128xf32, #tpu.memory_space<hbm>> -> memref<128xf32, #tpu.memory_space<hbm>>
      tpu.wait_dma2 semaphore(%arg15 : memref<!tpu.dma_semaphore, #tpu.memory_space<semaphore_mem>>) src(%dma_wait3A_1250 : memref<128xf32, #tpu.memory_space<hbm>>) dst(%dma_wait3A_1248 : memref<128xf32, #tpu.memory_space<vmem>>)
      %dma_wait3A_1251 = arith.constant 8 : i32
      %dma_wait3A_1252 = arith.constant 0 : i32
      %dma_wait3A_1253 = tpu.memref_slice %arg10[%dma_wait3A_1251, %dma_wait3A_1252] : memref<16x128xf32, #tpu.memory_space<vmem>> -> memref<1x128xf32, #tpu.memory_space<vmem>>
      %dma_wait3A_1254 = tpu.memref_squeeze %dma_wait3A_1253 : memref<1x128xf32, #tpu.memory_space<vmem>> -> memref<128xf32, #tpu.memory_space<vmem>>
      %dma_wait3A_1255 = tpu.memref_slice %arg2[%add3A_1047, %squeeze3A_1045, %multiple_of3A_906] : memref<22x10000x256xf32, #tpu.memory_space<hbm>> -> memref<1x1x128xf32, #tpu.memory_space<hbm>>
      %dma_wait3A_1256 = tpu.memref_squeeze %dma_wait3A_1255 : memref<1x1x128xf32, #tpu.memory_space<hbm>> -> memref<128xf32, #tpu.memory_space<hbm>>
      %dma_wait3A_1257 = arith.constant 0 : i32
      %dma_wait3A_1258 = tpu.memref_slice %arg10[%dma_wait3A_1251, %dma_wait3A_1257] : memref<16x128xf32, #tpu.memory_space<vmem>> -> memref<1x128xf32, #tpu.memory_space<vmem>>
      %dma_wait3A_1259 = tpu.memref_squeeze %dma_wait3A_1258 : memref<1x128xf32, #tpu.memory_space<vmem>> -> memref<128xf32, #tpu.memory_space<vmem>>
      %dma_wait3A_1260 = tpu.memref_slice %arg2[%add3A_1047, %squeeze3A_1045, %multiple_of3A_906] : memref<22x10000x256xf32, #tpu.memory_space<hbm>> -> memref<1x1x128xf32, #tpu.memory_space<hbm>>
      %dma_wait3A_1261 = tpu.memref_squeeze %dma_wait3A_1260 : memref<1x1x128xf32, #tpu.memory_space<hbm>> -> memref<128xf32, #tpu.memory_space<hbm>>
      tpu.wait_dma2 semaphore(%arg15 : memref<!tpu.dma_semaphore, #tpu.memory_space<semaphore_mem>>) src(%dma_wait3A_1261 : memref<128xf32, #tpu.memory_space<hbm>>) dst(%dma_wait3A_1259 : memref<128xf32, #tpu.memory_space<vmem>>)
      %dma_wait3A_1262 = arith.constant 9 : i32
      %dma_wait3A_1263 = arith.constant 0 : i32
      %dma_wait3A_1264 = tpu.memref_slice %arg10[%dma_wait3A_1262, %dma_wait3A_1263] : memref<16x128xf32, #tpu.memory_space<vmem>> -> memref<1x128xf32, #tpu.memory_space<vmem>>
      %dma_wait3A_1265 = tpu.memref_squeeze %dma_wait3A_1264 : memref<1x128xf32, #tpu.memory_space<vmem>> -> memref<128xf32, #tpu.memory_space<vmem>>
      %dma_wait3A_1266 = tpu.memref_slice %arg2[%add3A_1062, %squeeze3A_1060, %multiple_of3A_906] : memref<22x10000x256xf32, #tpu.memory_space<hbm>> -> memref<1x1x128xf32, #tpu.memory_space<hbm>>
      %dma_wait3A_1267 = tpu.memref_squeeze %dma_wait3A_1266 : memref<1x1x128xf32, #tpu.memory_space<hbm>> -> memref<128xf32, #tpu.memory_space<hbm>>
      %dma_wait3A_1268 = arith.constant 0 : i32
      %dma_wait3A_1269 = tpu.memref_slice %arg10[%dma_wait3A_1262, %dma_wait3A_1268] : memref<16x128xf32, #tpu.memory_space<vmem>> -> memref<1x128xf32, #tpu.memory_space<vmem>>
      %dma_wait3A_1270 = tpu.memref_squeeze %dma_wait3A_1269 : memref<1x128xf32, #tpu.memory_space<vmem>> -> memref<128xf32, #tpu.memory_space<vmem>>
      %dma_wait3A_1271 = tpu.memref_slice %arg2[%add3A_1062, %squeeze3A_1060, %multiple_of3A_906] : memref<22x10000x256xf32, #tpu.memory_space<hbm>> -> memref<1x1x128xf32, #tpu.memory_space<hbm>>
      %dma_wait3A_1272 = tpu.memref_squeeze %dma_wait3A_1271 : memref<1x1x128xf32, #tpu.memory_space<hbm>> -> memref<128xf32, #tpu.memory_space<hbm>>
      tpu.wait_dma2 semaphore(%arg15 : memref<!tpu.dma_semaphore, #tpu.memory_space<semaphore_mem>>) src(%dma_wait3A_1272 : memref<128xf32, #tpu.memory_space<hbm>>) dst(%dma_wait3A_1270 : memref<128xf32, #tpu.memory_space<vmem>>)
      %dma_wait3A_1273 = arith.constant 10 : i32
      %dma_wait3A_1274 = arith.constant 0 : i32
      %dma_wait3A_1275 = tpu.memref_slice %arg10[%dma_wait3A_1273, %dma_wait3A_1274] : memref<16x128xf32, #tpu.memory_space<vmem>> -> memref<1x128xf32, #tpu.memory_space<vmem>>
      %dma_wait3A_1276 = tpu.memref_squeeze %dma_wait3A_1275 : memref<1x128xf32, #tpu.memory_space<vmem>> -> memref<128xf32, #tpu.memory_space<vmem>>
      %dma_wait3A_1277 = tpu.memref_slice %arg2[%add3A_1077, %squeeze3A_1075, %multiple_of3A_906] : memref<22x10000x256xf32, #tpu.memory_space<hbm>> -> memref<1x1x128xf32, #tpu.memory_space<hbm>>
      %dma_wait3A_1278 = tpu.memref_squeeze %dma_wait3A_1277 : memref<1x1x128xf32, #tpu.memory_space<hbm>> -> memref<128xf32, #tpu.memory_space<hbm>>
      %dma_wait3A_1279 = arith.constant 0 : i32
      %dma_wait3A_1280 = tpu.memref_slice %arg10[%dma_wait3A_1273, %dma_wait3A_1279] : memref<16x128xf32, #tpu.memory_space<vmem>> -> memref<1x128xf32, #tpu.memory_space<vmem>>
      %dma_wait3A_1281 = tpu.memref_squeeze %dma_wait3A_1280 : memref<1x128xf32, #tpu.memory_space<vmem>> -> memref<128xf32, #tpu.memory_space<vmem>>
      %dma_wait3A_1282 = tpu.memref_slice %arg2[%add3A_1077, %squeeze3A_1075, %multiple_of3A_906] : memref<22x10000x256xf32, #tpu.memory_space<hbm>> -> memref<1x1x128xf32, #tpu.memory_space<hbm>>
      %dma_wait3A_1283 = tpu.memref_squeeze %dma_wait3A_1282 : memref<1x1x128xf32, #tpu.memory_space<hbm>> -> memref<128xf32, #tpu.memory_space<hbm>>
      tpu.wait_dma2 semaphore(%arg15 : memref<!tpu.dma_semaphore, #tpu.memory_space<semaphore_mem>>) src(%dma_wait3A_1283 : memref<128xf32, #tpu.memory_space<hbm>>) dst(%dma_wait3A_1281 : memref<128xf32, #tpu.memory_space<vmem>>)
      %dma_wait3A_1284 = arith.constant 11 : i32
      %dma_wait3A_1285 = arith.constant 0 : i32
      %dma_wait3A_1286 = tpu.memref_slice %arg10[%dma_wait3A_1284, %dma_wait3A_1285] : memref<16x128xf32, #tpu.memory_space<vmem>> -> memref<1x128xf32, #tpu.memory_space<vmem>>
      %dma_wait3A_1287 = tpu.memref_squeeze %dma_wait3A_1286 : memref<1x128xf32, #tpu.memory_space<vmem>> -> memref<128xf32, #tpu.memory_space<vmem>>
      %dma_wait3A_1288 = tpu.memref_slice %arg2[%add3A_1092, %squeeze3A_1090, %multiple_of3A_906] : memref<22x10000x256xf32, #tpu.memory_space<hbm>> -> memref<1x1x128xf32, #tpu.memory_space<hbm>>
      %dma_wait3A_1289 = tpu.memref_squeeze %dma_wait3A_1288 : memref<1x1x128xf32, #tpu.memory_space<hbm>> -> memref<128xf32, #tpu.memory_space<hbm>>
      %dma_wait3A_1290 = arith.constant 0 : i32
      %dma_wait3A_1291 = tpu.memref_slice %arg10[%dma_wait3A_1284, %dma_wait3A_1290] : memref<16x128xf32, #tpu.memory_space<vmem>> -> memref<1x128xf32, #tpu.memory_space<vmem>>
      %dma_wait3A_1292 = tpu.memref_squeeze %dma_wait3A_1291 : memref<1x128xf32, #tpu.memory_space<vmem>> -> memref<128xf32, #tpu.memory_space<vmem>>
      %dma_wait3A_1293 = tpu.memref_slice %arg2[%add3A_1092, %squeeze3A_1090, %multiple_of3A_906] : memref<22x10000x256xf32, #tpu.memory_space<hbm>> -> memref<1x1x128xf32, #tpu.memory_space<hbm>>
      %dma_wait3A_1294 = tpu.memref_squeeze %dma_wait3A_1293 : memref<1x1x128xf32, #tpu.memory_space<hbm>> -> memref<128xf32, #tpu.memory_space<hbm>>
      tpu.wait_dma2 semaphore(%arg15 : memref<!tpu.dma_semaphore, #tpu.memory_space<semaphore_mem>>) src(%dma_wait3A_1294 : memref<128xf32, #tpu.memory_space<hbm>>) dst(%dma_wait3A_1292 : memref<128xf32, #tpu.memory_space<vmem>>)
      %dma_wait3A_1295 = arith.constant 12 : i32
      %dma_wait3A_1296 = arith.constant 0 : i32
      %dma_wait3A_1297 = tpu.memref_slice %arg10[%dma_wait3A_1295, %dma_wait3A_1296] : memref<16x128xf32, #tpu.memory_space<vmem>> -> memref<1x128xf32, #tpu.memory_space<vmem>>
      %dma_wait3A_1298 = tpu.memref_squeeze %dma_wait3A_1297 : memref<1x128xf32, #tpu.memory_space<vmem>> -> memref<128xf32, #tpu.memory_space<vmem>>
      %dma_wait3A_1299 = tpu.memref_slice %arg2[%add3A_1107, %squeeze3A_1105, %multiple_of3A_906] : memref<22x10000x256xf32, #tpu.memory_space<hbm>> -> memref<1x1x128xf32, #tpu.memory_space<hbm>>
      %dma_wait3A_1300 = tpu.memref_squeeze %dma_wait3A_1299 : memref<1x1x128xf32, #tpu.memory_space<hbm>> -> memref<128xf32, #tpu.memory_space<hbm>>
      %dma_wait3A_1301 = arith.constant 0 : i32
      %dma_wait3A_1302 = tpu.memref_slice %arg10[%dma_wait3A_1295, %dma_wait3A_1301] : memref<16x128xf32, #tpu.memory_space<vmem>> -> memref<1x128xf32, #tpu.memory_space<vmem>>
      %dma_wait3A_1303 = tpu.memref_squeeze %dma_wait3A_1302 : memref<1x128xf32, #tpu.memory_space<vmem>> -> memref<128xf32, #tpu.memory_space<vmem>>
      %dma_wait3A_1304 = tpu.memref_slice %arg2[%add3A_1107, %squeeze3A_1105, %multiple_of3A_906] : memref<22x10000x256xf32, #tpu.memory_space<hbm>> -> memref<1x1x128xf32, #tpu.memory_space<hbm>>
      %dma_wait3A_1305 = tpu.memref_squeeze %dma_wait3A_1304 : memref<1x1x128xf32, #tpu.memory_space<hbm>> -> memref<128xf32, #tpu.memory_space<hbm>>
      tpu.wait_dma2 semaphore(%arg15 : memref<!tpu.dma_semaphore, #tpu.memory_space<semaphore_mem>>) src(%dma_wait3A_1305 : memref<128xf32, #tpu.memory_space<hbm>>) dst(%dma_wait3A_1303 : memref<128xf32, #tpu.memory_space<vmem>>)
      %dma_wait3A_1306 = arith.constant 13 : i32
      %dma_wait3A_1307 = arith.constant 0 : i32
      %dma_wait3A_1308 = tpu.memref_slice %arg10[%dma_wait3A_1306, %dma_wait3A_1307] : memref<16x128xf32, #tpu.memory_space<vmem>> -> memref<1x128xf32, #tpu.memory_space<vmem>>
      %dma_wait3A_1309 = tpu.memref_squeeze %dma_wait3A_1308 : memref<1x128xf32, #tpu.memory_space<vmem>> -> memref<128xf32, #tpu.memory_space<vmem>>
      %dma_wait3A_1310 = tpu.memref_slice %arg2[%add3A_1122, %squeeze3A_1120, %multiple_of3A_906] : memref<22x10000x256xf32, #tpu.memory_space<hbm>> -> memref<1x1x128xf32, #tpu.memory_space<hbm>>
      %dma_wait3A_1311 = tpu.memref_squeeze %dma_wait3A_1310 : memref<1x1x128xf32, #tpu.memory_space<hbm>> -> memref<128xf32, #tpu.memory_space<hbm>>
      %dma_wait3A_1312 = arith.constant 0 : i32
      %dma_wait3A_1313 = tpu.memref_slice %arg10[%dma_wait3A_1306, %dma_wait3A_1312] : memref<16x128xf32, #tpu.memory_space<vmem>> -> memref<1x128xf32, #tpu.memory_space<vmem>>
      %dma_wait3A_1314 = tpu.memref_squeeze %dma_wait3A_1313 : memref<1x128xf32, #tpu.memory_space<vmem>> -> memref<128xf32, #tpu.memory_space<vmem>>
      %dma_wait3A_1315 = tpu.memref_slice %arg2[%add3A_1122, %squeeze3A_1120, %multiple_of3A_906] : memref<22x10000x256xf32, #tpu.memory_space<hbm>> -> memref<1x1x128xf32, #tpu.memory_space<hbm>>
      %dma_wait3A_1316 = tpu.memref_squeeze %dma_wait3A_1315 : memref<1x1x128xf32, #tpu.memory_space<hbm>> -> memref<128xf32, #tpu.memory_space<hbm>>
      tpu.wait_dma2 semaphore(%arg15 : memref<!tpu.dma_semaphore, #tpu.memory_space<semaphore_mem>>) src(%dma_wait3A_1316 : memref<128xf32, #tpu.memory_space<hbm>>) dst(%dma_wait3A_1314 : memref<128xf32, #tpu.memory_space<vmem>>)
      %dma_wait3A_1317 = arith.constant 14 : i32
      %dma_wait3A_1318 = arith.constant 0 : i32
      %dma_wait3A_1319 = tpu.memref_slice %arg10[%dma_wait3A_1317, %dma_wait3A_1318] : memref<16x128xf32, #tpu.memory_space<vmem>> -> memref<1x128xf32, #tpu.memory_space<vmem>>
      %dma_wait3A_1320 = tpu.memref_squeeze %dma_wait3A_1319 : memref<1x128xf32, #tpu.memory_space<vmem>> -> memref<128xf32, #tpu.memory_space<vmem>>
      %dma_wait3A_1321 = tpu.memref_slice %arg2[%add3A_1137, %squeeze3A_1135, %multiple_of3A_906] : memref<22x10000x256xf32, #tpu.memory_space<hbm>> -> memref<1x1x128xf32, #tpu.memory_space<hbm>>
      %dma_wait3A_1322 = tpu.memref_squeeze %dma_wait3A_1321 : memref<1x1x128xf32, #tpu.memory_space<hbm>> -> memref<128xf32, #tpu.memory_space<hbm>>
      %dma_wait3A_1323 = arith.constant 0 : i32
      %dma_wait3A_1324 = tpu.memref_slice %arg10[%dma_wait3A_1317, %dma_wait3A_1323] : memref<16x128xf32, #tpu.memory_space<vmem>> -> memref<1x128xf32, #tpu.memory_space<vmem>>
      %dma_wait3A_1325 = tpu.memref_squeeze %dma_wait3A_1324 : memref<1x128xf32, #tpu.memory_space<vmem>> -> memref<128xf32, #tpu.memory_space<vmem>>
      %dma_wait3A_1326 = tpu.memref_slice %arg2[%add3A_1137, %squeeze3A_1135, %multiple_of3A_906] : memref<22x10000x256xf32, #tpu.memory_space<hbm>> -> memref<1x1x128xf32, #tpu.memory_space<hbm>>
      %dma_wait3A_1327 = tpu.memref_squeeze %dma_wait3A_1326 : memref<1x1x128xf32, #tpu.memory_space<hbm>> -> memref<128xf32, #tpu.memory_space<hbm>>
      tpu.wait_dma2 semaphore(%arg15 : memref<!tpu.dma_semaphore, #tpu.memory_space<semaphore_mem>>) src(%dma_wait3A_1327 : memref<128xf32, #tpu.memory_space<hbm>>) dst(%dma_wait3A_1325 : memref<128xf32, #tpu.memory_space<vmem>>)
      %dma_wait3A_1328 = arith.constant 15 : i32
      %dma_wait3A_1329 = arith.constant 0 : i32
      %dma_wait3A_1330 = tpu.memref_slice %arg10[%dma_wait3A_1328, %dma_wait3A_1329] : memref<16x128xf32, #tpu.memory_space<vmem>> -> memref<1x128xf32, #tpu.memory_space<vmem>>
      %dma_wait3A_1331 = tpu.memref_squeeze %dma_wait3A_1330 : memref<1x128xf32, #tpu.memory_space<vmem>> -> memref<128xf32, #tpu.memory_space<vmem>>
      %dma_wait3A_1332 = tpu.memref_slice %arg2[%add3A_1152, %squeeze3A_1150, %multiple_of3A_906] : memref<22x10000x256xf32, #tpu.memory_space<hbm>> -> memref<1x1x128xf32, #tpu.memory_space<hbm>>
      %dma_wait3A_1333 = tpu.memref_squeeze %dma_wait3A_1332 : memref<1x1x128xf32, #tpu.memory_space<hbm>> -> memref<128xf32, #tpu.memory_space<hbm>>
      %dma_wait3A_1334 = arith.constant 0 : i32
      %dma_wait3A_1335 = tpu.memref_slice %arg10[%dma_wait3A_1328, %dma_wait3A_1334] : memref<16x128xf32, #tpu.memory_space<vmem>> -> memref<1x128xf32, #tpu.memory_space<vmem>>
      %dma_wait3A_1336 = tpu.memref_squeeze %dma_wait3A_1335 : memref<1x128xf32, #tpu.memory_space<vmem>> -> memref<128xf32, #tpu.memory_space<vmem>>
      %dma_wait3A_1337 = tpu.memref_slice %arg2[%add3A_1152, %squeeze3A_1150, %multiple_of3A_906] : memref<22x10000x256xf32, #tpu.memory_space<hbm>> -> memref<1x1x128xf32, #tpu.memory_space<hbm>>
      %dma_wait3A_1338 = tpu.memref_squeeze %dma_wait3A_1337 : memref<1x1x128xf32, #tpu.memory_space<hbm>> -> memref<128xf32, #tpu.memory_space<hbm>>
      tpu.wait_dma2 semaphore(%arg15 : memref<!tpu.dma_semaphore, #tpu.memory_space<semaphore_mem>>) src(%dma_wait3A_1338 : memref<128xf32, #tpu.memory_space<hbm>>) dst(%dma_wait3A_1336 : memref<128xf32, #tpu.memory_space<vmem>>)
      %sub3A_1339 = arith.subi %multiple_of3A, %multiple_of3A_906 : i32
      %add3A_1340 = vector.broadcast %sub3A_1339 : i32 to vector<16xi32>
      %add3A_1341 = arith.addi %add3A_1340, %iota3A : vector<16xi32>
      %gather3A = tpu.vector_load_idx %arg10[%iota3A, %add3A_1341] : memref<16x128xf32, #tpu.memory_space<vmem>>[vector<16xi32>, vector<16xi32>], vector<16xf32>,
      %get3A_1342 = arith.constant 0 : index
      %get3A_1343 = tpu.vector_load %arg14[%get3A_1342] {strides = array<i32>} : memref<16xf32, #tpu.memory_space<vmem>>, vector<16xf32>,
      %get3A_1344 = arith.index_cast %scan3A_922 : i32 to index
      %get3A_1345 = arith.constant 0 : index
      %get3A_1346 = tpu.vector_load %arg9[%get3A_1344, %get3A_1345] {strides = array<i32>} : memref<20x16xf32, #tpu.memory_space<vmem>>, vector<16xf32>,
      %mul3A_1347 = arith.mulf %gather3A, %get3A_1346 : vector<16xf32>
      %add3A_1348 = arith.addf %get3A_1343, %mul3A_1347 : vector<16xf32>
      %swap3A_1349 = arith.constant 0 : index
      %swap3A_1350 = tpu.vector_load %arg14[%swap3A_1349] {strides = array<i32>} : memref<16xf32, #tpu.memory_space<vmem>>, vector<16xf32>,
      tpu.vector_store %arg14[%swap3A_1349], %add3A_1348 {strides = array<i32>} : memref<16xf32, #tpu.memory_space<vmem>>, vector<16xf32>,
      %add3A_1351 = arith.constant 1 : i32
      %add3A_1352 = arith.addi %scan3A_923, %add3A_1351 : i32
      scf.yield %add3A_1352 : i32
    }
    %scan3A_912 = arith.constant 20 : i32
    %get3A_913 = arith.constant 0 : index
    %get3A_914 = tpu.vector_load %arg14[%get3A_913] {strides = array<i32>} : memref<16xf32, #tpu.memory_space<vmem>>, vector<16xf32>,
    %swap3A_915 = arith.constant 0 : i32
    %swap3A_916 = arith.index_cast %swap3A_915 : i32 to index
    %swap3A_917 = arith.constant 0 : index
    %swap3A_918 = tpu.vector_load %arg11[%swap3A_916, %swap3A_917] {strides = array<i32>} : memref<2x16xf32, #tpu.memory_space<vmem>>, vector<16xf32>,
    tpu.vector_store %arg11[%swap3A_916, %swap3A_917], %get3A_914 {strides = array<i32>} : memref<2x16xf32, #tpu.memory_space<vmem>>, vector<16xf32>,
    "tpu.region"() ({
      %run_scoped3A = tpu.sem_alloc : memref<!tpu.dma_semaphore, #tpu.memory_space<semaphore_mem>>
      %dma_start3A = arith.constant 0 : i32
      %dma_start3A_922 = arith.constant 0 : i32
      %dma_start3A_923 = tpu.memref_slice %arg4[%arg1, %dma_start3A, %dma_start3A_922] : memref<16x2x16xf32, #tpu.memory_space<hbm>> -> memref<1x2x16xf32, #tpu.memory_space<hbm>>
      %dma_start3A_924 = tpu.memref_squeeze %dma_start3A_923 : memref<1x2x16xf32, #tpu.memory_space<hbm>> -> memref<2x16xf32, #tpu.memory_space<hbm>>
      %dma_start3A_925 = arith.constant 0 : i32
      %dma_start3A_926 = arith.constant 0 : i32
      %dma_start3A_927 = tpu.memref_slice %arg4[%arg1, %dma_start3A_925, %dma_start3A_926] : memref<16x2x16xf32, #tpu.memory_space<hbm>> -> memref<1x2x16xf32, #tpu.memory_space<hbm>>
      %dma_start3A_928 = tpu.memref_squeeze %dma_start3A_927 : memref<1x2x16xf32, #tpu.memory_space<hbm>> -> memref<2x16xf32, #tpu.memory_space<hbm>>
      tpu.enqueue_dma source(%arg11 : memref<2x16xf32, #tpu.memory_space<vmem>>) target(%dma_start3A_928 : memref<2x16xf32, #tpu.memory_space<hbm>>) target_semaphore(%run_scoped3A : memref<!tpu.dma_semaphore, #tpu.memory_space<semaphore_mem>>)
      %dma_wait3A = arith.constant 0 : i32
      %dma_wait3A_929 = arith.constant 0 : i32
      %dma_wait3A_930 = tpu.memref_slice %arg4[%arg1, %dma_wait3A, %dma_wait3A_929] : memref<16x2x16xf32, #tpu.memory_space<hbm>> -> memref<1x2x16xf32, #tpu.memory_space<hbm>>
      %dma_wait3A_931 = tpu.memref_squeeze %dma_wait3A_930 : memref<1x2x16xf32, #tpu.memory_space<hbm>> -> memref<2x16xf32, #tpu.memory_space<hbm>>
      %dma_wait3A_932 = arith.constant 0 : i32
      %dma_wait3A_933 = arith.constant 0 : i32
      %dma_wait3A_934 = tpu.memref_slice %arg4[%arg1, %dma_wait3A_932, %dma_wait3A_933] : memref<16x2x16xf32, #tpu.memory_space<hbm>> -> memref<1x2x16xf32, #tpu.memory_space<hbm>>
      %dma_wait3A_935 = tpu.memref_squeeze %dma_wait3A_934 : memref<1x2x16xf32, #tpu.memory_space<hbm>> -> memref<2x16xf32, #tpu.memory_space<hbm>>
      tpu.wait_dma2 semaphore(%run_scoped3A : memref<!tpu.dma_semaphore, #tpu.memory_space<semaphore_mem>>) src(%arg11 : memref<2x16xf32, #tpu.memory_space<vmem>>) dst(%dma_wait3A_935 : memref<2x16xf32, #tpu.memory_space<hbm>>)
      tpu.yield
    }) : () -> ()
    %barrier3A = arith.constant 0 : index
    tpu.barrier barrier_id(%barrier3A)
    %eq3A_919 = arith.constant 0 : i32
    %eq3A_920 = arith.cmpi eq, %arg1, %eq3A_919 : i32
    %convert_element_type3A = arith.extui %eq3A_920 : i1 to i32
    %cond3A = arith.constant 0 : i32
    %cond3A_921 = arith.cmpi ne, %convert_element_type3A, %cond3A : i32
    scf.if %cond3A_921 {
      "tpu.region"() ({
        %run_scoped3A = tpu.sem_alloc : memref<!tpu.dma_semaphore, #tpu.memory_space<semaphore_mem>>
        tpu.enqueue_dma source(%arg4 : memref<16x2x16xf32, #tpu.memory_space<hbm>>) target(%arg12 : memref<16x2x16xf32, #tpu.memory_space<vmem>>) target_semaphore(%run_scoped3A : memref<!tpu.dma_semaphore, #tpu.memory_space<semaphore_mem>>)
        tpu.wait_dma2 semaphore(%run_scoped3A : memref<!tpu.dma_semaphore, #tpu.memory_space<semaphore_mem>>) src(%arg4 : memref<16x2x16xf32, #tpu.memory_space<hbm>>) dst(%arg12 : memref<16x2x16xf32, #tpu.memory_space<vmem>>)
        tpu.yield
      }) : () -> ()
      %broadcast_in_dim3A_922 = arith.constant 0.000000e+00 : f32
      %broadcast_in_dim3A_923 = vector.broadcast %broadcast_in_dim3A_922 : f32 to vector<16xf32>
      %broadcast_in_dim3A_924 = arith.constant 0.000000e+00 : f32
      %broadcast_in_dim3A_925 = vector.broadcast %broadcast_in_dim3A_924 : f32 to vector<16xf32>
      %get3A_926 = arith.constant 0 : i32
      %get3A_927 = arith.constant 0 : i32
      %get3A_928 = arith.index_cast %get3A_926 : i32 to index
      %get3A_929 = arith.index_cast %get3A_927 : i32 to index
      %get3A_930 = arith.constant 0 : index
      %get3A_931 = tpu.vector_load %arg12[%get3A_928, %get3A_929, %get3A_930] {strides = array<i32>} : memref<16x2x16xf32, #tpu.memory_space<vmem>>, vector<16xf32>,
      %add3A_932 = arith.addf %broadcast_in_dim3A_923, %get3A_931 : vector<16xf32>
      %get3A_933 = arith.constant 0 : i32
      %get3A_934 = arith.constant 1 : i32
      %get3A_935 = arith.index_cast %get3A_933 : i32 to index
      %get3A_936 = arith.index_cast %get3A_934 : i32 to index
      %get3A_937 = arith.constant 0 : index
      %get3A_938 = tpu.vector_load %arg12[%get3A_935, %get3A_936, %get3A_937] {strides = array<i32>} : memref<16x2x16xf32, #tpu.memory_space<vmem>>, vector<16xf32>,
      %add3A_939 = arith.addf %broadcast_in_dim3A_925, %get3A_938 : vector<16xf32>
      %get3A_940 = arith.constant 1 : i32
      %get3A_941 = arith.constant 0 : i32
      %get3A_942 = arith.index_cast %get3A_940 : i32 to index
      %get3A_943 = arith.index_cast %get3A_941 : i32 to index
      %get3A_944 = arith.constant 0 : index
      %get3A_945 = tpu.vector_load %arg12[%get3A_942, %get3A_943, %get3A_944] {strides = array<i32>} : memref<16x2x16xf32, #tpu.memory_space<vmem>>, vector<16xf32>,
      %add3A_946 = arith.addf %add3A_932, %get3A_945 : vector<16xf32>
      %get3A_947 = arith.constant 1 : i32
      %get3A_948 = arith.constant 1 : i32
      %get3A_949 = arith.index_cast %get3A_947 : i32 to index
      %get3A_950 = arith.index_cast %get3A_948 : i32 to index
      %get3A_951 = arith.constant 0 : index
      %get3A_952 = tpu.vector_load %arg12[%get3A_949, %get3A_950, %get3A_951] {strides = array<i32>} : memref<16x2x16xf32, #tpu.memory_space<vmem>>, vector<16xf32>,
      %add3A_953 = arith.addf %add3A_939, %get3A_952 : vector<16xf32>
      %get3A_954 = arith.constant 2 : i32
      %get3A_955 = arith.constant 0 : i32
      %get3A_956 = arith.index_cast %get3A_954 : i32 to index
      %get3A_957 = arith.index_cast %get3A_955 : i32 to index
      %get3A_958 = arith.constant 0 : index
      %get3A_959 = tpu.vector_load %arg12[%get3A_956, %get3A_957, %get3A_958] {strides = array<i32>} : memref<16x2x16xf32, #tpu.memory_space<vmem>>, vector<16xf32>,
      %add3A_960 = arith.addf %add3A_946, %get3A_959 : vector<16xf32>
      %get3A_961 = arith.constant 2 : i32
      %get3A_962 = arith.constant 1 : i32
      %get3A_963 = arith.index_cast %get3A_961 : i32 to index
      %get3A_964 = arith.index_cast %get3A_962 : i32 to index
      %get3A_965 = arith.constant 0 : index
      %get3A_966 = tpu.vector_load %arg12[%get3A_963, %get3A_964, %get3A_965] {strides = array<i32>} : memref<16x2x16xf32, #tpu.memory_space<vmem>>, vector<16xf32>,
      %add3A_967 = arith.addf %add3A_953, %get3A_966 : vector<16xf32>
      %get3A_968 = arith.constant 3 : i32
      %get3A_969 = arith.constant 0 : i32
      %get3A_970 = arith.index_cast %get3A_968 : i32 to index
      %get3A_971 = arith.index_cast %get3A_969 : i32 to index
      %get3A_972 = arith.constant 0 : index
      %get3A_973 = tpu.vector_load %arg12[%get3A_970, %get3A_971, %get3A_972] {strides = array<i32>} : memref<16x2x16xf32, #tpu.memory_space<vmem>>, vector<16xf32>,
      %add3A_974 = arith.addf %add3A_960, %get3A_973 : vector<16xf32>
      %get3A_975 = arith.constant 3 : i32
      %get3A_976 = arith.constant 1 : i32
      %get3A_977 = arith.index_cast %get3A_975 : i32 to index
      %get3A_978 = arith.index_cast %get3A_976 : i32 to index
      %get3A_979 = arith.constant 0 : index
      %get3A_980 = tpu.vector_load %arg12[%get3A_977, %get3A_978, %get3A_979] {strides = array<i32>} : memref<16x2x16xf32, #tpu.memory_space<vmem>>, vector<16xf32>,
      %add3A_981 = arith.addf %add3A_967, %get3A_980 : vector<16xf32>
      %get3A_982 = arith.constant 4 : i32
      %get3A_983 = arith.constant 0 : i32
      %get3A_984 = arith.index_cast %get3A_982 : i32 to index
      %get3A_985 = arith.index_cast %get3A_983 : i32 to index
      %get3A_986 = arith.constant 0 : index
      %get3A_987 = tpu.vector_load %arg12[%get3A_984, %get3A_985, %get3A_986] {strides = array<i32>} : memref<16x2x16xf32, #tpu.memory_space<vmem>>, vector<16xf32>,
      %add3A_988 = arith.addf %add3A_974, %get3A_987 : vector<16xf32>
      %get3A_989 = arith.constant 4 : i32
      %get3A_990 = arith.constant 1 : i32
      %get3A_991 = arith.index_cast %get3A_989 : i32 to index
      %get3A_992 = arith.index_cast %get3A_990 : i32 to index
      %get3A_993 = arith.constant 0 : index
      %get3A_994 = tpu.vector_load %arg12[%get3A_991, %get3A_992, %get3A_993] {strides = array<i32>} : memref<16x2x16xf32, #tpu.memory_space<vmem>>, vector<16xf32>,
      %add3A_995 = arith.addf %add3A_981, %get3A_994 : vector<16xf32>
      %get3A_996 = arith.constant 5 : i32
      %get3A_997 = arith.constant 0 : i32
      %get3A_998 = arith.index_cast %get3A_996 : i32 to index
      %get3A_999 = arith.index_cast %get3A_997 : i32 to index
      %get3A_1000 = arith.constant 0 : index
      %get3A_1001 = tpu.vector_load %arg12[%get3A_998, %get3A_999, %get3A_1000] {strides = array<i32>} : memref<16x2x16xf32, #tpu.memory_space<vmem>>, vector<16xf32>,
      %add3A_1002 = arith.addf %add3A_988, %get3A_1001 : vector<16xf32>
      %get3A_1003 = arith.constant 5 : i32
      %get3A_1004 = arith.constant 1 : i32
      %get3A_1005 = arith.index_cast %get3A_1003 : i32 to index
      %get3A_1006 = arith.index_cast %get3A_1004 : i32 to index
      %get3A_1007 = arith.constant 0 : index
      %get3A_1008 = tpu.vector_load %arg12[%get3A_1005, %get3A_1006, %get3A_1007] {strides = array<i32>} : memref<16x2x16xf32, #tpu.memory_space<vmem>>, vector<16xf32>,
      %add3A_1009 = arith.addf %add3A_995, %get3A_1008 : vector<16xf32>
      %get3A_1010 = arith.constant 6 : i32
      %get3A_1011 = arith.constant 0 : i32
      %get3A_1012 = arith.index_cast %get3A_1010 : i32 to index
      %get3A_1013 = arith.index_cast %get3A_1011 : i32 to index
      %get3A_1014 = arith.constant 0 : index
      %get3A_1015 = tpu.vector_load %arg12[%get3A_1012, %get3A_1013, %get3A_1014] {strides = array<i32>} : memref<16x2x16xf32, #tpu.memory_space<vmem>>, vector<16xf32>,
      %add3A_1016 = arith.addf %add3A_1002, %get3A_1015 : vector<16xf32>
      %get3A_1017 = arith.constant 6 : i32
      %get3A_1018 = arith.constant 1 : i32
      %get3A_1019 = arith.index_cast %get3A_1017 : i32 to index
      %get3A_1020 = arith.index_cast %get3A_1018 : i32 to index
      %get3A_1021 = arith.constant 0 : index
      %get3A_1022 = tpu.vector_load %arg12[%get3A_1019, %get3A_1020, %get3A_1021] {strides = array<i32>} : memref<16x2x16xf32, #tpu.memory_space<vmem>>, vector<16xf32>,
      %add3A_1023 = arith.addf %add3A_1009, %get3A_1022 : vector<16xf32>
      %get3A_1024 = arith.constant 7 : i32
      %get3A_1025 = arith.constant 0 : i32
      %get3A_1026 = arith.index_cast %get3A_1024 : i32 to index
      %get3A_1027 = arith.index_cast %get3A_1025 : i32 to index
      %get3A_1028 = arith.constant 0 : index
      %get3A_1029 = tpu.vector_load %arg12[%get3A_1026, %get3A_1027, %get3A_1028] {strides = array<i32>} : memref<16x2x16xf32, #tpu.memory_space<vmem>>, vector<16xf32>,
      %add3A_1030 = arith.addf %add3A_1016, %get3A_1029 : vector<16xf32>
      %get3A_1031 = arith.constant 7 : i32
      %get3A_1032 = arith.constant 1 : i32
      %get3A_1033 = arith.index_cast %get3A_1031 : i32 to index
      %get3A_1034 = arith.index_cast %get3A_1032 : i32 to index
      %get3A_1035 = arith.constant 0 : index
      %get3A_1036 = tpu.vector_load %arg12[%get3A_1033, %get3A_1034, %get3A_1035] {strides = array<i32>} : memref<16x2x16xf32, #tpu.memory_space<vmem>>, vector<16xf32>,
      %add3A_1037 = arith.addf %add3A_1023, %get3A_1036 : vector<16xf32>
      %get3A_1038 = arith.constant 8 : i32
      %get3A_1039 = arith.constant 0 : i32
      %get3A_1040 = arith.index_cast %get3A_1038 : i32 to index
      %get3A_1041 = arith.index_cast %get3A_1039 : i32 to index
      %get3A_1042 = arith.constant 0 : index
      %get3A_1043 = tpu.vector_load %arg12[%get3A_1040, %get3A_1041, %get3A_1042] {strides = array<i32>} : memref<16x2x16xf32, #tpu.memory_space<vmem>>, vector<16xf32>,
      %add3A_1044 = arith.addf %add3A_1030, %get3A_1043 : vector<16xf32>
      %get3A_1045 = arith.constant 8 : i32
      %get3A_1046 = arith.constant 1 : i32
      %get3A_1047 = arith.index_cast %get3A_1045 : i32 to index
      %get3A_1048 = arith.index_cast %get3A_1046 : i32 to index
      %get3A_1049 = arith.constant 0 : index
      %get3A_1050 = tpu.vector_load %arg12[%get3A_1047, %get3A_1048, %get3A_1049] {strides = array<i32>} : memref<16x2x16xf32, #tpu.memory_space<vmem>>, vector<16xf32>,
      %add3A_1051 = arith.addf %add3A_1037, %get3A_1050 : vector<16xf32>
      %get3A_1052 = arith.constant 9 : i32
      %get3A_1053 = arith.constant 0 : i32
      %get3A_1054 = arith.index_cast %get3A_1052 : i32 to index
      %get3A_1055 = arith.index_cast %get3A_1053 : i32 to index
      %get3A_1056 = arith.constant 0 : index
      %get3A_1057 = tpu.vector_load %arg12[%get3A_1054, %get3A_1055, %get3A_1056] {strides = array<i32>} : memref<16x2x16xf32, #tpu.memory_space<vmem>>, vector<16xf32>,
      %add3A_1058 = arith.addf %add3A_1044, %get3A_1057 : vector<16xf32>
      %get3A_1059 = arith.constant 9 : i32
      %get3A_1060 = arith.constant 1 : i32
      %get3A_1061 = arith.index_cast %get3A_1059 : i32 to index
      %get3A_1062 = arith.index_cast %get3A_1060 : i32 to index
      %get3A_1063 = arith.constant 0 : index
      %get3A_1064 = tpu.vector_load %arg12[%get3A_1061, %get3A_1062, %get3A_1063] {strides = array<i32>} : memref<16x2x16xf32, #tpu.memory_space<vmem>>, vector<16xf32>,
      %add3A_1065 = arith.addf %add3A_1051, %get3A_1064 : vector<16xf32>
      %get3A_1066 = arith.constant 10 : i32
      %get3A_1067 = arith.constant 0 : i32
      %get3A_1068 = arith.index_cast %get3A_1066 : i32 to index
      %get3A_1069 = arith.index_cast %get3A_1067 : i32 to index
      %get3A_1070 = arith.constant 0 : index
      %get3A_1071 = tpu.vector_load %arg12[%get3A_1068, %get3A_1069, %get3A_1070] {strides = array<i32>} : memref<16x2x16xf32, #tpu.memory_space<vmem>>, vector<16xf32>,
      %add3A_1072 = arith.addf %add3A_1058, %get3A_1071 : vector<16xf32>
      %get3A_1073 = arith.constant 10 : i32
      %get3A_1074 = arith.constant 1 : i32
      %get3A_1075 = arith.index_cast %get3A_1073 : i32 to index
      %get3A_1076 = arith.index_cast %get3A_1074 : i32 to index
      %get3A_1077 = arith.constant 0 : index
      %get3A_1078 = tpu.vector_load %arg12[%get3A_1075, %get3A_1076, %get3A_1077] {strides = array<i32>} : memref<16x2x16xf32, #tpu.memory_space<vmem>>, vector<16xf32>,
      %add3A_1079 = arith.addf %add3A_1065, %get3A_1078 : vector<16xf32>
      %get3A_1080 = arith.constant 11 : i32
      %get3A_1081 = arith.constant 0 : i32
      %get3A_1082 = arith.index_cast %get3A_1080 : i32 to index
      %get3A_1083 = arith.index_cast %get3A_1081 : i32 to index
      %get3A_1084 = arith.constant 0 : index
      %get3A_1085 = tpu.vector_load %arg12[%get3A_1082, %get3A_1083, %get3A_1084] {strides = array<i32>} : memref<16x2x16xf32, #tpu.memory_space<vmem>>, vector<16xf32>,
      %add3A_1086 = arith.addf %add3A_1072, %get3A_1085 : vector<16xf32>
      %get3A_1087 = arith.constant 11 : i32
      %get3A_1088 = arith.constant 1 : i32
      %get3A_1089 = arith.index_cast %get3A_1087 : i32 to index
      %get3A_1090 = arith.index_cast %get3A_1088 : i32 to index
      %get3A_1091 = arith.constant 0 : index
      %get3A_1092 = tpu.vector_load %arg12[%get3A_1089, %get3A_1090, %get3A_1091] {strides = array<i32>} : memref<16x2x16xf32, #tpu.memory_space<vmem>>, vector<16xf32>,
      %add3A_1093 = arith.addf %add3A_1079, %get3A_1092 : vector<16xf32>
      %get3A_1094 = arith.constant 12 : i32
      %get3A_1095 = arith.constant 0 : i32
      %get3A_1096 = arith.index_cast %get3A_1094 : i32 to index
      %get3A_1097 = arith.index_cast %get3A_1095 : i32 to index
      %get3A_1098 = arith.constant 0 : index
      %get3A_1099 = tpu.vector_load %arg12[%get3A_1096, %get3A_1097, %get3A_1098] {strides = array<i32>} : memref<16x2x16xf32, #tpu.memory_space<vmem>>, vector<16xf32>,
      %add3A_1100 = arith.addf %add3A_1086, %get3A_1099 : vector<16xf32>
      %get3A_1101 = arith.constant 12 : i32
      %get3A_1102 = arith.constant 1 : i32
      %get3A_1103 = arith.index_cast %get3A_1101 : i32 to index
      %get3A_1104 = arith.index_cast %get3A_1102 : i32 to index
      %get3A_1105 = arith.constant 0 : index
      %get3A_1106 = tpu.vector_load %arg12[%get3A_1103, %get3A_1104, %get3A_1105] {strides = array<i32>} : memref<16x2x16xf32, #tpu.memory_space<vmem>>, vector<16xf32>,
      %add3A_1107 = arith.addf %add3A_1093, %get3A_1106 : vector<16xf32>
      %get3A_1108 = arith.constant 13 : i32
      %get3A_1109 = arith.constant 0 : i32
      %get3A_1110 = arith.index_cast %get3A_1108 : i32 to index
      %get3A_1111 = arith.index_cast %get3A_1109 : i32 to index
      %get3A_1112 = arith.constant 0 : index
      %get3A_1113 = tpu.vector_load %arg12[%get3A_1110, %get3A_1111, %get3A_1112] {strides = array<i32>} : memref<16x2x16xf32, #tpu.memory_space<vmem>>, vector<16xf32>,
      %add3A_1114 = arith.addf %add3A_1100, %get3A_1113 : vector<16xf32>
      %get3A_1115 = arith.constant 13 : i32
      %get3A_1116 = arith.constant 1 : i32
      %get3A_1117 = arith.index_cast %get3A_1115 : i32 to index
      %get3A_1118 = arith.index_cast %get3A_1116 : i32 to index
      %get3A_1119 = arith.constant 0 : index
      %get3A_1120 = tpu.vector_load %arg12[%get3A_1117, %get3A_1118, %get3A_1119] {strides = array<i32>} : memref<16x2x16xf32, #tpu.memory_space<vmem>>, vector<16xf32>,
      %add3A_1121 = arith.addf %add3A_1107, %get3A_1120 : vector<16xf32>
      %get3A_1122 = arith.constant 14 : i32
      %get3A_1123 = arith.constant 0 : i32
      %get3A_1124 = arith.index_cast %get3A_1122 : i32 to index
      %get3A_1125 = arith.index_cast %get3A_1123 : i32 to index
      %get3A_1126 = arith.constant 0 : index
      %get3A_1127 = tpu.vector_load %arg12[%get3A_1124, %get3A_1125, %get3A_1126] {strides = array<i32>} : memref<16x2x16xf32, #tpu.memory_space<vmem>>, vector<16xf32>,
      %add3A_1128 = arith.addf %add3A_1114, %get3A_1127 : vector<16xf32>
      %get3A_1129 = arith.constant 14 : i32
      %get3A_1130 = arith.constant 1 : i32
      %get3A_1131 = arith.index_cast %get3A_1129 : i32 to index
      %get3A_1132 = arith.index_cast %get3A_1130 : i32 to index
      %get3A_1133 = arith.constant 0 : index
      %get3A_1134 = tpu.vector_load %arg12[%get3A_1131, %get3A_1132, %get3A_1133] {strides = array<i32>} : memref<16x2x16xf32, #tpu.memory_space<vmem>>, vector<16xf32>,
      %add3A_1135 = arith.addf %add3A_1121, %get3A_1134 : vector<16xf32>
      %get3A_1136 = arith.constant 15 : i32
      %get3A_1137 = arith.constant 0 : i32
      %get3A_1138 = arith.index_cast %get3A_1136 : i32 to index
      %get3A_1139 = arith.index_cast %get3A_1137 : i32 to index
      %get3A_1140 = arith.constant 0 : index
      %get3A_1141 = tpu.vector_load %arg12[%get3A_1138, %get3A_1139, %get3A_1140] {strides = array<i32>} : memref<16x2x16xf32, #tpu.memory_space<vmem>>, vector<16xf32>,
      %add3A_1142 = arith.addf %add3A_1128, %get3A_1141 : vector<16xf32>
      %get3A_1143 = arith.constant 15 : i32
      %get3A_1144 = arith.constant 1 : i32
      %get3A_1145 = arith.index_cast %get3A_1143 : i32 to index
      %get3A_1146 = arith.index_cast %get3A_1144 : i32 to index
      %get3A_1147 = arith.constant 0 : index
      %get3A_1148 = tpu.vector_load %arg12[%get3A_1145, %get3A_1146, %get3A_1147] {strides = array<i32>} : memref<16x2x16xf32, #tpu.memory_space<vmem>>, vector<16xf32>,
      %add3A_1149 = arith.addf %add3A_1135, %get3A_1148 : vector<16xf32>
      %broadcast_in_dim3A_1150 = arith.constant true
      %broadcast_in_dim3A_1151 = vector.broadcast %broadcast_in_dim3A_1150 : i1 to vector<16xi1>
      %masked_cumsum3A = tpu.scan <sum>, %add3A_1142 masked %broadcast_in_dim3A_1151 : vector<16xf32>, vector<16xi1> -> vector<16xf32>
      %broadcast_in_dim3A_1152 = arith.constant true
      %broadcast_in_dim3A_1153 = vector.broadcast %broadcast_in_dim3A_1152 : i1 to vector<16xi1>
      %masked_cumsum3A_1154 = tpu.scan <sum>, %add3A_1149 masked %broadcast_in_dim3A_1153 : vector<16xf32>, vector<16xi1> -> vector<16xf32>
      %div3A_1155 = arith.divf %masked_cumsum3A, %masked_cumsum3A_1154 : vector<16xf32>
      %neg3A = arith.constant 0.000000e+00 : f32
      %neg3A_1156 = vector.broadcast %neg3A : f32 to vector<16xf32>
      %neg3A_1157 = arith.subf %neg3A_1156, %div3A_1155 : vector<16xf32>
      %swap3A_1158 = arith.constant 0 : index
      %swap3A_1159 = tpu.vector_load %arg13[%swap3A_1158] {strides = array<i32>} : memref<16xf32, #tpu.memory_space<vmem>>, vector<16xf32>,
      tpu.vector_store %arg13[%swap3A_1158], %neg3A_1157 {strides = array<i32>} : memref<16xf32, #tpu.memory_space<vmem>>, vector<16xf32>,
      "tpu.region"() ({
        %run_scoped3A = tpu.sem_alloc : memref<!tpu.dma_semaphore, #tpu.memory_space<semaphore_mem>>
        tpu.enqueue_dma source(%arg13 : memref<16xf32, #tpu.memory_space<vmem>>) target(%arg5 : memref<16xf32, #tpu.memory_space<hbm>>) target_semaphore(%run_scoped3A : memref<!tpu.dma_semaphore, #tpu.memory_space<semaphore_mem>>)
        tpu.wait_dma2 semaphore(%run_scoped3A : memref<!tpu.dma_semaphore, #tpu.memory_space<semaphore_mem>>) src(%arg13 : memref<16xf32, #tpu.memory_space<vmem>>) dst(%arg5 : memref<16xf32, #tpu.memory_space<hbm>>)
        tpu.yield
      }) : () -> ()
    } else {
    }
    return
  }
}

</mosaic_0001>

<sc_bundles>
// kernel: kernel.3.cloned.1.call-start
scs
__scs_entry_jumppad:
0x0: {  	(pc) =	sbr.rel $0x88, $3  }
0x1: {  	(tag) =	ssettag $0x0;
	lr =	simm.s32 $0x1  }
0x2: {  	[smem:$0x3F9F] =	sst lr;
	_ =	strace $0xD0000000  }
0x3: {  	_ = 	snop  }
0x4: {  	_ = 	snop  }
0x5: {  	_ = 	snop  }
0x6: {  	_ = 	snop  }
0x7: {  	_ = 	snop  }
__scs_overlays_trampoline_lowered:
0x8: {  	[smem:$0x3FAE] =	sst s0  }
0x9: {  	[smem:$0x3FAF] =	sst s1  }
0xa: {  	[smem:$0x3FB0] =	sst s2  }
0xb: {  	[smem:$0x3FB1] =	sst s3  }
0xc: {  	[smem:$0x3FB2] =	sst s4  }
0xd: {  	[smem:$0x3FB3] =	sst s5  }
0xe: {  	[smem:$0x3FB4] =	sst s6  }
0xf: {  	[smem:$0x3FB5] =	sst s7  }
0x10: {  	[smem:$0x3FB6] =	sst s8  }
0x11: {  	[smem:$0x3FB7] =	sst s9;
	s0 =	simm.s32 @!p0 $0x0  }
0x12: {  	s1 =	sld [smem:$0x3F9D];
	s0 =	simm.s32 @p0 $0x1  }
0x13: {  	[smem:$0x3FB8] =	sst s0;
	s0 =	simm.s32 @!p1 $0x0  }
0x14: {  	s2 =	sld [smem:$0x3F9C];
	s0 =	simm.s32 @p1 $0x1  }
0x15: {  	[smem:$0x3FB9] =	sst s0;
	s0 =	simm.s32 @!p2 $0x0  }
0x16: {  	s3 =	sld [smem:$0x3FDB];
	s0 =	simm.s32 @p2 $0x1  }
0x17: {  	s4 =	simm.s32 $0x1BF5;
	[smem:$0x3FBB] =	sst s0  }
0x18: {  	s0 =	sld [smem:$0x3F9E];
	_ =	swait.ge [sflag:s4], $0x0  }
0x19: {  	s7 =	sld [smem:$0x3F9F]  }
0x1a: {  	s8 =	sadd.s32 $0xFFFFE003, lr  }
0x1b: {  	s9 =	sadd.s32 $0xFFFFFEF7, lr;
	s5 =	simm.s32 $0xFFFFFFFF;
	p2 =	slt.u32 s8, $0xFFFFF086  }
0x1c: {  	p1 =	slt.u32 s9, $0xF7A;
	s5 =	simm.s32 @!p2 $0x0  }
0x1d: {  	s5 =	simm.s32 @p1 $0x1;
	p0 =	seq.s32 s7, s2  }
0x1e: {  	s7 =	smul.u32 @!p0 $0xF7A, s2;
	p2 =	seq.s32 @!p0 s5, $0x0  }
0x1f: {  	s9 =	smul.u32 $0xF7A, s1;
	s8 =	simm.s32 @!p0 $0x1BF5;
	p2 =	por !p2, p0  }
0x20: {  	[sflag:s8] =	ssyncset.s32 @!p0 $0xFFFFF086;
	s6 =	sadd.s32 @!p0 s3, s7;
	s7 =	simm.s32 @!p0 $0x108  }
0x21: {  	s3 =	sadd.s32 s3, s9;
	s6 =	sadd.s32 @!p0 $0x88, s6;
	s7 =	simm.s32 @p2 $0x1082  }
0x22: {  	[simem:s7], [sflag:s8] =	dma.local @!p0 [hbm:s6], $0xF7A  }
0x23: {  	s9 =	sor.u32 $0xD0000000, s2;
	s6 =	simm.s32 $0x108;
	_ =	swait.ge @!p0 [sflag:s8], $0x0  }
0x24: {  	s3 =	sadd.s32 $0x88, s3;
	s6 =	simm.s32 @!p1 $0x1082;
	[sflag:s4] =	ssyncset.s32 $0xFFFFF086  }
0x25: {  	[simem:s6], [sflag:s4] =	dma.local [hbm:s3], $0xF7A  }
0x26: {  	[smem:$0x3F9F] =	sst s1;
	(tag) =	ssettag s2;
	_ =	strace s9  }
0x27: {  	s1 =	sld [smem:$0x3FAF]  }
0x28: {  	s2 =	sld [smem:$0x3FB0]  }
0x29: {  	s4 =	sld [smem:$0x3FB2]  }
0x2a: {  	p0 =	seq.s32 s5, $0x0;
	s5 =	sld [smem:$0x3FB3]  }
0x2b: {  	s6 =	sld [smem:$0x3FB4]  }
0x2c: {  	s7 =	sld [smem:$0x3FB5]  }
0x2d: {  	s3 =	simm.s32 $0x108;
	s8 =	sld [smem:$0x3FB6]  }
0x2e: {  	s3 =	simm.s32 @!p0 $0x1082;
	s9 =	sld [smem:$0x3FB7]  }
0x2f: {  	lr =	sadd.s32 s0, s3;
	s0 =	sld [smem:$0x3FAE]  }
0x30: {  	s3 =	sld [smem:$0x3FB1]  }
0x31: {  	[smem:$0x3FBA] =	sst s10  }
0x32: {  	s10 =	sld [smem:$0x3FB8];
	_ =	sdelay $0x3  }
0x33: {  	p0 =	seq.s32 s10, $0x1;
	s10 =	sld [smem:$0x3FBA];
	_ =	sdelay $0x3  }
0x34: {  	[smem:$0x3FBA] =	sst s10  }
0x35: {  	s10 =	sld [smem:$0x3FB9];
	_ =	sdelay $0x3  }
0x36: {  	p1 =	seq.s32 s10, $0x1;
	s10 =	sld [smem:$0x3FBA];
	_ =	sdelay $0x3  }
0x37: {  	[smem:$0x3FBA] =	sst s10  }
0x38: {  	s10 =	sld [smem:$0x3FBB]  }
0x39: {  	_ = 	snop;
	(pc) =	sbr.ind lr, $3  }
0x3a: {  	_ = 	snop  }
0x3b: {  	_ = 	snop  }
0x3c: {  	p2 =	seq.s32 s10, $0x1;
	s10 =	sld [smem:$0x3FBA]  }
0x3d: {  	_ =	shalt  }
0x3e: {  	_ =	shalt  }
0x3f: {  	_ =	shalt  }
0x40: {  	_ =	shalt  }
0x41: {  	_ =	shalt  }
0x42: {  	_ =	shalt  }
0x43: {  	_ =	shalt  }
0x44: {  	_ =	shalt  }
0x45: {  	_ =	shalt  }
0x46: {  	_ =	shalt  }
0x47: {  	_ =	shalt  }
0x48: {  	_ =	shalt  }
0x49: {  	_ =	shalt  }
0x4a: {  	_ =	shalt  }
0x4b: {  	_ =	shalt  }
0x4c: {  	_ =	shalt  }
0x4d: {  	_ =	shalt  }
0x4e: {  	_ =	shalt  }
0x4f: {  	_ =	shalt  }
0x50: {  	_ =	shalt  }
0x51: {  	_ =	shalt  }
0x52: {  	_ =	shalt  }
0x53: {  	_ =	shalt  }
0x54: {  	_ =	shalt  }
0x55: {  	_ =	shalt  }
0x56: {  	_ =	shalt  }
0x57: {  	_ =	shalt  }
0x58: {  	_ =	shalt  }
0x59: {  	_ =	shalt  }
0x5a: {  	_ =	shalt  }
0x5b: {  	_ =	shalt  }
0x5c: {  	_ =	shalt  }
0x5d: {  	_ =	shalt  }
0x5e: {  	_ =	shalt  }
0x5f: {  	_ =	shalt  }
0x60: {  	_ =	shalt  }
0x61: {  	_ =	shalt  }
0x62: {  	_ =	shalt  }
0x63: {  	_ =	shalt  }
0x64: {  	_ =	shalt  }
0x65: {  	_ =	shalt  }
0x66: {  	_ =	shalt  }
0x67: {  	_ =	shalt  }
0x68: {  	_ =	shalt  }
0x69: {  	_ =	shalt  }
0x6a: {  	_ =	shalt  }
0x6b: {  	_ =	shalt  }
0x6c: {  	_ =	shalt  }
0x6d: {  	_ =	shalt  }
0x6e: {  	_ =	shalt  }
0x6f: {  	_ =	shalt  }
0x70: {  	_ =	shalt  }
0x71: {  	_ =	shalt  }
0x72: {  	_ =	shalt  }
0x73: {  	_ =	shalt  }
0x74: {  	_ =	shalt  }
0x75: {  	_ =	shalt  }
0x76: {  	_ =	shalt  }
0x77: {  	_ =	shalt  }
0x78: {  	_ =	shalt  }
0x79: {  	_ =	shalt  }
0x7a: {  	_ =	shalt  }
0x7b: {  	_ =	shalt  }
0x7c: {  	_ =	shalt  }
0x7d: {  	_ =	shalt  }
0x7e: {  	_ =	shalt  }
0x7f: {  	_ =	shalt  }
0x80: {  	_ =	shalt  }
0x81: {  	_ =	shalt  }
0x82: {  	_ =	shalt  }
0x83: {  	_ =	shalt  }
0x84: {  	_ =	shalt  }
0x85: {  	_ =	shalt  }
0x86: {  	_ =	shalt  }
0x87: {  	_ =	shalt  }
.Lfunc_end0:
.L_simem_size_0:
called_computation_lowered:
.L_overlay_start_0:
0x88: {  	s0 =	sld [smem:$0x3FD9]  }
0x89: {  	s1 =	sld [smem:$0x3FFE];
	_ =	sdelay $0x3  }
0x8a: {  	s0 =	sadd.s32 s1, s0  }
0x8b: {  	[smem:$0x3FC6] =	sst s0  }
0x8c: {  	_ = 	snop  }
0x8d: {  	s0 =	sld [smem:$0x3FC9];
	(tm) =	ssettm $0x1  }
0x8e: {  	s16 =	sld [smem:$0x3FFB];
	_ =	sdelay $0x3  }
0x8f: {  	_ =	strace s16  }
0x90: {  	s1 =	sld [smem:$0x3FFC];
	_ =	sdelay $0x3  }
0x91: {  	_ =	strace s1  }
0x92: {  	s1 =	sld [smem:$0x3FFD];
	_ =	sdelay $0x3  }
0x93: {  	_ =	strace s1  }
0x94: {  	_ =	strace $0x8FFFFFFF  }
0x95: {  	s17 =	sld [smem:$0x3FDB];
	_ =	sdelay $0x1  }
0x96: {  	s2 =	simm.s32 $_scs_section_size  }
0x97: {  	s3 =	simm.s32 $_size__tile_overlayer_lowered;
	s4 =	simm.s32 $_tile_overlayer_lowered  }
0x98: {  	s20 =	simm.s32 $0x1BFF;
	s19 =	sshll.u32 s4, $0x1;
	s1 =	sadd.s32 s2, s17  }
0x99: {  	s5 =	simm.s32 $0x0;
	s18 =	sshll.u32 s3, $0x1;
	s3 =	sadd.s32 s19, s1  }
0x9a: {  	[timem:s5], [sflag:s20] =	dma.local [hbm:s3], s18  }
0x9b: {  	_ =	swait.ge [sflag:s20], s18  }
0x9c: {  	s2 =	ssub.s32 $0x0, s18;
	[sflag:s20] =	ssyncset.done $0x0  }
0x9d: {  	[sflag:s20] =	ssyncadd.s32 s2;
	_ =	sdelay $0x1  }
0x9e: {  	s21 =	simm.s32 $0x1B8B  }
0x9f: {  	_ =	swait.ge [sflag:s21], $0x1  }
0xa0: {  	[sflag:s21] =	ssyncset.done $0x0  }
0xa1: {  	s23 =	simm.s32 $0x1B8E;
	s22 =	sld [smem:$0x3FFE];
	[sflag:s21] =	ssyncadd.s32 $0xFFFFFFFF  }
0xa2: {  	s24 =	simm.s32 $execute0_lowered;
	[smem:$0x3FD2] =	sst s23  }
0xa3: {  	s3 =	sshll.u32 s24, $0x1;
	_ =	strace $0x80000046;
	[dreg:$0x1] =	wrdreg $0xFFFFFFFF  }
0xa4: {  	s25 =	simm.s32 $_size_execute0_lowered;
	s1 =	sadd.s32 s1, s3;
	[dreg:$0x0] =	wrdreg $0x0  }
0xa5: {  	s3 =	sshll.u32 s25, $0x1;
	[dreg:$0x2] =	wrdreg s1  }
0xa6: {  	[dreg:$0x3] =	wrdreg s3  }
0xa7: {  	[dreg:$0x4] =	wrdreg $0xC0  }
0xa8: {  	_ =	task [dreg:s5], $0x5FFFF  }
0xa9: {  	[dreg:$0x1] =	wrdreg $0xFFFFFFFF  }
0xaa: {  	[dreg:$0x0] =	wrdreg $0x60  }
0xab: {  	[dreg:$0x2] =	wrdreg s0  }
0xac: {  	[dreg:$0x3] =	wrdreg s22  }
0xad: {  	[dreg:$0x4] =	wrdreg $0x9  }
0xae: {  	_ =	task.clear_ibuf [dreg:s5], $0x5FFFF;
	_ =	strace $0x90000046  }
0xaf: {  	s26 =	simm.s32 $0x9;
	_ =	strace $0x80000048  }
0xb0: {  	_ =	swait.ge [sflag:s26], $0x1  }
0xb1: {  	[sflag:s26] =	ssyncadd.s32 $0xFFFFFFFF  }
0xb2: {  	_ =	strace $0x90000048  }
0xb3: {  	_ =	sfence  }
0xb4: {  	s28 =	sld [smem:$0x0];
	_ =	sdelay $0x1  }
0xb5: {  	s29 =	srdreg.scid  }
0xb6: {  	s30 =	sshll.u32 s29, $0xD;
	s31 =	sshrl.u32 s29, $0x2  }
0xb7: {  	s2 =	sand.u32 $0x4000, s30;
	s1 =	sand.u32 $0x1, s29;
	s0 =	sadd.s32 s31, s28  }
0xb8: {  	s1 =	sor.u32 s2, s1;
	s0 =	sshll.u32 s0, $0x11  }
0xb9: {  	s0 =	sor.u32 s0, s1  }
0xba: {  	s0 =	sadd.s32 $0x8F2B, s0  }
0xbb: {  	[sflag:s0] =	ssyncadd.remote.s32 $0x1  }
0xbc: {  	_ =	sfence.sel $0xFFFF  }
0xbd: {  	[dreg:$0x0] =	wrdreg $0xFFFFFFFF;
	(pc) =	sbr.abs _section_cstart, $3  }
0xbe: {  	[dreg:$0x1] =	wrdreg $0xFFFFFFFF  }
0xbf: {  	_ =	task.clear_ibuf [dreg:s5], $0x2FFFF;
	_ =	strace $0x9FFFFFFF  }
0xc0: {  	(tm) =	ssettm $0x7FFFFFFF  }
0xc1: {  	_ =	shalt  }
tec
execute0_lowered:
.L_overlay_start_1:
0x0: {  	(tag) =	ssettag $0x1  }
0x1: {  	s3 =	rddreg [dreg:$0x0]  }
0x2: {  	s6 =	rddreg [dreg:$0x1];
	s4 =	simm.s32 $0x0  }
0x3: {  	[smem:$0x7FF] =	sst s4  }
0x4: {  	s30 =	simm.s32 $0x2;
	s0 =	sadd.s32 $0x800, s6;
	_ =	strace $0x80000047  }
0x5: {  	[tilespmem:s4], [sflag:$0x2] =	stream.linear.gather [hbm4b:s0+s4], $0x1400, $0x38;
	[tilespmem:$0x5200] =	vst v63  }
0x6: {  	_ =	swait.ge [sflag:s30], $0x1400  }
0x7: {  	s1 =	stileid.u32;
	[sflag:s30] =	ssyncset.done $0x0  }
0x8: {  	s7 =	sshll.u32 s1, $0x4;
	[sflag:s30] =	ssyncadd.s32 $0xFFFFEC00  }
0x9: {  	v0 =	vld [tilespmem:s7+$0x0];
	_ =	sdelay $0x4  }
0xa: {  	vm0 =	veq.s32 v0, $0x0  }
0xb: {  	v0 =	vsel vm0, $0x270F, v0  }
0xc: {  	[tilespmem:$0x1400] =	vst v0;
	v0 =	vand.u32 $0x7, v0  }
0xd: {  	[tilespmem:$0x2000] =	vst v0;
	v0 =	vimm.f32 $1.000000000e+00  }
0xe: {  	[tilespmem:$0x2C00] =	vst v0  }
0xf: {  	v3 =	vld [tilespmem:s7+$0x100];
	_ =	sdelay $0x4  }
0x10: {  	vm1 =	vne.s32 v3, $0x0  }
0x11: {  	vm1 =	vmor vm0, vm1  }
0x12: {  	v1 =	vnsel vm1, $0x270F, v3  }
0x13: {  	vm1 =	veq.s32 v1, $0x0;
	[tilespmem:$0x1480] =	vst v1;
	v1 =	vand.u32 $0x7, v1  }
0x14: {  	v2 =	vsel vm1, $0x0, v0;
	[tilespmem:$0x2080] =	vst v1  }
0x15: {  	[tilespmem:$0x2C80] =	vst v2  }
0x16: {  	v4 =	vld [tilespmem:s7+$0x200];
	_ =	sdelay $0x1  }
0x17: {  	vm15 =	veq.s32 v3, $0x0;
	v1 =	vimm.s32 $0x0  }
0x18: {  	v3 =	vsel vm0, $0x1, v1;
	v5 =	vsel vm15, $0x1, v1  }
0x19: {  	v5 =	vadd.s32 v3, v5  }
0x1a: {  	v3 =	vor.u32 v5, v4  }
0x1b: {  	vm4 =	veq.s32 v3, $0x0  }
0x1c: {  	v3 =	vsel vm4, $0x270F, v4  }
0x1d: {  	vm0 =	veq.s32 v3, $0x0;
	[tilespmem:$0x1500] =	vst v3;
	v6 =	vand.u32 $0x7, v3  }
0x1e: {  	v3 =	vsel vm0, $0x0, v0;
	[tilespmem:$0x2100] =	vst v6  }
0x1f: {  	[tilespmem:$0x2D00] =	vst v3  }
0x20: {  	v6 =	vld [tilespmem:s7+$0x300];
	_ =	sdelay $0x1  }
0x21: {  	vm5 =	veq.s32 v4, $0x0  }
0x22: {  	v4 =	vsel vm5, $0x1, v1  }
0x23: {  	v5 =	vadd.s32 v4, v5  }
0x24: {  	v4 =	vor.u32 v5, v6  }
0x25: {  	vm6 =	veq.s32 v4, $0x0  }
0x26: {  	v4 =	vsel vm6, $0x270F, v6  }
0x27: {  	vm0 =	veq.s32 v4, $0x0;
	[tilespmem:$0x1580] =	vst v4;
	v7 =	vand.u32 $0x7, v4  }
0x28: {  	v52 =	vsel vm0, $0x0, v0;
	[tilespmem:$0x2180] =	vst v7  }
0x29: {  	[tilespmem:$0x2D80] =	vst v52  }
0x2a: {  	v7 =	vld [tilespmem:s7+$0x400];
	_ =	sdelay $0x1  }
0x2b: {  	vm7 =	veq.s32 v6, $0x0  }
0x2c: {  	v6 =	vsel vm7, $0x1, v1  }
0x2d: {  	v6 =	vadd.s32 v6, v5  }
0x2e: {  	v5 =	vor.u32 v6, v7  }
0x2f: {  	vm8 =	veq.s32 v5, $0x0  }
0x30: {  	v5 =	vsel vm8, $0x270F, v7  }
0x31: {  	vm0 =	veq.s32 v5, $0x0;
	[tilespmem:$0x1600] =	vst v5;
	v8 =	vand.u32 $0x7, v5  }
0x32: {  	v53 =	vsel vm0, $0x0, v0;
	[tilespmem:$0x2200] =	vst v8  }
0x33: {  	[tilespmem:$0x2E00] =	vst v53  }
0x34: {  	v8 =	vld [tilespmem:s7+$0x500];
	_ =	sdelay $0x1  }
0x35: {  	vm9 =	veq.s32 v7, $0x0  }
0x36: {  	v7 =	vsel vm9, $0x1, v1  }
0x37: {  	v7 =	vadd.s32 v7, v6  }
0x38: {  	v6 =	vor.u32 v7, v8  }
0x39: {  	vm10 =	veq.s32 v6, $0x0  }
0x3a: {  	v6 =	vsel vm10, $0x270F, v8  }
0x3b: {  	vm0 =	veq.s32 v6, $0x0;
	[tilespmem:$0x1680] =	vst v6;
	v9 =	vand.u32 $0x7, v6  }
0x3c: {  	v54 =	vsel vm0, $0x0, v0;
	[tilespmem:$0x2280] =	vst v9  }
0x3d: {  	[tilespmem:$0x2E80] =	vst v54  }
0x3e: {  	v9 =	vld [tilespmem:s7+$0x600];
	_ =	sdelay $0x1  }
0x3f: {  	vm11 =	veq.s32 v8, $0x0  }
0x40: {  	v8 =	vsel vm11, $0x1, v1  }
0x41: {  	v8 =	vadd.s32 v8, v7  }
0x42: {  	v7 =	vor.u32 v8, v9  }
0x43: {  	vm12 =	veq.s32 v7, $0x0  }
0x44: {  	v7 =	vsel vm12, $0x270F, v9  }
0x45: {  	vm0 =	veq.s32 v7, $0x0;
	[tilespmem:$0x1700] =	vst v7;
	v10 =	vand.u32 $0x7, v7  }
0x46: {  	v55 =	vsel vm0, $0x0, v0;
	[tilespmem:$0x2300] =	vst v10  }
0x47: {  	[tilespmem:$0x2F00] =	vst v55  }
0x48: {  	v10 =	vld [tilespmem:s7+$0x700];
	_ =	sdelay $0x1  }
0x49: {  	vm13 =	veq.s32 v9, $0x0  }
0x4a: {  	v9 =	vsel vm13, $0x1, v1  }
0x4b: {  	v9 =	vadd.s32 v9, v8  }
0x4c: {  	v8 =	vor.u32 v9, v10  }
0x4d: {  	vm14 =	veq.s32 v8, $0x0  }
0x4e: {  	v8 =	vsel vm14, $0x270F, v10  }
0x4f: {  	vm0 =	veq.s32 v8, $0x0;
	[tilespmem:$0x1780] =	vst v8;
	v11 =	vand.u32 $0x7, v8  }
0x50: {  	v56 =	vsel vm0, $0x0, v0;
	[tilespmem:$0x2380] =	vst v11  }
0x51: {  	[tilespmem:$0x2F80] =	vst v56  }
0x52: {  	v11 =	vld [tilespmem:s7+$0x800];
	_ =	sdelay $0x1  }
0x53: {  	vm15 =	veq.s32 v10, $0x0  }
0x54: {  	v10 =	vsel vm15, $0x1, v1  }
0x55: {  	v9 =	vadd.s32 v10, v9  }
0x56: {  	v10 =	vor.u32 v9, v11  }
0x57: {  	vm4 =	veq.s32 v10, $0x0  }
0x58: {  	v10 =	vsel vm4, $0x270F, v11  }
0x59: {  	vm0 =	veq.s32 v10, $0x0;
	[tilespmem:$0x1800] =	vst v10;
	v10 =	vand.u32 $0x7, v10  }
0x5a: {  	v12 =	vsel vm0, $0x0, v0;
	[tilespmem:$0x2400] =	vst v10  }
0x5b: {  	[tilespmem:$0x3000] =	vst v12  }
0x5c: {  	v10 =	vld [tilespmem:s7+$0x900];
	_ =	sdelay $0x1  }
0x5d: {  	vm5 =	veq.s32 v11, $0x0  }
0x5e: {  	v11 =	vsel vm5, $0x1, v1  }
0x5f: {  	v9 =	vadd.s32 v11, v9  }
0x60: {  	v11 =	vor.u32 v9, v10  }
0x61: {  	vm6 =	veq.s32 v11, $0x0  }
0x62: {  	v11 =	vsel vm6, $0x270F, v10  }
0x63: {  	vm0 =	veq.s32 v11, $0x0;
	[tilespmem:$0x1880] =	vst v11;
	v11 =	vand.u32 $0x7, v11  }
0x64: {  	v13 =	vsel vm0, $0x0, v0;
	[tilespmem:$0x2480] =	vst v11  }
0x65: {  	[tilespmem:$0x3080] =	vst v13  }
0x66: {  	v11 =	vld [tilespmem:s7+$0xA00];
	_ =	sdelay $0x1  }
0x67: {  	vm7 =	veq.s32 v10, $0x0  }
0x68: {  	v10 =	vsel vm7, $0x1, v1  }
0x69: {  	v9 =	vadd.s32 v10, v9  }
0x6a: {  	v10 =	vor.u32 v9, v11  }
0x6b: {  	vm8 =	veq.s32 v10, $0x0  }
0x6c: {  	v10 =	vsel vm8, $0x270F, v11  }
0x6d: {  	vm0 =	veq.s32 v10, $0x0;
	[tilespmem:$0x1900] =	vst v10;
	v10 =	vand.u32 $0x7, v10  }
0x6e: {  	v14 =	vsel vm0, $0x0, v0;
	[tilespmem:$0x2500] =	vst v10  }
0x6f: {  	[tilespmem:$0x3100] =	vst v14  }
0x70: {  	v10 =	vld [tilespmem:s7+$0xB00];
	_ =	sdelay $0x1  }
0x71: {  	vm9 =	veq.s32 v11, $0x0  }
0x72: {  	v11 =	vsel vm9, $0x1, v1  }
0x73: {  	v9 =	vadd.s32 v11, v9  }
0x74: {  	v11 =	vor.u32 v9, v10  }
0x75: {  	vm10 =	veq.s32 v11, $0x0  }
0x76: {  	v11 =	vsel vm10, $0x270F, v10  }
0x77: {  	vm0 =	veq.s32 v11, $0x0;
	[tilespmem:$0x1980] =	vst v11;
	v11 =	vand.u32 $0x7, v11  }
0x78: {  	v15 =	vsel vm0, $0x0, v0;
	[tilespmem:$0x2580] =	vst v11  }
0x79: {  	[tilespmem:$0x3180] =	vst v15  }
0x7a: {  	v11 =	vld [tilespmem:s7+$0xC00];
	_ =	sdelay $0x1  }
0x7b: {  	vm11 =	veq.s32 v10, $0x0  }
0x7c: {  	v10 =	vsel vm11, $0x1, v1  }
0x7d: {  	v9 =	vadd.s32 v10, v9  }
0x7e: {  	v10 =	vor.u32 v9, v11  }
0x7f: {  	vm12 =	veq.s32 v10, $0x0  }
0x80: {  	v10 =	vsel vm12, $0x270F, v11  }
0x81: {  	vm0 =	veq.s32 v10, $0x0;
	[tilespmem:$0x1A00] =	vst v10;
	v10 =	vand.u32 $0x7, v10  }
0x82: {  	v16 =	vsel vm0, $0x0, v0;
	[tilespmem:$0x2600] =	vst v10  }
0x83: {  	[tilespmem:$0x3200] =	vst v16  }
0x84: {  	v10 =	vld [tilespmem:s7+$0xD00];
	_ =	sdelay $0x1  }
0x85: {  	vm13 =	veq.s32 v11, $0x0  }
0x86: {  	v11 =	vsel vm13, $0x1, v1  }
0x87: {  	v9 =	vadd.s32 v11, v9  }
0x88: {  	v11 =	vor.u32 v9, v10  }
0x89: {  	vm14 =	veq.s32 v11, $0x0  }
0x8a: {  	v11 =	vsel vm14, $0x270F, v10  }
0x8b: {  	vm0 =	veq.s32 v11, $0x0;
	[tilespmem:$0x1A80] =	vst v11;
	v11 =	vand.u32 $0x7, v11  }
0x8c: {  	v17 =	vsel vm0, $0x0, v0;
	[tilespmem:$0x2680] =	vst v11  }
0x8d: {  	[tilespmem:$0x3280] =	vst v17  }
0x8e: {  	v11 =	vld [tilespmem:s7+$0xE00];
	_ =	sdelay $0x1  }
0x8f: {  	vm15 =	veq.s32 v10, $0x0  }
0x90: {  	v10 =	vsel vm15, $0x1, v1  }
0x91: {  	v9 =	vadd.s32 v10, v9  }
0x92: {  	v10 =	vor.u32 v9, v11  }
0x93: {  	vm4 =	veq.s32 v10, $0x0  }
0x94: {  	v10 =	vsel vm4, $0x270F, v11  }
0x95: {  	vm0 =	veq.s32 v10, $0x0;
	[tilespmem:$0x1B00] =	vst v10;
	v10 =	vand.u32 $0x7, v10  }
0x96: {  	v18 =	vsel vm0, $0x0, v0;
	[tilespmem:$0x2700] =	vst v10  }
0x97: {  	[tilespmem:$0x3300] =	vst v18  }
0x98: {  	v10 =	vld [tilespmem:s7+$0xF00];
	_ =	sdelay $0x1  }
0x99: {  	vm5 =	veq.s32 v11, $0x0  }
0x9a: {  	v11 =	vsel vm5, $0x1, v1  }
0x9b: {  	v9 =	vadd.s32 v11, v9  }
0x9c: {  	v11 =	vor.u32 v9, v10  }
0x9d: {  	vm6 =	veq.s32 v11, $0x0  }
0x9e: {  	v11 =	vsel vm6, $0x270F, v10  }
0x9f: {  	vm0 =	veq.s32 v11, $0x0;
	[tilespmem:$0x1B80] =	vst v11;
	v11 =	vand.u32 $0x7, v11  }
0xa0: {  	v19 =	vsel vm0, $0x0, v0;
	[tilespmem:$0x2780] =	vst v11  }
0xa1: {  	[tilespmem:$0x3380] =	vst v19  }
0xa2: {  	v11 =	vld [tilespmem:s7+$0x1000];
	_ =	sdelay $0x1  }
0xa3: {  	vm7 =	veq.s32 v10, $0x0  }
0xa4: {  	v10 =	vsel vm7, $0x1, v1  }
0xa5: {  	v9 =	vadd.s32 v10, v9  }
0xa6: {  	v10 =	vor.u32 v9, v11  }
0xa7: {  	vm8 =	veq.s32 v10, $0x0  }
0xa8: {  	v2 =	vadd.f32 $1.000000000e+00, v2;
	v10 =	vsel vm8, $0x270F, v11  }
0xa9: {  	vm0 =	veq.s32 v10, $0x0;
	[tilespmem:$0x1C00] =	vst v10;
	v10 =	vand.u32 $0x7, v10  }
0xaa: {  	v2 =	vadd.f32 v3, v2;
	[tilespmem:$0x2800] =	vst v10;
	v3 =	vsel vm0, $0x0, v0  }
0xab: {  	[tilespmem:$0x3400] =	vst v3  }
0xac: {  	v2 =	vadd.f32 v52, v2;
	v57 =	vld [tilespmem:s7+$0x1100];
	_ =	sdelay $0x1  }
0xad: {  	v2 =	vadd.f32 v53, v2;
	vm9 =	veq.s32 v11, $0x0  }
0xae: {  	v58 =	vsel vm9, $0x1, v1  }
0xaf: {  	v2 =	vadd.f32 v54, v2;
	v5 =	vadd.s32 v58, v9  }
0xb0: {  	v59 =	vor.u32 v5, v57  }
0xb1: {  	v2 =	vadd.f32 v55, v2;
	vm10 =	veq.s32 v59, $0x0  }
0xb2: {  	v6 =	vsel vm10, $0x270F, v57  }
0xb3: {  	v2 =	vadd.f32 v56, v2;
	vm0 =	veq.s32 v6, $0x0;
	[tilespmem:$0x1C80] =	vst v6;
	v6 =	vand.u32 $0x7, v6  }
0xb4: {  	[tilespmem:$0x2880] =	vst v6;
	v60 =	vsel vm0, $0x0, v0  }
0xb5: {  	v2 =	vadd.f32 v12, v2;
	[tilespmem:$0x3480] =	vst v60  }
0xb6: {  	v61 =	vld [tilespmem:s7+$0x1200]  }
0xb7: {  	v2 =	vadd.f32 v13, v2  }
0xb8: {  	vm11 =	veq.s32 v57, $0x0  }
0xb9: {  	v2 =	vadd.f32 v14, v2;
	v4 =	vsel vm11, $0x1, v1  }
0xba: {  	v4 =	vadd.s32 v4, v5  }
0xbb: {  	v2 =	vadd.f32 v15, v2;
	v5 =	vor.u32 v4, v61  }
0xbc: {  	vm12 =	veq.s32 v5, $0x0  }
0xbd: {  	v2 =	vadd.f32 v16, v2;
	v5 =	vsel vm12, $0x270F, v61  }
0xbe: {  	vm0 =	veq.s32 v5, $0x0;
	[tilespmem:$0x1D00] =	vst v5;
	v5 =	vand.u32 $0x7, v5  }
0xbf: {  	v2 =	vadd.f32 v17, v2;
	[tilespmem:$0x2900] =	vst v5;
	v62 =	vsel vm0, $0x0, v0  }
0xc0: {  	[tilespmem:$0x3500] =	vst v62  }
0xc1: {  	v2 =	vadd.f32 v18, v2;
	v63 =	vld [tilespmem:s7+$0x1300];
	_ =	sdelay $0x1  }
0xc2: {  	v2 =	vadd.f32 v19, v2  }
0xc3: {  	vm13 =	veq.s32 v61, $0x0  }
0xc4: {  	v2 =	vadd.f32 v3, v2;
	v1 =	vsel vm13, $0xFFFFFFFF, v1  }
0xc5: {  	vm15 =	veq.s32 v4, v1;
	vm14 =	veq.s32 v63, $0x0  }
0xc6: {  	v1 =	vadd.f32 v60, v2;
	vm0 =	vmand vm15, vm14  }
0xc7: {  	v2 =	vsel vm0, $0x270F, v63  }
0xc8: {  	v1 =	vadd.f32 v62, v1;
	vm0 =	veq.s32 v2, $0x0;
	[tilespmem:$0x1D80] =	vst v2;
	v2 =	vand.u32 $0x7, v2  }
0xc9: {  	v0 =	vsel vm0, $0x0, v0;
	[tilespmem:$0x2980] =	vst v2  }
0xca: {  	v1 =	vadd.f32 v0, v1;
	[tilespmem:$0x3580] =	vst v0;
	v0 =	vimm.f32 $0.0e+00  }
0xcb: {  	[tilespmem:$0x5180] =	vst v0  }
0xcc: {  	s24 =	simm.s32 $0x1400;
	[tilespmem:$0x4080] =	vst v1  }
0xcd: {  	v0 =	vld [tilespmem:s24+$0x0];
	_ =	sdelay $0x2  }
0xce: {  	s10 =	sshrl.u32 s1, $0x3  }
0xcf: {  	s31 =	sshll.u32 s10, $0xA  }
0xd0: {  	s0 =	sor.u32 $0x271000, s31;
	(v2sf) =	vpush v0, $0x3  }
0xd1: {  	s1 =	simm.s32 $0x3880;
	[dreg:$0x3] =	wrdreg s0;
	(v2sf) =	vpush v0, $0xE  }
0xd2: {  	s2 =	simm.s32 $0x3900;
	[dreg:$0x4] =	wrdreg s1;
	(v2sf) =	vpush v0, $0xD  }
0xd3: {  	s5 =	simm.s32 $0x3980;
	[dreg:$0x5] =	wrdreg s2;
	(v2sf) =	vpush v0, $0x2  }
0xd4: {  	s8 =	simm.s32 $0x3A00;
	[dreg:$0x6] =	wrdreg s5;
	(v2sf) =	vpush v0, $0x0  }
0xd5: {  	s9 =	simm.s32 $0x3A80;
	[dreg:$0x7] =	wrdreg s8;
	(v2sf) =	vpush v0, $0xC  }
0xd6: {  	s11 =	simm.s32 $0x3B00;
	[dreg:$0x8] =	wrdreg s9;
	(v2sf) =	vpush v0, $0x7  }
0xd7: {  	s18 =	simm.s32 $0x3B80;
	[dreg:$0x9] =	wrdreg s11;
	(v2sf) =	vpush v0, $0x4  }
0xd8: {  	s19 =	simm.s32 $0x3C00;
	[dreg:$0xa] =	wrdreg s18;
	(v2sf) =	vpush v0, $0x1  }
0xd9: {  	s20 =	simm.s32 $0x3C80;
	[dreg:$0xb] =	wrdreg s19  }
0xda: {  	s28 =	simm.s32 $0x3D00;
	[dreg:$0xc] =	wrdreg s20  }
0xdb: {  	[dreg:$0xd] =	wrdreg s28  }
0xdc: {  	s5 =	rddreg [dreg:$0x3]  }
0xdd: {  	s21 =	rddreg [dreg:$0x7]  }
0xde: {  	s23 =	rddreg [dreg:$0x4]  }
0xdf: {  	s26 =	rddreg [dreg:$0x5];
	s12 =	spop (v2sf)  }
0xe0: {  	s19 =	simm.s32 $0x3800;
	s29 =	rddreg [dreg:$0x6];
	s9 =	spop (v2sf)  }
0xe1: {  	s8 =	sadd.s32 $0x0, s5;
	s1 =	sshll.u32 s12, $0x7;
	s11 =	spop (v2sf)  }
0xe2: {  	s30 =	sshll.u32 s12, $0x8;
	s1 =	sand.u32 $0x380, s1;
	s14 =	spop (v2sf)  }
0xe3: {  	(v2sf) =	vpush v0, $0x8;
	s15 =	spop (v2sf);
	s25 =	sshll.u32 s14, $0x7;
	s14 =	sshll.u32 s14, $0x8  }
0xe4: {  	s2 =	spop (v2sf);
	s22 =	sshll.u32 s15, $0x7;
	s15 =	sshll.u32 s15, $0x8  }
0xe5: {  	s13 =	spop (v2sf);
	s15 =	sand.u32 $0xFFFFF800, s15;
	s5 =	sand.u32 $0x380, s22  }
0xe6: {  	(v2sf) =	vpush v0, $0x5;
	s14 =	sand.u32 $0xFFFFF800, s14;
	s16 =	spop (v2sf);
	s5 =	sor.u32 s5, s15  }
0xe7: {  	s28 =	sshll.u32 s13, $0x8;
	s13 =	sshll.u32 s13, $0x7;
	s17 =	spop (v2sf)  }
0xe8: {  	s5 =	sadd.s32 s5, s8;
	s31 =	sshll.u32 s16, $0x7;
	s16 =	sshll.u32 s16, $0x8  }
0xe9: {  	s13 =	sand.u32 $0x380, s13;
	s18 =	sshll.u32 s17, $0x7;
	s17 =	sshll.u32 s17, $0x8  }
0xea: {  	s5 =	sshrl.u32 s5, $0x3;
	s18 =	sand.u32 $0x380, s18;
	s17 =	sand.u32 $0xFFFFF800, s17  }
0xeb: {  	(v2sf) =	vpush v0, $0xA;
	s16 =	sand.u32 $0xFFFFF800, s16;
	s5 =	sadd.s32 s3, s5;
	s17 =	sor.u32 s18, s17  }
0xec: {  	[tilespmem:s19], [sflag:$0x1] =	stream.linear.gather [hbm4b:s5+s4], $0x80, $0x38;
	[tilespmem:$0x5200] =	vst v63  }
0xed: {  	(v2sf) =	vpush v0, $0x9;
	s18 =	sand.u32 $0x380, s25;
	s5 =	sand.u32 $0xFFFFF800, s30;
	s25 =	rddreg [dreg:$0x9]  }
0xee: {  	(v2sf) =	vpush v0, $0x6;
	s30 =	rddreg [dreg:$0xa];
	s17 =	sadd.s32 s17, s8;
	s14 =	sor.u32 s18, s14  }
0xef: {  	s1 =	sor.u32 s1, s5;
	s14 =	sadd.s32 s14, s8;
	s17 =	sshrl.u32 s17, $0x3  }
0xf0: {  	s1 =	sadd.s32 s1, s8;
	s14 =	sshrl.u32 s14, $0x3;
	s17 =	sadd.s32 s3, s17  }
0xf1: {  	[tilespmem:s23], [sflag:$0x1] =	stream.linear.gather [hbm4b:s17+s4], $0x80, $0x38;
	[tilespmem:$0x5200] =	vst v63  }
0xf2: {  	s1 =	sshrl.u32 s1, $0x3;
	s14 =	sadd.s32 s3, s14;
	s18 =	spop (v2sf)  }
0xf3: {  	s1 =	sadd.s32 s3, s1;
	s17 =	sshll.u32 s9, $0x7;
	s9 =	sshll.u32 s9, $0x8  }
0xf4: {  	[tilespmem:s26], [sflag:$0x1] =	stream.linear.gather [hbm4b:s14+s4], $0x80, $0x38;
	[tilespmem:$0x5200] =	vst v63  }
0xf5: {  	s12 =	spop (v2sf);
	s9 =	sand.u32 $0xFFFFF800, s9;
	s14 =	sand.u32 $0x380, s31  }
0xf6: {  	s19 =	sshll.u32 s12, $0x7;
	s5 =	sshll.u32 s12, $0x8;
	s31 =	sshll.u32 s18, $0x8  }
0xf7: {  	s12 =	sshll.u32 s18, $0x7;
	s14 =	sor.u32 s14, s16;
	s16 =	sand.u32 $0x380, s19  }
0xf8: {  	s5 =	sand.u32 $0xFFFFF800, s5;
	s15 =	sand.u32 $0x380, s12;
	s12 =	sshll.u32 s2, $0x7  }
0xf9: {  	[tilespmem:s29], [sflag:$0x1] =	stream.linear.gather [hbm4b:s1+s4], $0x80, $0x38;
	[tilespmem:$0x5200] =	vst v63  }
0xfa: {  	s2 =	sshll.u32 s2, $0x8;
	s14 =	sadd.s32 s14, s8;
	s1 =	spop (v2sf)  }
0xfb: {  	s5 =	sor.u32 s16, s5;
	s29 =	simm.s32 $0x3D80;
	s2 =	sand.u32 $0xFFFFF800, s2  }
0xfc: {  	s14 =	sshrl.u32 s14, $0x3;
	s20 =	spop (v2sf);
	s5 =	sadd.s32 s5, s8  }
0xfd: {  	[dreg:$0xe] =	wrdreg s29;
	s14 =	sadd.s32 s3, s14;
	s22 =	spop (v2sf)  }
0xfe: {  	s5 =	sshrl.u32 s5, $0x3;
	s18 =	sshll.u32 s20, $0x8;
	s19 =	sshll.u32 s20, $0x7  }
0xff: {  	(v2sf) =	vpush v0, $0xB;
	[tilespmem:s21], [sflag:$0x1] =	stream.linear.gather [hbm4b:s14+s4], $0x80, $0x38;
	[tilespmem:$0x5200] =	vst v63  }
0x100: {  	s20 =	simm.s32 $0x3E00;
	s21 =	rddreg [dreg:$0x8];
	s23 =	sshll.u32 s22, $0x7  }
0x101: {  	s14 =	sshll.u32 s22, $0x8;
	s5 =	sadd.s32 s3, s5;
	s22 =	sshll.u32 s1, $0x8  }
0x102: {  	[dreg:$0xf] =	wrdreg s20;
	s16 =	sand.u32 $0x380, s23;
	s14 =	sand.u32 $0xFFFFF800, s14  }
0x103: {  	[tilespmem:s21], [sflag:$0x1] =	stream.linear.gather [hbm4b:s5+s4], $0x80, $0x38;
	[tilespmem:$0x5200] =	vst v63  }
0x104: {  	s1 =	sshll.u32 s1, $0x7;
	s14 =	sor.u32 s16, s14;
	s16 =	rddreg [dreg:$0xb]  }
0x105: {  	s1 =	sand.u32 $0x380, s1;
	s21 =	rddreg [dreg:$0xc];
	s26 =	sadd.s32 s14, s8  }
0x106: {  	s14 =	sand.u32 $0xFFFFF800, s28;
	s5 =	sshrl.u32 s26, $0x3;
	s26 =	rddreg [dreg:$0xd]  }
0x107: {  	s13 =	sor.u32 s13, s14;
	s14 =	sand.u32 $0xFFFFF800, s31;
	s31 =	rddreg [dreg:$0xe]  }
0x108: {  	s5 =	sadd.s32 s3, s5;
	s13 =	sadd.s32 s13, s8;
	s15 =	sor.u32 s15, s14  }
0x109: {  	[tilespmem:s25], [sflag:$0x1] =	stream.linear.gather [hbm4b:s5+s4], $0x80, $0x38;
	[tilespmem:$0x5200] =	vst v63  }
0x10a: {  	s14 =	sand.u32 $0x380, s19;
	s13 =	sshrl.u32 s13, $0x3;
	s0 =	sadd.s32 s15, s8  }
0x10b: {  	s15 =	sshll.u32 s11, $0x7;
	s13 =	sadd.s32 s3, s13;
	s0 =	sshrl.u32 s0, $0x3  }
0x10c: {  	[tilespmem:s30], [sflag:$0x1] =	stream.linear.gather [hbm4b:s13+s4], $0x80, $0x38;
	[tilespmem:$0x5200] =	vst v63  }
0x10d: {  	s11 =	sshll.u32 s11, $0x8;
	s13 =	sand.u32 $0xFFFFF800, s18;
	s0 =	sadd.s32 s3, s0  }
0x10e: {  	s28 =	spop (v2sf);
	s13 =	sor.u32 s14, s13;
	s14 =	sand.u32 $0xFFFFF800, s22  }
0x10f: {  	[tilespmem:s16], [sflag:$0x1] =	stream.linear.gather [hbm4b:s0+s4], $0x80, $0x38;
	[tilespmem:$0x5200] =	vst v63  }
0x110: {  	s29 =	sshll.u32 s28, $0x8;
	s5 =	sshll.u32 s28, $0x7;
	s13 =	sadd.s32 s13, s8  }
0x111: {  	s23 =	sor.u32 s1, s14;
	s5 =	sand.u32 $0x380, s5;
	s13 =	sshrl.u32 s13, $0x3  }
0x112: {  	(v2sf) =	vpush v0, $0xF;
	s0 =	sadd.s32 s23, s8;
	s25 =	sadd.s32 s3, s13;
	s13 =	sand.u32 $0xFFFFF800, s29  }
0x113: {  	[tilespmem:s21], [sflag:$0x1] =	stream.linear.gather [hbm4b:s25+s4], $0x80, $0x38;
	[tilespmem:$0x5200] =	vst v63  }
0x114: {  	s11 =	sand.u32 $0xFFFFF800, s11;
	s0 =	sshrl.u32 s0, $0x3;
	s5 =	sor.u32 s5, s13  }
0x115: {  	s0 =	sadd.s32 s3, s0;
	s13 =	sand.u32 $0x380, s12;
	s5 =	sadd.s32 s5, s8  }
0x116: {  	[tilespmem:s26], [sflag:$0x1] =	stream.linear.gather [hbm4b:s0+s4], $0x80, $0x38;
	[tilespmem:$0x5200] =	vst v63  }
0x117: {  	s30 =	simm.s32 $0x3E80;
	s13 =	sor.u32 s13, s2;
	s5 =	sshrl.u32 s5, $0x3  }
0x118: {  	[dreg:$0x10] =	wrdreg s30;
	s0 =	sadd.s32 s13, s8;
	s5 =	sadd.s32 s3, s5  }
0x119: {  	[tilespmem:s31], [sflag:$0x1] =	stream.linear.gather [hbm4b:s5+s4], $0x80, $0x38;
	[tilespmem:$0x5200] =	vst v63  }
0x11a: {  	s14 =	rddreg [dreg:$0xf];
	s0 =	sshrl.u32 s0, $0x3;
	s5 =	sand.u32 $0x380, s15  }
0x11b: {  	s1 =	sand.u32 $0x380, s17;
	s0 =	sadd.s32 s3, s0;
	s5 =	sor.u32 s5, s11  }
0x11c: {  	[tilespmem:s14], [sflag:$0x1] =	stream.linear.gather [hbm4b:s0+s4], $0x80, $0x38;
	[tilespmem:$0x5200] =	vst v63  }
0x11d: {  	s16 =	simm.s32 $0x3F00;
	s19 =	sor.u32 s1, s9;
	s5 =	sadd.s32 s5, s8  }
0x11e: {  	s18 =	rddreg [dreg:$0x10];
	s0 =	sadd.s32 s19, s8;
	s5 =	sshrl.u32 s5, $0x3  }
0x11f: {  	[dreg:$0x11] =	wrdreg s16;
	s0 =	sshrl.u32 s0, $0x3;
	s20 =	sadd.s32 s3, s5  }
0x120: {  	[tilespmem:s18], [sflag:$0x1] =	stream.linear.gather [hbm4b:s20+s4], $0x80, $0x38;
	[tilespmem:$0x5200] =	vst v63  }
0x121: {  	s21 =	rddreg [dreg:$0x11];
	s0 =	sadd.s32 s3, s0;
	s22 =	spop (v2sf)  }
0x122: {  	[tilespmem:s21], [sflag:$0x1] =	stream.linear.gather [hbm4b:s0+s4], $0x80, $0x38;
	[tilespmem:$0x5200] =	vst v63  }
0x123: {  	s23 =	sshll.u32 s22, $0x7;
	s25 =	sshll.u32 s22, $0x8  }
0x124: {  	s0 =	sand.u32 $0x380, s23;
	s1 =	sand.u32 $0xFFFFF800, s25  }
0x125: {  	s0 =	sor.u32 s0, s1  }
0x126: {  	s26 =	simm.s32 $0x3F80;
	s0 =	sadd.s32 s0, s8  }
0x127: {  	[dreg:$0x12] =	wrdreg s26;
	s0 =	sshrl.u32 s0, $0x3  }
0x128: {  	s9 =	simm.s32 $0x1;
	s28 =	rddreg [dreg:$0x12];
	s0 =	sadd.s32 s3, s0  }
0x129: {  	[tilespmem:s28], [sflag:$0x1] =	stream.linear.gather [hbm4b:s0+s4], $0x80, $0x38;
	[tilespmem:$0x5200] =	vst v63  }
0x12a: {  	_ =	swait.ge [sflag:s9], $0x80  }
0x12b: {  	[sflag:s9] =	ssyncset.done $0x0  }
0x12c: {  	[sflag:s9] =	ssyncadd.s32 $0xFFFFFF80  }
0x12d: {  	_ =	swait.ge [sflag:s9], $0x80  }
0x12e: {  	[sflag:s9] =	ssyncset.done $0x0  }
0x12f: {  	[sflag:s9] =	ssyncadd.s32 $0xFFFFFF80  }
0x130: {  	_ =	swait.ge [sflag:s9], $0x80  }
0x131: {  	[sflag:s9] =	ssyncset.done $0x0  }
0x132: {  	[sflag:s9] =	ssyncadd.s32 $0xFFFFFF80  }
0x133: {  	_ =	swait.ge [sflag:s9], $0x80  }
0x134: {  	[sflag:s9] =	ssyncset.done $0x0  }
0x135: {  	[sflag:s9] =	ssyncadd.s32 $0xFFFFFF80  }
0x136: {  	_ =	swait.ge [sflag:s9], $0x80  }
0x137: {  	[sflag:s9] =	ssyncset.done $0x0  }
0x138: {  	[sflag:s9] =	ssyncadd.s32 $0xFFFFFF80  }
0x139: {  	_ =	swait.ge [sflag:s9], $0x80  }
0x13a: {  	[sflag:s9] =	ssyncset.done $0x0  }
0x13b: {  	[sflag:s9] =	ssyncadd.s32 $0xFFFFFF80  }
0x13c: {  	s29 =	sadd.s32 $0xC00, s6;
	_ =	swait.ge [sflag:s9], $0x80  }
0x13d: {  	s30 =	sadd.s32 $0xE00, s6;
	[sflag:s9] =	ssyncset.done $0x0;
	[smem:$0x7FC] =	sst s29  }
0x13e: {  	v0 =	vlaneseq.u32;
	[smem:$0x7FD] =	sst s30;
	[sflag:s9] =	ssyncadd.s32 $0xFFFFFF80  }
0x13f: {  	v0 =	vmul.u32 $0x81, v0;
	s31 =	sshll.u32 s10, $0x7;
	_ =	swait.ge [sflag:s9], $0x80  }
0x140: {  	s11 =	simm.s32 $0x271000;
	s0 =	ssub.s32 s7, s31;
	[sflag:s9] =	ssyncset.done $0x0  }
0x141: {  	s23 =	simm.s32 $0x2C00;
	v0 =	vadd.s32 s0, v0;
	s0 =	simm.s32 $0x2C00;
	[sflag:s9] =	ssyncadd.s32 $0xFFFFFF80  }
.LBB2_1:
0x142: {  	_ =	swait.ge [sflag:s9], $0x80  }
0x143: {  	[sflag:s9] =	ssyncset.done $0x0  }
0x144: {  	[sflag:s9] =	ssyncadd.s32 $0xFFFFFF80  }
0x145: {  	_ =	swait.ge [sflag:s9], $0x80  }
0x146: {  	[sflag:s9] =	ssyncset.done $0x0  }
0x147: {  	[sflag:s9] =	ssyncadd.s32 $0xFFFFFF80  }
0x148: {  	_ =	swait.ge [sflag:s9], $0x80  }
0x149: {  	[sflag:s9] =	ssyncset.done $0x0  }
0x14a: {  	[sflag:s9] =	ssyncadd.s32 $0xFFFFFF80  }
0x14b: {  	_ =	swait.ge [sflag:s9], $0x80  }
0x14c: {  	[sflag:s9] =	ssyncset.done $0x0  }
0x14d: {  	[sflag:s9] =	ssyncadd.s32 $0xFFFFFF80  }
0x14e: {  	_ =	swait.ge [sflag:s9], $0x80  }
0x14f: {  	[sflag:s9] =	ssyncset.done $0x0  }
0x150: {  	[sflag:s9] =	ssyncadd.s32 $0xFFFFFF80  }
0x151: {  	_ =	swait.ge [sflag:s9], $0x80  }
0x152: {  	[sflag:s9] =	ssyncset.done $0x0  }
0x153: {  	[sflag:s9] =	ssyncadd.s32 $0xFFFFFF80  }
0x154: {  	_ =	swait.ge [sflag:s9], $0x80  }
0x155: {  	[sflag:s9] =	ssyncset.done $0x0  }
0x156: {  	[sflag:s9] =	ssyncadd.s32 $0xFFFFFF80  }
0x157: {  	_ =	swait.ge [sflag:s9], $0x80  }
0x158: {  	[sflag:s9] =	ssyncset.done $0x0  }
0x159: {  	s1 =	simm.s32 $0x3800;
	[sflag:s9] =	ssyncadd.s32 $0xFFFFFF80  }
0x15a: {  	v1 =	vld.idx.msk [tilespmem:v0+s1+$0x0], $0xffff  }
0x15b: {  	v2 =	vld [tilespmem:s0+$0x0];
	_ =	sdelay $0x1  }
0x15c: {  	v3 =	vld [tilespmem:$0x5180];
	_ =	sdelay $0x2  }
0x15d: {  	v1 =	vmul.f32 v2, v1  }
0x15e: {  	s23 =	sadd.s32 $0x80, s23  }
0x15f: {  	s14 =	smov.u32 s23;
	v1 =	vadd.f32 v1, v3  }
0x160: {  	[dreg:$0x13] =	wrdreg s14  }
0x161: {  	s24 =	sadd.s32 $0x80, s24;
	s16 =	rddreg [dreg:$0xf];
	[tilespmem:$0x5180] =	vst v1  }
0x162: {  	s17 =	rddreg [dreg:$0xe];
	v1 =	vld [tilespmem:s24+$0x0]  }
0x163: {  	s18 =	rddreg [dreg:$0xd]  }
0x164: {  	s19 =	rddreg [dreg:$0xc]  }
0x165: {  	s20 =	rddreg [dreg:$0xb]  }
0x166: {  	s21 =	rddreg [dreg:$0xa]  }
0x167: {  	s22 =	rddreg [dreg:$0x9];
	(v2sf) =	vpush v1, $0x3  }
0x168: {  	s25 =	rddreg [dreg:$0x8];
	(v2sf) =	vpush v1, $0xE  }
0x169: {  	s26 =	rddreg [dreg:$0x3]  }
0x16a: {  	s28 =	rddreg [dreg:$0x7];
	(v2sf) =	vpush v1, $0xD  }
0x16b: {  	s29 =	rddreg [dreg:$0x6];
	(v2sf) =	vpush v1, $0x2  }
0x16c: {  	[dreg:$0x14] =	wrdreg s16;
	(v2sf) =	vpush v1, $0x0  }
0x16d: {  	[dreg:$0x15] =	wrdreg s17;
	(v2sf) =	vpush v1, $0xC  }
0x16e: {  	[dreg:$0x16] =	wrdreg s18  }
0x16f: {  	[dreg:$0x17] =	wrdreg s19;
	(v2sf) =	vpush v1, $0x7  }
0x170: {  	[dreg:$0x18] =	wrdreg s20  }
0x171: {  	[dreg:$0x19] =	wrdreg s21  }
0x172: {  	[dreg:$0x1a] =	wrdreg s22;
	(v2sf) =	vpush v1, $0x4  }
0x173: {  	[dreg:$0x1b] =	wrdreg s25  }
0x174: {  	[dreg:$0x1c] =	wrdreg s28;
	(v2sf) =	vpush v1, $0x1  }
0x175: {  	s15 =	smov.u32 s11;
	[dreg:$0x1f] =	wrdreg s29  }
0x176: {  	s15 =	sadd.s32 s15, s26;
	s25 =	rddreg [dreg:$0x5];
	s30 =	spop (v2sf)  }
0x177: {  	s26 =	rddreg [dreg:$0x4];
	(v2sf) =	vpush v1, $0x8;
	s31 =	spop (v2sf);
	s3 =	sshll.u32 s30, $0x8  }
0x178: {  	s0 =	sshll.u32 s30, $0x7;
	s2 =	sshll.u32 s31, $0x7;
	s1 =	sshll.u32 s31, $0x8  }
0x179: {  	(v2sf) =	vpush v1, $0x5;
	s28 =	spop (v2sf);
	s6 =	sand.u32 $0xFFFFF800, s3;
	[dreg:$0x1e] =	wrdreg s2  }
0x17a: {  	[dreg:$0x1d] =	wrdreg s1;
	s5 =	sshll.u32 s28, $0x7;
	s8 =	spop (v2sf)  }
0x17b: {  	(v2sf) =	vpush v1, $0xA;
	s1 =	sand.u32 $0x380, s0;
	s29 =	spop (v2sf);
	s30 =	sshll.u32 s8, $0x7  }
0x17c: {  	s8 =	sshll.u32 s8, $0x8;
	s1 =	sor.u32 s1, s6;
	s4 =	spop (v2sf)  }
0x17d: {  	(v2sf) =	vpush v1, $0x9;
	s10 =	sshll.u32 s29, $0x7;
	s12 =	sand.u32 $0x380, s30;
	s29 =	sshll.u32 s29, $0x8  }
0x17e: {  	(v2sf) =	vpush v1, $0x6;
	s7 =	sand.u32 $0xFFFFF800, s8;
	s1 =	sadd.s32 s1, s15;
	s3 =	spop (v2sf)  }
0x17f: {  	s14 =	sand.u32 $0xFFFFF800, s29;
	s16 =	sshll.u32 s4, $0x7;
	s0 =	sshll.u32 s4, $0x8  }
0x180: {  	s2 =	sand.u32 $0x380, s10;
	s29 =	sand.u32 $0x380, s5;
	s7 =	sor.u32 s12, s7  }
0x181: {  	s31 =	spop (v2sf);
	s20 =	sshll.u32 s3, $0x8;
	s8 =	sand.u32 $0xFFFFF800, s0  }
0x182: {  	s2 =	sor.u32 s2, s14;
	s16 =	sand.u32 $0x380, s16;
	s3 =	sshll.u32 s3, $0x7  }
0x183: {  	s7 =	sadd.s32 s7, s15;
	s19 =	sshll.u32 s31, $0x7;
	s13 =	spop (v2sf)  }
0x184: {  	s31 =	sshll.u32 s31, $0x8;
	s18 =	sand.u32 $0xFFFFF800, s20;
	s2 =	sadd.s32 s2, s15  }
0x185: {  	s3 =	sand.u32 $0x380, s3;
	s8 =	sor.u32 s16, s8;
	s7 =	sshrl.u32 s7, $0x3  }
0x186: {  	s30 =	sand.u32 $0x380, s19;
	s17 =	sshll.u32 s13, $0x7;
	s4 =	spop (v2sf)  }
0x187: {  	(v2sf) =	vpush v1, $0xB;
	s13 =	sshll.u32 s13, $0x8;
	s2 =	sshrl.u32 s2, $0x3;
	s3 =	sor.u32 s3, s18  }
0x188: {  	s8 =	sadd.s32 s8, s15;
	s21 =	spop (v2sf);
	s17 =	sand.u32 $0x380, s17  }
0x189: {  	s13 =	sand.u32 $0xFFFFF800, s13;
	s18 =	sadd.s32 s3, s15;
	s22 =	sshll.u32 s21, $0x7  }
0x18a: {  	s19 =	sshll.u32 s21, $0x8;
	s0 =	spop (v2sf);
	s10 =	sor.u32 s17, s13  }
0x18b: {  	s20 =	sand.u32 $0x380, s22;
	s19 =	sand.u32 $0xFFFFF800, s19;
	s5 =	sadd.s32 s10, s15  }
0x18c: {  	s10 =	sshrl.u32 s1, $0x3;
	s14 =	sor.u32 s20, s19;
	s13 =	spop (v2sf)  }
0x18d: {  	s20 =	sshrl.u32 s5, $0x3;
	s1 =	sadd.s32 s14, s15;
	s21 =	spop (v2sf)  }
0x18e: {  	s5 =	sshrl.u32 s1, $0x3;
	s1 =	sshrl.u32 s18, $0x3;
	s22 =	sshll.u32 s21, $0x7  }
0x18f: {  	s17 =	sshll.u32 s21, $0x8;
	s21 =	sshll.u32 s13, $0x8;
	s13 =	sshll.u32 s13, $0x7  }
0x190: {  	s19 =	sand.u32 $0x380, s22;
	s17 =	sand.u32 $0xFFFFF800, s17;
	s22 =	rddreg [dreg:$0x0]  }
0x191: {  	s3 =	sand.u32 $0xFFFFF800, s21;
	s13 =	sand.u32 $0x380, s13;
	s2 =	sadd.s32 s22, s2  }
0x192: {  	s17 =	sor.u32 s19, s17;
	s19 =	sshll.u32 s0, $0x8;
	s7 =	sadd.s32 s22, s7  }
0x193: {  	s3 =	sor.u32 s13, s3;
	s0 =	sshll.u32 s0, $0x7;
	s20 =	sadd.s32 s22, s20  }
0x194: {  	s10 =	sadd.s32 s22, s10;
	s5 =	sadd.s32 s22, s5;
	s1 =	sadd.s32 s22, s1  }
0x195: {  	s6 =	sadd.s32 s17, s15;
	s17 =	sshll.u32 s4, $0x8;
	s4 =	sshll.u32 s4, $0x7  }
0x196: {  	s16 =	sand.u32 $0xFFFFF800, s19;
	s0 =	sand.u32 $0x380, s0;
	s12 =	spop (v2sf)  }
0x197: {  	s6 =	sshrl.u32 s6, $0x3;
	s14 =	sand.u32 $0xFFFFF800, s17;
	s17 =	sand.u32 $0xFFFFF800, s31  }
0x198: {  	s4 =	sand.u32 $0x380, s4;
	s31 =	sshrl.u32 s8, $0x3;
	s0 =	sor.u32 s0, s16  }
0x199: {  	s16 =	rddreg [dreg:$0x1a];
	s18 =	sshll.u32 s12, $0x8;
	s4 =	sor.u32 s4, s14  }
0x19a: {  	s21 =	sshll.u32 s12, $0x7;
	s12 =	sshll.u32 s28, $0x8;
	s14 =	simm.s32 $0x0  }
0x19b: {  	s28 =	simm.s32 $0x3800;
	s0 =	sadd.s32 s0, s15;
	s4 =	sadd.s32 s4, s15  }
0x19c: {  	[tilespmem:s28], [sflag:$0x1] =	stream.linear.gather [hbm4b:s2+s14], $0x80, $0x38;
	[tilespmem:$0x5200] =	vst v63  }
0x19d: {  	s8 =	sand.u32 $0x380, s21;
	s21 =	sand.u32 $0xFFFFF800, s18;
	s28 =	sadd.s32 s3, s15  }
0x19e: {  	s18 =	sor.u32 s30, s17;
	s0 =	sshrl.u32 s0, $0x3;
	s30 =	rddreg [dreg:$0x1b]  }
0x19f: {  	s17 =	rddreg [dreg:$0x19];
	s13 =	sor.u32 s8, s21;
	s8 =	sadd.s32 s18, s15  }
0x1a0: {  	s2 =	sshrl.u32 s28, $0x3;
	s21 =	rddreg [dreg:$0x1f];
	s4 =	sshrl.u32 s4, $0x3  }
0x1a1: {  	(v2sf) =	vpush v1, $0xF;
	[tilespmem:s26], [sflag:$0x1] =	stream.linear.gather [hbm4b:s20+s14], $0x80, $0x38;
	[tilespmem:$0x5200] =	vst v63  }
0x1a2: {  	s0 =	sadd.s32 s22, s0;
	s3 =	sadd.s32 s13, s15;
	s26 =	rddreg [dreg:$0x1c]  }
0x1a3: {  	[tilespmem:s25], [sflag:$0x1] =	stream.linear.gather [hbm4b:s7+s14], $0x80, $0x38;
	[tilespmem:$0x5200] =	vst v63  }
0x1a4: {  	s20 =	sshrl.u32 s8, $0x3;
	s13 =	rddreg [dreg:$0x1d];
	s25 =	sand.u32 $0xFFFFF800, s12  }
0x1a5: {  	[tilespmem:s21], [sflag:$0x1] =	stream.linear.gather [hbm4b:s10+s14], $0x80, $0x38;
	[tilespmem:$0x5200] =	vst v63  }
0x1a6: {  	s7 =	sadd.s32 s22, s20;
	s28 =	sor.u32 s29, s25;
	s29 =	rddreg [dreg:$0x1e]  }
0x1a7: {  	[tilespmem:s26], [sflag:$0x1] =	stream.linear.gather [hbm4b:s7+s14], $0x80, $0x38;
	[tilespmem:$0x5200] =	vst v63  }
0x1a8: {  	s18 =	sadd.s32 s22, s4;
	s3 =	sshrl.u32 s3, $0x3;
	s25 =	rddreg [dreg:$0x18]  }
0x1a9: {  	[tilespmem:s30], [sflag:$0x1] =	stream.linear.gather [hbm4b:s5+s14], $0x80, $0x38;
	[tilespmem:$0x5200] =	vst v63  }
0x1aa: {  	s8 =	sand.u32 $0x380, s29;
	s10 =	sadd.s32 s22, s6;
	s12 =	sadd.s32 s28, s15  }
0x1ab: {  	[tilespmem:s16], [sflag:$0x1] =	stream.linear.gather [hbm4b:s10+s14], $0x80, $0x38;
	[tilespmem:$0x5200] =	vst v63  }
0x1ac: {  	s7 =	sand.u32 $0xFFFFF800, s13;
	s26 =	sadd.s32 s22, s2;
	s13 =	sadd.s32 s22, s3  }
0x1ad: {  	[tilespmem:s17], [sflag:$0x1] =	stream.linear.gather [hbm4b:s1+s14], $0x80, $0x38;
	[tilespmem:$0x5200] =	vst v63  }
0x1ae: {  	s20 =	sor.u32 s8, s7;
	s5 =	sshrl.u32 s12, $0x3;
	s30 =	rddreg [dreg:$0x17]  }
0x1af: {  	[tilespmem:s25], [sflag:$0x1] =	stream.linear.gather [hbm4b:s18+s14], $0x80, $0x38;
	[tilespmem:$0x5200] =	vst v63  }
0x1b0: {  	s28 =	sadd.s32 s20, s15;
	s12 =	rddreg [dreg:$0x16];
	s21 =	spop (v2sf)  }
0x1b1: {  	[tilespmem:s30], [sflag:$0x1] =	stream.linear.gather [hbm4b:s26+s14], $0x80, $0x38;
	[tilespmem:$0x5200] =	vst v63  }
0x1b2: {  	s20 =	rddreg [dreg:$0x10];
	s29 =	sshll.u32 s21, $0x7;
	s10 =	sshll.u32 s21, $0x8  }
0x1b3: {  	[tilespmem:s12], [sflag:$0x1] =	stream.linear.gather [hbm4b:s0+s14], $0x80, $0x38;
	[tilespmem:$0x5200] =	vst v63  }
0x1b4: {  	s17 =	rddreg [dreg:$0x15];
	s16 =	sand.u32 $0x380, s29;
	s2 =	sand.u32 $0xFFFFF800, s10  }
0x1b5: {  	[tilespmem:s17], [sflag:$0x1] =	stream.linear.gather [hbm4b:s13+s14], $0x80, $0x38;
	[tilespmem:$0x5200] =	vst v63  }
0x1b6: {  	s21 =	rddreg [dreg:$0x14];
	s18 =	sadd.s32 s22, s31;
	s2 =	sor.u32 s16, s2  }
0x1b7: {  	[tilespmem:s21], [sflag:$0x1] =	stream.linear.gather [hbm4b:s18+s14], $0x80, $0x38;
	[tilespmem:$0x5200] =	vst v63  }
0x1b8: {  	s8 =	sshrl.u32 s28, $0x3;
	s25 =	sadd.s32 s22, s5;
	s2 =	sadd.s32 s2, s15  }
0x1b9: {  	[tilespmem:s20], [sflag:$0x1] =	stream.linear.gather [hbm4b:s25+s14], $0x80, $0x38;
	[tilespmem:$0x5200] =	vst v63  }
0x1ba: {  	s28 =	sadd.s32 s22, s8;
	s26 =	rddreg [dreg:$0x11];
	s29 =	sshrl.u32 s2, $0x3  }
0x1bb: {  	[tilespmem:s26], [sflag:$0x1] =	stream.linear.gather [hbm4b:s28+s14], $0x80, $0x38;
	[tilespmem:$0x5200] =	vst v63  }
0x1bc: {  	s30 =	rddreg [dreg:$0x12];
	s31 =	sadd.s32 s22, s29  }
0x1bd: {  	[tilespmem:s30], [sflag:$0x1] =	stream.linear.gather [hbm4b:s31+s14], $0x80, $0x38;
	[tilespmem:$0x5200] =	vst v63  }
0x1be: {  	s0 =	rddreg [dreg:$0x13];
	_ =	swait.ge [sflag:s9], $0x80  }
0x1bf: {  	[sflag:s9] =	ssyncset.done $0x0  }
0x1c0: {  	[sflag:s9] =	ssyncadd.s32 $0xFFFFFF80  }
0x1c1: {  	_ =	swait.ge [sflag:s9], $0x80  }
0x1c2: {  	[sflag:s9] =	ssyncset.done $0x0  }
0x1c3: {  	[sflag:s9] =	ssyncadd.s32 $0xFFFFFF80  }
0x1c4: {  	_ =	swait.ge [sflag:s9], $0x80  }
0x1c5: {  	[sflag:s9] =	ssyncset.done $0x0  }
0x1c6: {  	[sflag:s9] =	ssyncadd.s32 $0xFFFFFF80  }
0x1c7: {  	_ =	swait.ge [sflag:s9], $0x80  }
0x1c8: {  	[sflag:s9] =	ssyncset.done $0x0  }
0x1c9: {  	[sflag:s9] =	ssyncadd.s32 $0xFFFFFF80  }
0x1ca: {  	_ =	swait.ge [sflag:s9], $0x80  }
0x1cb: {  	[sflag:s9] =	ssyncset.done $0x0  }
0x1cc: {  	[sflag:s9] =	ssyncadd.s32 $0xFFFFFF80  }
0x1cd: {  	_ =	swait.ge [sflag:s9], $0x80  }
0x1ce: {  	[sflag:s9] =	ssyncset.done $0x0  }
0x1cf: {  	[sflag:s9] =	ssyncadd.s32 $0xFFFFFF80  }
0x1d0: {  	p0 =	sne.s32 s11, $0x2E63000;
	_ =	swait.ge [sflag:s9], $0x80  }
.Ltmp0:
0x1d1: {  	[sflag:s9] =	ssyncset.done $0x0;
	(pc) =	sbr.rel @p0 .LBB2_1-.Ltmp0, $4  }
0x1d2: {  	[sflag:s9] =	ssyncadd.s32 $0xFFFFFF80  }
0x1d3: {  	_ =	swait.ge [sflag:s9], $0x80  }
0x1d4: {  	[sflag:s9] =	ssyncset.done $0x0  }
0x1d5: {  	s11 =	sadd.s32 $0x271000, s11;
	s19 =	simm.s32 $0x3800;
	[sflag:s9] =	ssyncadd.s32 $0xFFFFFF80  }
0x1d6: {  	_ =	swait.ge [sflag:s9], $0x80  }
0x1d7: {  	[sflag:s9] =	ssyncset.done $0x0  }
0x1d8: {  	[sflag:s9] =	ssyncadd.s32 $0xFFFFFF80  }
0x1d9: {  	_ =	swait.ge [sflag:s9], $0x80  }
0x1da: {  	[sflag:s9] =	ssyncset.done $0x0  }
0x1db: {  	[sflag:s9] =	ssyncadd.s32 $0xFFFFFF80  }
0x1dc: {  	_ =	swait.ge [sflag:s9], $0x80  }
0x1dd: {  	[sflag:s9] =	ssyncset.done $0x0  }
0x1de: {  	[sflag:s9] =	ssyncadd.s32 $0xFFFFFF80  }
0x1df: {  	_ =	swait.ge [sflag:s9], $0x80  }
0x1e0: {  	[sflag:s9] =	ssyncset.done $0x0  }
0x1e1: {  	[sflag:s9] =	ssyncadd.s32 $0xFFFFFF80  }
0x1e2: {  	_ =	swait.ge [sflag:s9], $0x80  }
0x1e3: {  	[sflag:s9] =	ssyncset.done $0x0  }
0x1e4: {  	[sflag:s9] =	ssyncadd.s32 $0xFFFFFF80  }
0x1e5: {  	_ =	swait.ge [sflag:s9], $0x80  }
0x1e6: {  	[sflag:s9] =	ssyncset.done $0x0  }
0x1e7: {  	[sflag:s9] =	ssyncadd.s32 $0xFFFFFF80  }
0x1e8: {  	_ =	swait.ge [sflag:s9], $0x80  }
0x1e9: {  	[sflag:s9] =	ssyncset.done $0x0  }
0x1ea: {  	[sflag:s9] =	ssyncadd.s32 $0xFFFFFF80  }
0x1eb: {  	_ =	swait.ge [sflag:s9], $0x80  }
0x1ec: {  	[sflag:s9] =	ssyncset.done $0x0  }
0x1ed: {  	[sflag:s9] =	ssyncadd.s32 $0xFFFFFF80  }
0x1ee: {  	v0 =	vld.idx.msk [tilespmem:v0+s19+$0x0], $0xffff  }
0x1ef: {  	v1 =	vld [tilespmem:s0+$0x0];
	_ =	sdelay $0x1  }
0x1f0: {  	v2 =	vld [tilespmem:$0x5180];
	_ =	sdelay $0x2  }
0x1f1: {  	v0 =	vmul.f32 v1, v0;
	_ =	sdelay $0x1  }
0x1f2: {  	s5 =	sld [smem:$0x7FC];
	v0 =	vadd.f32 v0, v2  }
0x1f3: {  	s4 =	stileid.u32  }
0x1f4: {  	s2 =	simm.s32 $0x0;
	s31 =	sshll.u32 s4, $0x5;
	[tilespmem:$0x5180] =	vst v0  }
0x1f5: {  	s1 =	simm.s32 $0x4000;
	s3 =	simm.s32 $0x2;
	s0 =	sadd.s32 s5, s31;
	[tilespmem:$0x4000] =	vst v0  }
0x1f6: {  	[hbm4b:s0+s2] =	stream.linear.scatter [tilespmem:s1], [sflag:$0x2], $0x100, $0x38;
	[tilespmem:$0x5200] =	vst v63  }
0x1f7: {  	_ =	swait.ge [sflag:s3], $0x100  }
0x1f8: {  	[sflag:s3] =	ssyncset.done $0x0  }
0x1f9: {  	[sflag:s3] =	ssyncadd.s32 $0xFFFFFF00  }
0x1fa: {  	p0 =	sne.s32 s4, $0x0;
	[bflag:$0x0] =	sbarrier.arrive $0xFFFF  }
0x1fb: {  	_ =	sfence.sel @p0 $0x180000  }
0x1fc: {  	[bflag:$0x0] =	sbarrier.arrive @p0 $0xFFFF  }
0x1fd: {  	_ =	strace @p0 $0x90000047  }
0x1fe: {  	[bflag:$0x2] =	sbarrier.arrive @p0 $0xFFFF  }
0x1ff: {  	_ =	shalt @p0  }
.LBB2_3:
0x200: {  	s0 =	simm.s32 $0x4100  }
0x201: {  	[tilespmem:s0], [sflag:$0x2] =	stream.linear.gather [hbm4b:s5+s2], $0x1000, $0x38;
	[tilespmem:$0x5200] =	vst v63  }
0x202: {  	_ =	swait.ge [sflag:s3], $0x1000  }
0x203: {  	[sflag:s3] =	ssyncset.done $0x0  }
0x204: {  	[sflag:s3] =	ssyncadd.s32 $0xFFFFF000  }
0x205: {  	v0 =	vld [tilespmem:$0x4100]  }
0x206: {  	v1 =	vld [tilespmem:$0x4180]  }
0x207: {  	v2 =	vld [tilespmem:$0x4200]  }
0x208: {  	v3 =	vld [tilespmem:$0x4280]  }
0x209: {  	v4 =	vld [tilespmem:$0x4300]  }
0x20a: {  	v5 =	vld [tilespmem:$0x4380];
	v0 =	vadd.f32 $0.0e+00, v0  }
0x20b: {  	v6 =	vld [tilespmem:$0x4400];
	v1 =	vadd.f32 $0.0e+00, v1  }
0x20c: {  	v39 =	vld [tilespmem:$0x4480];
	v0 =	vadd.f32 v2, v0  }
0x20d: {  	v40 =	vld [tilespmem:$0x4500];
	v1 =	vadd.f32 v3, v1  }
0x20e: {  	v41 =	vld [tilespmem:$0x4580];
	v0 =	vadd.f32 v4, v0  }
0x20f: {  	v42 =	vld [tilespmem:$0x4600];
	v1 =	vadd.f32 v5, v1  }
0x210: {  	v43 =	vld [tilespmem:$0x4680];
	v0 =	vadd.f32 v6, v0  }
0x211: {  	v44 =	vld [tilespmem:$0x4700];
	v1 =	vadd.f32 v39, v1  }
0x212: {  	v45 =	vld [tilespmem:$0x4780];
	v0 =	vadd.f32 v40, v0  }
0x213: {  	v46 =	vld [tilespmem:$0x4800];
	v1 =	vadd.f32 v41, v1  }
0x214: {  	v47 =	vld [tilespmem:$0x4880];
	v0 =	vadd.f32 v42, v0  }
0x215: {  	v48 =	vld [tilespmem:$0x4900];
	v1 =	vadd.f32 v43, v1  }
0x216: {  	v49 =	vld [tilespmem:$0x4980];
	v0 =	vadd.f32 v44, v0  }
0x217: {  	v50 =	vld [tilespmem:$0x4A00];
	v1 =	vadd.f32 v45, v1  }
0x218: {  	v51 =	vld [tilespmem:$0x4A80];
	v0 =	vadd.f32 v46, v0  }
0x219: {  	v52 =	vld [tilespmem:$0x4B00];
	v1 =	vadd.f32 v47, v1  }
0x21a: {  	v53 =	vld [tilespmem:$0x4B80];
	v0 =	vadd.f32 v48, v0  }
0x21b: {  	v54 =	vld [tilespmem:$0x4C00];
	v1 =	vadd.f32 v49, v1  }
0x21c: {  	v55 =	vld [tilespmem:$0x4C80];
	v0 =	vadd.f32 v50, v0  }
0x21d: {  	v56 =	vld [tilespmem:$0x4D00];
	v1 =	vadd.f32 v51, v1  }
0x21e: {  	v57 =	vld [tilespmem:$0x4D80];
	v0 =	vadd.f32 v52, v0  }
0x21f: {  	v58 =	vld [tilespmem:$0x4E00];
	v1 =	vadd.f32 v53, v1  }
0x220: {  	v59 =	vld [tilespmem:$0x4E80];
	v0 =	vadd.f32 v54, v0  }
0x221: {  	v60 =	vld [tilespmem:$0x4F00];
	v1 =	vadd.f32 v55, v1  }
0x222: {  	v61 =	vld [tilespmem:$0x4F80];
	v0 =	vadd.f32 v56, v0  }
0x223: {  	v62 =	vld [tilespmem:$0x5000];
	v1 =	vadd.f32 v57, v1  }
0x224: {  	v63 =	vld [tilespmem:$0x5080];
	v0 =	vadd.f32 v58, v0  }
0x225: {  	v1 =	vadd.f32 v59, v1  }
0x226: {  	v0 =	vadd.f32 v60, v0  }
0x227: {  	v1 =	vadd.f32 v61, v1  }
0x228: {  	v0 =	vadd.f32 v62, v0  }
0x229: {  	v1 =	vadd.f32 v63, v1  }
0x22a: {  	(xrf2) =	vadd.scan.msk.f32 $0xffff, v0  }
0x22b: {  	(xrf2) =	vadd.scan.msk.f32 $0xffff, v1;
	_ =	sdelay $0x8  }
0x22c: {  	v0, _, _ =	vpop (xrf2)  }
0x22d: {  	v1, _, _ =	vpop (xrf2)  }
0x22e: {  	(erf) = vrcp.f32 v1;
	_ =	sdelay $0x8  }
0x22f: {  	v1 =	vpop (erf)  }
0x230: {  	v0 =	vmul.f32 v1, v0;
	_ =	sdelay $0x1  }
0x231: {  	s1 =	sld [smem:$0x7FD];
	v0 =	vsub.f32 $0.0e+00, v0;
	_ =	sdelay $0x1  }
0x232: {  	s30 =	simm.s32 $0x5100;
	[tilespmem:$0x5100] =	vst v0  }
0x233: {  	[hbm4b:s1+s2] =	stream.linear.scatter [tilespmem:s30], [sflag:$0x2], $0x80, $0x38;
	[tilespmem:$0x5200] =	vst v63  }
0x234: {  	_ =	swait.ge [sflag:s3], $0x80  }
0x235: {  	[sflag:s3] =	ssyncset.done $0x0  }
0x236: {  	[sflag:s3] =	ssyncadd.s32 $0xFFFFFF80  }
0x237: {  	_ =	sfence.sel $0x180000  }
0x238: {  	[bflag:$0x0] =	sbarrier.arrive $0xFFFF  }
0x239: {  	_ =	strace $0x90000047  }
0x23a: {  	[bflag:$0x2] =	sbarrier.arrive $0xFFFF  }
0x23b: {  	s31 =	rddreg [dreg:$0x2]  }
0x23c: {  	s0 =	sadd.s32 $0x100000, s31  }
0x23d: {  	[sflag:s0] =	ssyncadd.tile.s32 $0x1;
	_ =	shalt  }
.Lfunc_end2:
_tile_overlayer_lowered:
.L_overlay_start_2:
0x23e: {  	(tag) =	ssettag $0x2  }
0x23f: {  	s0 =	rddreg [dreg:$0x0];
	s2 =	stileid.u32  }
0x240: {  	s1 =	rddreg [dreg:$0x1];
	p0 =	sne.s32 s2, $0x0  }
0x241: {  	s3 =	rddreg [dreg:$0x2];
	[bflag:$0x3] =	sbarrier.arrive $0xFFFF;
	s2 =	simm.s32 @!p0 $0x1C02  }
0x242: {  	[timem:s3], [sflag:s2] =	dma.local @!p0 [hbm:s0], s1  }
0x243: {  	s0 =	simm.s32 @!p0 $0x2  }
0x244: {  	_ =	swait.ge @!p0 [sflag:s0], s1  }
0x245: {  	s1 =	ssub.s32 @!p0 $0x0, s1;
	[sflag:s0] =	ssyncset.done @!p0 $0x0  }
0x246: {  	[sflag:s0] =	ssyncadd.s32 @!p0 s1  }
0x247: {  	[bflag:$0x3] =	sbarrier.arrive $0xFFFF  }
0x248: {  	_ =	shalt  }

</sc_bundles>
